<compile_context>
chip_gen: v7x
topology: tpu7x:2x2x1
jax: 0.10.2.dev20260603
libtpu: 0.0.44.dev20260713+nightly
codegen_flags: <defaults>
</compile_context>

<pallas_src>
import jax
import jax.numpy as jnp
from jax import lax
from jax.experimental import pallas as pl
from jax.experimental.pallas import tpu as pltpu
from jax.experimental.pallas import tpu_sc as plsc

_NDIM = 128
_GDIM = 128
_HID = 64
_B = 100
_IDX = 100
_N = _B * _IDX
_NA = 8
_ALPHA = 0.5

_NPAD = 10112
_RPT = 632
_K = 128
_EPT = 20352
_EPAD = 16 * _EPT
_E = 320000
_CHUNKS = _EPT // _K
_G = 3
_GROUPS = _CHUNKS // _G

_ROWS_BLK = 1000
_GRID = _N // _ROWS_BLK


def _dot(a, b):
    return jnp.dot(a, b, preferred_element_type=jnp.float32)



def _make_sc_scatter(do_deg):
    mesh = plsc.VectorSubcoreMesh(core_axis_name="c", subcore_axis_name="s")
    out_type = [jax.ShapeDtypeStruct((2 * _NPAD, _NDIM), jnp.float32)]
    scratch = [
        pltpu.VMEM((_G, 2, _K), jnp.int32),
        pltpu.VMEM((_G, _K, _NDIM), jnp.float32),
        pltpu.VMEM_SHARED((_NPAD, _NDIM), jnp.float32),
        pltpu.SemaphoreType.DMA,
        pltpu.SemaphoreType.DMA,
    ]
    if do_deg:
        out_type.append(jax.ShapeDtypeStruct((2 * _NPAD, _NDIM), jnp.float32))

    def body(*refs):
        if do_deg:
            (tab, idx3, z128, ones128, s_out, deg_out,
             idxb, rows, acc, sem_g, sem_s) = refs
        else:
            (tab, idx3, z128, s_out,
             idxb, rows, acc, sem_g, sem_s) = refs
        cc = lax.axis_index("c")
        ss = lax.axis_index("s")
        rbase = ss * _RPT
        obase = cc * _NPAD + rbase
        irow0 = cc * (_EPAD // _K) + ss * _CHUNKS

        def drain_scatters():
            for u in range(_G):
                pltpu.make_async_copy(z128.at[pl.ds(0, _K)], rows.at[u],
                                      sem_s).wait()

        pltpu.sync_copy(z128, acc.at[pl.ds(rbase, _RPT)])
        if do_deg:
            pltpu.sync_copy(ones128, rows.at[0])
        plsc.subcore_barrier()

        if do_deg:
            def dgroup(g, carry):
                @pl.when(g > 0)
                def _():
                    drain_scatters()
                pltpu.sync_copy(idx3.at[pl.ds(irow0 + g * _G, _G)], idxb)
                for u in range(_G):
                    pltpu.async_copy(rows.at[0], acc.at[idxb.at[u, 1]],
                                     sem_s, add=True)
                return carry
            lax.fori_loop(0, _GROUPS, dgroup, 0)
            drain_scatters()
            plsc.subcore_barrier()
            pltpu.sync_copy(acc.at[pl.ds(rbase, _RPT)],
                            deg_out.at[pl.ds(obase, _RPT)])
            pltpu.sync_copy(z128, acc.at[pl.ds(rbase, _RPT)])
            plsc.subcore_barrier()

        def group(g, carry):
            @pl.when(g > 0)
            def _():
                drain_scatters()
            pltpu.sync_copy(idx3.at[pl.ds(irow0 + g * _G, _G)], idxb)
            dg = [pltpu.async_copy(tab.at[idxb.at[u, 0]], rows.at[u], sem_g)
                  for u in range(_G)]
            for d in dg:
                d.wait()
            for u in range(_G):
                pltpu.async_copy(rows.at[u], acc.at[idxb.at[u, 1]], sem_s,
                                 add=True)
            return carry

        lax.fori_loop(0, _GROUPS, group, 0)
        drain_scatters()
        plsc.subcore_barrier()
        pltpu.sync_copy(acc.at[pl.ds(rbase, _RPT)],
                        s_out.at[pl.ds(obase, _RPT)])

    return pl.kernel(body, mesh=mesh, out_type=out_type, scratch_types=scratch)


def _sc_layer1(tab, idx3, z128, ones128):
    res = _make_sc_scatter(True)(tab, idx3, z128, ones128)
    return res[0], res[1]


def _sc_layer2(tab, idx3, z128):
    res = _make_sc_scatter(False)(tab, idx3, z128)
    return res[0] if isinstance(res, (list, tuple)) else res



def _full_spec(arr):
    return pl.BlockSpec(arr.shape, lambda i: tuple(0 for _ in arr.shape))


def _row_spec(ncols):
    return pl.BlockSpec((_ROWS_BLK, ncols), lambda i: (i, 0))


def _gru(x, h, p):
    (wxr, whr, bir, bhr, wxz, whz, biz, bhz, wxn, whn, bin_, bhn) = p
    r = jax.nn.sigmoid(_dot(x, wxr) + bir + _dot(h, whr) + bhr)
    z = jax.nn.sigmoid(_dot(x, wxz) + biz + _dot(h, whz) + bhz)
    n = jnp.tanh(_dot(x, wxn) + bin_ + r * (_dot(h, whn) + bhn))
    return (1.0 - z) * n + z * h


def _pre_body(hf, hb, wlf, wlb, a_out):
    a_out[0] = _dot(hf[...], wlf[...])
    a_out[1] = _dot(hb[...], wlb[...])


def _mid_body(*refs):
    hf, hb, sf, sb, dgf, dgb = refs[:6]
    fw = refs[6:21]
    bw = refs[21:36]
    hf2o, hb2o, af2o = refs[36:39]

    def side(h_ref, s_ref, dg_ref, pr, h2o, a2o, plane):
        h = h_ref[...]
        deg = dg_ref[...][:, 0:1]
        wrT, mb = pr[0][...], pr[1][...]
        aggr = s_ref[...] + deg * (_dot(h, wrT) + mb)
        gru_p = [r[...] for r in pr[2:14]]
        h2 = _gru(aggr, h, gru_p)
        h2o[...] = h2
        a2o[plane] = _dot(h2, pr[14][...])

    side(hf, sf, dgf, fw, hf2o, af2o, 0)
    side(hb, sb, dgb, bw, hb2o, af2o, 1)


def _post_body(*refs):
    hf, hb, sf, sb, dgf, dgb = refs[:6]
    fw = refs[6:20]
    bw = refs[20:34]
    (fm1, fb1, gm1, gb1, fm2, fb2, gm2, gb2, waT) = refs[34:43]
    hno, u1o, u2o, hao = refs[43:47]

    def side(h_ref, s_ref, dg_ref, pr):
        h = h_ref[...]
        deg = dg_ref[...][:, 0:1]
        wrT, mb = pr[0][...], pr[1][...]
        aggr = s_ref[...] + deg * (_dot(h, wrT) + mb)
        gru_p = [r[...] for r in pr[2:14]]
        return _gru(aggr, h, gru_p)

    hf3 = side(hf, sf, dgf, fw)
    hb3 = side(hb, sb, dgb, bw)
    hn = jnp.concatenate([hf3, hb3], axis=1)
    hno[...] = hn
    u1o[...] = (_dot(hn, fm1[...]) + fb1[...]) * jax.nn.sigmoid(
        _dot(hn, gm1[...]) + gb1[...])
    u2o[...] = (_dot(hn, fm2[...]) + fb2[...]) * jax.nn.sigmoid(
        _dot(hn, gm2[...]) + gb2[...])
    hao[...] = _dot(hn, waT[...])


def _tail_body(u1, u2, ha, rm, ttile, trep, c, onehot, edges_flat,
               fanWgT, fanWcT, fanb, fan2T, fan2b, ninits,
               fin_eT, fin_gT, fin_cT, finb, fin2T, fin2b,
               wbT, wcT, wdT, fs1b, fs2T, fs2b,
               loss_o, hv_o):
    R = rm[...]
    hg = _dot(R, u1[...])
    hgi = _dot(R, u2[...])
    cv = c[...]
    s = _dot(hg, fanWgT[...]) + _dot(cv, fanWcT[...]) + fanb[...]
    ns = _dot(jax.nn.relu(s), fan2T[...]) + fan2b[...]
    m = jnp.max(ns, axis=1, keepdims=True)
    logp = ns - m - jnp.log(jnp.sum(jnp.exp(ns - m), axis=1, keepdims=True))
    oh = onehot[...]
    node_loss = -jnp.sum(logp * oh, axis=1, keepdims=True)
    e = _dot(oh, ninits[...])
    t = jax.nn.relu(_dot(e, fin_eT[...]) + _dot(hgi, fin_gT[...]) +
                    _dot(cv, fin_cT[...]) + finb[...])
    hv = _dot(t, fin2T[...]) + fin2b[...]
    hv_o[...] = hv
    P = _dot(hg, wcT[...]) + _dot(cv, wdT[...]) + fs1b[...]
    Q = _dot(hv, wbT[...])
    s2 = ha[...] + _dot(ttile[...], P) + _dot(trep[...], Q)
    es = _dot(jax.nn.relu(s2), fs2T[...]) + fs2b[...]
    ev = edges_flat[...]
    bce = (jnp.maximum(es, 0.0) - es * ev +
           jnp.log(1.0 + jnp.exp(-jnp.abs(es))))
    edge_loss = _dot(R, bce) * (1.0 / _IDX)
    loss_o[...] = 2.0 * ((1.0 - _ALPHA) * node_loss + _ALPHA * edge_loss)



def _prep_layer(p):
    wih, whh = p['Wih'], p['Whh']
    bih, bhh = p['bih'], p['bhh']
    return [
        p['msg_W'][:, _HID:].T,
        p['msg_b'][None, :],
        wih[0:_HID].T, whh[0:_HID].T,
        bih[None, 0:_HID], bhh[None, 0:_HID],
        wih[_HID:2 * _HID].T, whh[_HID:2 * _HID].T,
        bih[None, _HID:2 * _HID], bhh[None, _HID:2 * _HID],
        wih[2 * _HID:].T, whh[2 * _HID:].T,
        bih[None, 2 * _HID:], bhh[None, 2 * _HID:],
    ]


def kernel(h, c, edge_index, node_atts, edges, params):
    f32 = jnp.float32
    h_flat = h.reshape(_N, _NDIM)
    h_f = h_flat[:, :_HID]
    h_b = h_flat[:, _HID:]

    pad_src = jnp.zeros((_EPAD - _E,), jnp.int32)
    pad_dst = jnp.full((_EPAD - _E,), _N, jnp.int32)
    srcf = jnp.concatenate([edge_index[0], pad_src])
    dstf = jnp.concatenate([edge_index[1], pad_dst])
    srcb = jnp.concatenate([edge_index[1], pad_src]) + _N
    dstb = jnp.concatenate([edge_index[0], pad_dst])
    src_all = jnp.concatenate([srcf, srcb]).reshape(2 * _EPAD // _K, _K)
    dst_all = jnp.concatenate([dstf, dstb]).reshape(2 * _EPAD // _K, _K)
    idx3 = jnp.stack([src_all, dst_all], axis=1)

    z128 = jnp.zeros((_RPT, _NDIM), f32)
    ones128 = jnp.ones((_K, _NDIM), f32)

    fl1, fl2 = params['fwd_layers']
    bl1, bl2 = params['bwd_layers']
    wl_f1 = fl1['msg_W'][:, :_HID].T
    wl_b1 = bl1['msg_W'][:, :_HID].T
    wl_f2 = fl2['msg_W'][:, :_HID].T
    wl_b2 = bl2['msg_W'][:, :_HID].T

    a1 = pl.pallas_call(
        _pre_body,
        grid=(_GRID,),
        in_specs=[_row_spec(_HID), _row_spec(_HID),
                  _full_spec(wl_f1), _full_spec(wl_b1)],
        out_specs=pl.BlockSpec((2, _ROWS_BLK, _NDIM), lambda i: (0, i, 0)),
        out_shape=jax.ShapeDtypeStruct((2, _N, _NDIM), f32),
    )(h_f, h_b, wl_f1, wl_b1)

    s1, deg = _sc_layer1(a1.reshape(2 * _N, _NDIM), idx3, z128, ones128)
    s_f1, s_b1 = s1[:_N], s1[_NPAD:_NPAD + _N]
    deg_f, deg_b = deg[:_N], deg[_NPAD:_NPAD + _N]

    mid_params = ([h_f, h_b, s_f1, s_b1, deg_f, deg_b]
                  + _prep_layer(fl1) + [wl_f2]
                  + _prep_layer(bl1) + [wl_b2])
    mid_specs = ([_row_spec(_HID), _row_spec(_HID),
                  _row_spec(_NDIM), _row_spec(_NDIM),
                  _row_spec(_NDIM), _row_spec(_NDIM)]
                 + [_full_spec(a) for a in mid_params[6:]])
    h_f2, h_b2, a2 = pl.pallas_call(
        _mid_body,
        grid=(_GRID,),
        in_specs=mid_specs,
        out_specs=[_row_spec(_HID), _row_spec(_HID),
                   pl.BlockSpec((2, _ROWS_BLK, _NDIM), lambda i: (0, i, 0))],
        out_shape=[jax.ShapeDtypeStruct((_N, _HID), f32),
                   jax.ShapeDtypeStruct((_N, _HID), f32),
                   jax.ShapeDtypeStruct((2, _N, _NDIM), f32)],
    )(*mid_params)

    s2 = _sc_layer2(a2.reshape(2 * _N, _NDIM), idx3, z128)
    s_f2, s_b2 = s2[:_N], s2[_NPAD:_NPAD + _N]

    ge, gei = params['graph_emb'], params['graph_emb_init']
    wa_T = params['fs1_W'][:, :_NDIM].T
    post_params = ([h_f2, h_b2, s_f2, s_b2, deg_f, deg_b]
                   + _prep_layer(fl2) + _prep_layer(bl2)
                   + [ge['fm_W'].T, ge['fm_b'][None, :],
                      ge['gm_W'].T, ge['gm_b'][None, :],
                      gei['fm_W'].T, gei['fm_b'][None, :],
                      gei['gm_W'].T, gei['gm_b'][None, :],
                      wa_T])
    post_specs = ([_row_spec(_HID), _row_spec(_HID),
                   _row_spec(_NDIM), _row_spec(_NDIM),
                   _row_spec(_NDIM), _row_spec(_NDIM)]
                  + [_full_spec(a) for a in post_params[6:]])
    hn, u1, u2, ha = pl.pallas_call(
        _post_body,
        grid=(_GRID,),
        in_specs=post_specs,
        out_specs=[_row_spec(_NDIM), _row_spec(_GDIM),
                   _row_spec(_GDIM), _row_spec(2 * _GDIM)],
        out_shape=[jax.ShapeDtypeStruct((_N, _NDIM), f32),
                   jax.ShapeDtypeStruct((_N, _GDIM), f32),
                   jax.ShapeDtypeStruct((_N, _GDIM), f32),
                   jax.ShapeDtypeStruct((_N, 2 * _GDIM), f32)],
    )(*post_params)

    eye = jnp.eye(_IDX, dtype=f32)
    t_tile = jnp.tile(eye, (_B, 1))
    t_rep = jnp.repeat(eye, _IDX, axis=0)
    rm = t_rep.T
    onehot = jax.nn.one_hot(node_atts, _NA, dtype=f32)
    edges_flat = edges.reshape(_N, 1)
    fan_W, fs1_W = params['fan_W'], params['fs1_W']
    tail_in = [u1, u2, ha, rm, t_tile, t_rep, c, onehot, edges_flat,
               fan_W[:, :_GDIM].T, fan_W[:, _GDIM:].T,
               params['fan_b'][None, :],
               params['fan2_W'].T, params['fan2_b'][None, :],
               params['node_inits'],
               params['finit_W'][:, :_NDIM].T,
               params['finit_W'][:, _NDIM:_NDIM + _GDIM].T,
               params['finit_W'][:, _NDIM + _GDIM:].T,
               params['finit_b'][None, :],
               params['finit2_W'].T, params['finit2_b'][None, :],
               fs1_W[:, _NDIM:_NDIM + _GDIM].T,
               fs1_W[:, _NDIM + _GDIM:_NDIM + 2 * _GDIM].T,
               fs1_W[:, _NDIM + 2 * _GDIM:].T,
               params['fs1_b'][None, :],
               params['fs2_W'].T, params['fs2_b'][None, :]]
    loss2d, h_v = pl.pallas_call(
        _tail_body,
        out_shape=[jax.ShapeDtypeStruct((_B, 1), f32),
                   jax.ShapeDtypeStruct((_B, _NDIM), f32)],
    )(*tail_in)

    h_out = jnp.concatenate([hn.reshape(_B, _IDX, _NDIM), h_v[:, None, :]],
                            axis=1)
    return (h_out, loss2d[:, 0])

# --- scband reference (transcript-rebuilt; emitter-appended) ---
"""Pipeline reference for scband-generator-25563645346113 (READ-ONLY COPY).

The authoritative reference and input builder live on the scoring server;
editing this copy changes nothing except your own understanding.
"""

import jax, jax.numpy as jnp
import numpy as np

NDIM = 128
GDIM = 128
NUM_LAYERS = 2
NUM_NODE_ATTS = 8
ALPHA = 0.5
B = 100
IDX = 100
E = 320000
N = B * IDX
HID = NDIM // 2


def _linear(x, W, b):
    return x @ W.T + b


def _gru_cell(x, h, Wih, Whh, bih, bhh):
    gi = x @ Wih.T + bih
    gh = h @ Whh.T + bhh
    i_r, i_z, i_n = jnp.split(gi, 3, axis=1)
    h_r, h_z, h_n = jnp.split(gh, 3, axis=1)
    r = jax.nn.sigmoid(i_r + h_r)
    z = jax.nn.sigmoid(i_z + h_z)
    n = jnp.tanh(i_n + r * h_n)
    return (1.0 - z) * n + z * h


def _gnn_layer(p, edge_index, h):
    src = edge_index[0]
    dst = edge_index[1]
    m = jnp.concatenate([h[src], h[dst]], axis=1)
    a = _linear(m, p['msg_W'], p['msg_b'])
    aggr = jax.ops.segment_sum(a, dst, num_segments=h.shape[0])
    return _gru_cell(aggr, h, p['Wih'], p['Whh'], p['bih'], p['bhh'])


def setup_inputs(seed: int = 0):
    key = jax.random.key(seed)
    ks = iter([jax.random.fold_in(key, i) for i in range(100)])
    h = jax.random.normal(next(ks), (B, IDX, NDIM), dtype=jnp.float32)
    c = jax.random.normal(next(ks), (B, GDIM), dtype=jnp.float32)
    edge_index = jax.random.randint(next(ks), (2, E), 0, N)
    node_atts = jax.random.randint(next(ks), (B,), 0, NUM_NODE_ATTS)
    edges = jax.random.uniform(next(ks), (B, IDX), dtype=jnp.float32)

    def w(shape):
        return jax.random.normal(next(ks), shape, dtype=jnp.float32) * 0.05

    def layer_params():
        return {'msg_W': w((NDIM, NDIM)), 'msg_b': jnp.zeros((NDIM,), jnp.float32),
                'Wih': w((3 * HID, NDIM)), 'Whh': w((3 * HID, HID)),
                'bih': jnp.zeros((3 * HID,), jnp.float32), 'bhh': jnp.zeros((3 * HID,), jnp.float32)}

    def aggr_params():
        return {'fm_W': w((GDIM, NDIM)), 'fm_b': jnp.zeros((GDIM,), jnp.float32),
                'gm_W': w((1, NDIM)), 'gm_b': jnp.zeros((1,), jnp.float32)}

    params = {
        'fwd_layers': [layer_params() for _ in range(NUM_LAYERS)],
        'bwd_layers': [layer_params() for _ in range(NUM_LAYERS)],
        'graph_emb': aggr_params(),
        'graph_emb_init': aggr_params(),
        'fan_W': w((GDIM, 2 * GDIM)), 'fan_b': jnp.zeros((GDIM,), jnp.float32),
        'fan2_W': w((NUM_NODE_ATTS, GDIM)), 'fan2_b': jnp.zeros((NUM_NODE_ATTS,), jnp.float32),
        'node_inits': w((NUM_NODE_ATTS, NDIM)),
        'finit_W': w((NDIM + GDIM, NDIM + 2 * GDIM)), 'finit_b': jnp.zeros((NDIM + GDIM,), jnp.float32),
        'finit2_W': w((NDIM, NDIM + GDIM)), 'finit2_b': jnp.zeros((NDIM,), jnp.float32),
        'fs1_W': w((NDIM + GDIM, 2 * NDIM + 2 * GDIM)), 'fs1_b': jnp.zeros((NDIM + GDIM,), jnp.float32),
        'fs2_W': w((1, NDIM + GDIM)), 'fs2_b': jnp.zeros((1,), jnp.float32),
    }
    return {'h': h, 'c': c, 'edge_index': edge_index, 'node_atts': node_atts, 'edges': edges, 'params': params}


def reference(h, c, edge_index, node_atts, edges, params):
    idx = h.shape[1]
    h_flat = h.reshape(-1, NDIM)
    h_f, h_b = jnp.split(h_flat, 2, axis=1)
    for p in params['fwd_layers']:
        h_f = _gnn_layer(p, edge_index, h_f)
    ei_rev = edge_index[::-1]
    for p in params['bwd_layers']:
        h_b = _gnn_layer(p, ei_rev, h_b)
    hn = jnp.concatenate([h_f, h_b], axis=1)

    def gaggr(p):
        h_vG = _linear(hn, p['fm_W'], p['fm_b'])
        g_vG = jax.nn.sigmoid(_linear(hn, p['gm_W'], p['gm_b']))
        return (h_vG * g_vG).reshape(-1, idx, GDIM).sum(axis=1)

    h_G = gaggr(params['graph_emb'])
    h_G_init = gaggr(params['graph_emb_init'])
    h3 = hn.reshape(-1, idx, NDIM)
    s = _linear(jnp.concatenate([h_G, c], axis=1), params['fan_W'], params['fan_b'])
    node_score = _linear(jax.nn.relu(s), params['fan2_W'], params['fan2_b'])
    logp = jax.nn.log_softmax(node_score, axis=1)
    node_loss = -jnp.take_along_axis(logp, node_atts[:, None], axis=1)[:, 0]
    e = params['node_inits'][node_atts]
    h_v = _linear(jax.nn.relu(_linear(jnp.concatenate([e, h_G_init, c], axis=1), params['finit_W'], params['finit_b'])), params['finit2_W'], params['finit2_b'])
    hh_flat = h3.reshape(-1, NDIM)
    hv_rep = jnp.repeat(h_v, idx, axis=0)
    hG_rep = jnp.tile(h_G, (idx, 1))
    c_rep = jnp.tile(c, (idx, 1))
    s2 = _linear(jnp.concatenate([hh_flat, hv_rep, hG_rep, c_rep], axis=1), params['fs1_W'], params['fs1_b'])
    edge_score = _linear(jax.nn.relu(s2), params['fs2_W'], params['fs2_b']).reshape(-1, idx)
    bce = jnp.maximum(edge_score, 0.0) - edge_score * edges + jnp.log1p(jnp.exp(-jnp.abs(edge_score)))
    edge_loss = bce.mean(axis=1)
    h_out = jnp.concatenate([h3, h_v[:, None, :]], axis=1)
    loss = 2.0 * ((1.0 - ALPHA) * node_loss + ALPHA * edge_loss)
    return (h_out, loss)

if __name__ == "__main__":
    import jax
    _d = setup_inputs()
    print(jax.jit(kernel)(*tuple(_d.values())))

</pallas_src>

<mosaic_0001>
#map = affine_map<(d0, d1) -> (0, 0)>
#map1 = affine_map<(d0, d1) -> (0, 0, 0)>
module attributes {stable_mosaic.version = 14 : i64} {
  func.func @body(%arg0: i32, %arg1: i32, %arg2: memref<20000x128xf32, #tpu.memory_space<hbm>>, %arg3: memref<5088x2x128xi32, #tpu.memory_space<hbm>>, %arg4: memref<632x128xf32, #tpu.memory_space<hbm>>, %arg5: memref<128x128xf32, #tpu.memory_space<hbm>>, %arg6: memref<20224x128xf32, #tpu.memory_space<hbm>>, %arg7: memref<20224x128xf32, #tpu.memory_space<hbm>>, %arg8: memref<3x2x128xi32, #tpu.memory_space<vmem>>, %arg9: memref<3x128x128xf32, #tpu.memory_space<vmem>>, %arg10: memref<10112x128xf32, #tpu.memory_space<vmem_shared>>, %arg11: memref<!tpu.dma_semaphore, #tpu.memory_space<semaphore_mem>>, %arg12: memref<!tpu.dma_semaphore, #tpu.memory_space<semaphore_mem>>) attributes {dimension_semantics = [#tpu.dimension_semantics<core_parallel>, #tpu.dimension_semantics<subcore_parallel>], iteration_bounds = array<i64: 2, 16>, scalar_prefetch = 0 : i64, scratch_operands = 5 : i64, tpu.core_type = #tpu.core_type<sc_vector_subcore>, window_params = [{transform_indices = #map}, {transform_indices = #map1}, {transform_indices = #map}, {transform_indices = #map}, {transform_indices = #map}, {transform_indices = #map}]} {
    %mul3A = arith.constant 632 : i32
    %mul3A_0 = arith.muli %arg1, %mul3A : i32
    %mul3A_1 = arith.constant 10112 : i32
    %mul3A_2 = arith.muli %arg0, %mul3A_1 : i32
    %add3A = arith.addi %mul3A_2, %mul3A_0 : i32
    %mul3A_3 = arith.constant 2544 : i32
    %mul3A_4 = arith.muli %arg0, %mul3A_3 : i32
    %mul3A_5 = arith.constant 159 : i32
    %mul3A_6 = arith.muli %arg1, %mul3A_5 : i32
    %add3A_7 = arith.addi %mul3A_4, %mul3A_6 : i32
    "tpu.region"() ({
      %run_scoped3A_111 = tpu.sem_alloc : memref<!tpu.dma_semaphore, #tpu.memory_space<semaphore_mem>>
      %dma_start3A = arith.constant 0 : i32
      %dma_start3A_112 = tpu.memref_slice %arg10[%mul3A_0, %dma_start3A] : memref<10112x128xf32, #tpu.memory_space<vmem_shared>> -> memref<632x128xf32, #tpu.memory_space<vmem_shared>>
      tpu.enqueue_dma source(%arg4 : memref<632x128xf32, #tpu.memory_space<hbm>>) target(%dma_start3A_112 : memref<632x128xf32, #tpu.memory_space<vmem_shared>>) target_semaphore(%run_scoped3A_111 : memref<!tpu.dma_semaphore, #tpu.memory_space<semaphore_mem>>)
      %dma_wait3A_113 = arith.constant 0 : i32
      %dma_wait3A_114 = tpu.memref_slice %arg10[%mul3A_0, %dma_wait3A_113] : memref<10112x128xf32, #tpu.memory_space<vmem_shared>> -> memref<632x128xf32, #tpu.memory_space<vmem_shared>>
      tpu.wait_dma2 semaphore(%run_scoped3A_111 : memref<!tpu.dma_semaphore, #tpu.memory_space<semaphore_mem>>) src(%arg4 : memref<632x128xf32, #tpu.memory_space<hbm>>) dst(%dma_wait3A_114 : memref<632x128xf32, #tpu.memory_space<vmem_shared>>)
      tpu.yield
    }) : () -> ()
    %run_scoped3A = arith.constant 0 : i32
    "tpu.region"() ({
      %run_scoped3A_111 = tpu.sem_alloc : memref<!tpu.dma_semaphore, #tpu.memory_space<semaphore_mem>>
      %dma_start3A = arith.constant 0 : i32
      %dma_start3A_112 = arith.constant 0 : i32
      %dma_start3A_113 = tpu.memref_slice %arg9[%run_scoped3A, %dma_start3A, %dma_start3A_112] : memref<3x128x128xf32, #tpu.memory_space<vmem>> -> memref<1x128x128xf32, #tpu.memory_space<vmem>>
      %dma_start3A_114 = tpu.memref_squeeze %dma_start3A_113 : memref<1x128x128xf32, #tpu.memory_space<vmem>> -> memref<128x128xf32, #tpu.memory_space<vmem>>
      %dma_start3A_115 = arith.constant 0 : i32
      %dma_start3A_116 = arith.constant 0 : i32
      %dma_start3A_117 = tpu.memref_slice %arg9[%run_scoped3A, %dma_start3A_115, %dma_start3A_116] : memref<3x128x128xf32, #tpu.memory_space<vmem>> -> memref<1x128x128xf32, #tpu.memory_space<vmem>>
      %dma_start3A_118 = tpu.memref_squeeze %dma_start3A_117 : memref<1x128x128xf32, #tpu.memory_space<vmem>> -> memref<128x128xf32, #tpu.memory_space<vmem>>
      tpu.enqueue_dma source(%arg5 : memref<128x128xf32, #tpu.memory_space<hbm>>) target(%dma_start3A_118 : memref<128x128xf32, #tpu.memory_space<vmem>>) target_semaphore(%run_scoped3A_111 : memref<!tpu.dma_semaphore, #tpu.memory_space<semaphore_mem>>)
      %dma_wait3A_119 = arith.constant 0 : i32
      %dma_wait3A_120 = arith.constant 0 : i32
      %dma_wait3A_121 = tpu.memref_slice %arg9[%run_scoped3A, %dma_wait3A_119, %dma_wait3A_120] : memref<3x128x128xf32, #tpu.memory_space<vmem>> -> memref<1x128x128xf32, #tpu.memory_space<vmem>>
      %dma_wait3A_122 = tpu.memref_squeeze %dma_wait3A_121 : memref<1x128x128xf32, #tpu.memory_space<vmem>> -> memref<128x128xf32, #tpu.memory_space<vmem>>
      %dma_wait3A_123 = arith.constant 0 : i32
      %dma_wait3A_124 = arith.constant 0 : i32
      %dma_wait3A_125 = tpu.memref_slice %arg9[%run_scoped3A, %dma_wait3A_123, %dma_wait3A_124] : memref<3x128x128xf32, #tpu.memory_space<vmem>> -> memref<1x128x128xf32, #tpu.memory_space<vmem>>
      %dma_wait3A_126 = tpu.memref_squeeze %dma_wait3A_125 : memref<1x128x128xf32, #tpu.memory_space<vmem>> -> memref<128x128xf32, #tpu.memory_space<vmem>>
      tpu.wait_dma2 semaphore(%run_scoped3A_111 : memref<!tpu.dma_semaphore, #tpu.memory_space<semaphore_mem>>) src(%arg5 : memref<128x128xf32, #tpu.memory_space<hbm>>) dst(%dma_wait3A_126 : memref<128x128xf32, #tpu.memory_space<vmem>>)
      tpu.yield
    }) : () -> ()
    %barrier3A = arith.constant 0 : index
    tpu.barrier barrier_id(%barrier3A)
    %scan3A = arith.constant 0 : i32
    %scan3A_8 = arith.constant 0 : i32
    %scan3A_9 = arith.constant 53 : i32
    %scan3A_10 = arith.addi %scan3A_8, %scan3A_9 : i32
    %scan3A_11 = arith.constant 1 : i32
    scf.for %scan3A_111 = %scan3A_8 to %scan3A_10 step %scan3A_11  : i32 {
      %gt3A = arith.constant 0 : i32
      %gt3A_112 = arith.cmpi sgt, %scan3A_111, %gt3A : i32
      %convert_element_type3A = arith.extui %gt3A_112 : i1 to i32
      %cond3A = arith.constant 0 : i32
      %cond3A_113 = arith.cmpi ne, %convert_element_type3A, %cond3A : i32
      scf.if %cond3A_113 {
        %dma_wait3A_155 = arith.constant 0 : i32
        %dma_wait3A_156 = arith.constant 0 : i32
        %dma_wait3A_157 = arith.constant 0 : i32
        %dma_wait3A_158 = tpu.memref_slice %arg9[%dma_wait3A_155, %dma_wait3A_156, %dma_wait3A_157] : memref<3x128x128xf32, #tpu.memory_space<vmem>> -> memref<1x128x128xf32, #tpu.memory_space<vmem>>
        %dma_wait3A_159 = tpu.memref_squeeze %dma_wait3A_158 : memref<1x128x128xf32, #tpu.memory_space<vmem>> -> memref<128x128xf32, #tpu.memory_space<vmem>>
        %dma_wait3A_160 = arith.constant 0 : i32
        %dma_wait3A_161 = arith.constant 0 : i32
        %dma_wait3A_162 = tpu.memref_slice %arg4[%dma_wait3A_160, %dma_wait3A_161] : memref<632x128xf32, #tpu.memory_space<hbm>> -> memref<128x128xf32, #tpu.memory_space<hbm>>
        %dma_wait3A_163 = arith.constant 0 : i32
        %dma_wait3A_164 = arith.constant 0 : i32
        %dma_wait3A_165 = tpu.memref_slice %arg9[%dma_wait3A_155, %dma_wait3A_163, %dma_wait3A_164] : memref<3x128x128xf32, #tpu.memory_space<vmem>> -> memref<1x128x128xf32, #tpu.memory_space<vmem>>
        %dma_wait3A_166 = tpu.memref_squeeze %dma_wait3A_165 : memref<1x128x128xf32, #tpu.memory_space<vmem>> -> memref<128x128xf32, #tpu.memory_space<vmem>>
        %dma_wait3A_167 = arith.constant 0 : i32
        %dma_wait3A_168 = arith.constant 0 : i32
        %dma_wait3A_169 = tpu.memref_slice %arg4[%dma_wait3A_167, %dma_wait3A_168] : memref<632x128xf32, #tpu.memory_space<hbm>> -> memref<128x128xf32, #tpu.memory_space<hbm>>
        tpu.wait_dma2 semaphore(%arg12 : memref<!tpu.dma_semaphore, #tpu.memory_space<semaphore_mem>>) src(%dma_wait3A_169 : memref<128x128xf32, #tpu.memory_space<hbm>>) dst(%dma_wait3A_166 : memref<128x128xf32, #tpu.memory_space<vmem>>)
        %dma_wait3A_170 = arith.constant 1 : i32
        %dma_wait3A_171 = arith.constant 0 : i32
        %dma_wait3A_172 = arith.constant 0 : i32
        %dma_wait3A_173 = tpu.memref_slice %arg9[%dma_wait3A_170, %dma_wait3A_171, %dma_wait3A_172] : memref<3x128x128xf32, #tpu.memory_space<vmem>> -> memref<1x128x128xf32, #tpu.memory_space<vmem>>
        %dma_wait3A_174 = tpu.memref_squeeze %dma_wait3A_173 : memref<1x128x128xf32, #tpu.memory_space<vmem>> -> memref<128x128xf32, #tpu.memory_space<vmem>>
        %dma_wait3A_175 = arith.constant 0 : i32
        %dma_wait3A_176 = arith.constant 0 : i32
        %dma_wait3A_177 = tpu.memref_slice %arg4[%dma_wait3A_175, %dma_wait3A_176] : memref<632x128xf32, #tpu.memory_space<hbm>> -> memref<128x128xf32, #tpu.memory_space<hbm>>
        %dma_wait3A_178 = arith.constant 0 : i32
        %dma_wait3A_179 = arith.constant 0 : i32
        %dma_wait3A_180 = tpu.memref_slice %arg9[%dma_wait3A_170, %dma_wait3A_178, %dma_wait3A_179] : memref<3x128x128xf32, #tpu.memory_space<vmem>> -> memref<1x128x128xf32, #tpu.memory_space<vmem>>
        %dma_wait3A_181 = tpu.memref_squeeze %dma_wait3A_180 : memref<1x128x128xf32, #tpu.memory_space<vmem>> -> memref<128x128xf32, #tpu.memory_space<vmem>>
        %dma_wait3A_182 = arith.constant 0 : i32
        %dma_wait3A_183 = arith.constant 0 : i32
        %dma_wait3A_184 = tpu.memref_slice %arg4[%dma_wait3A_182, %dma_wait3A_183] : memref<632x128xf32, #tpu.memory_space<hbm>> -> memref<128x128xf32, #tpu.memory_space<hbm>>
        tpu.wait_dma2 semaphore(%arg12 : memref<!tpu.dma_semaphore, #tpu.memory_space<semaphore_mem>>) src(%dma_wait3A_184 : memref<128x128xf32, #tpu.memory_space<hbm>>) dst(%dma_wait3A_181 : memref<128x128xf32, #tpu.memory_space<vmem>>)
        %dma_wait3A_185 = arith.constant 2 : i32
        %dma_wait3A_186 = arith.constant 0 : i32
        %dma_wait3A_187 = arith.constant 0 : i32
        %dma_wait3A_188 = tpu.memref_slice %arg9[%dma_wait3A_185, %dma_wait3A_186, %dma_wait3A_187] : memref<3x128x128xf32, #tpu.memory_space<vmem>> -> memref<1x128x128xf32, #tpu.memory_space<vmem>>
        %dma_wait3A_189 = tpu.memref_squeeze %dma_wait3A_188 : memref<1x128x128xf32, #tpu.memory_space<vmem>> -> memref<128x128xf32, #tpu.memory_space<vmem>>
        %dma_wait3A_190 = arith.constant 0 : i32
        %dma_wait3A_191 = arith.constant 0 : i32
        %dma_wait3A_192 = tpu.memref_slice %arg4[%dma_wait3A_190, %dma_wait3A_191] : memref<632x128xf32, #tpu.memory_space<hbm>> -> memref<128x128xf32, #tpu.memory_space<hbm>>
        %dma_wait3A_193 = arith.constant 0 : i32
        %dma_wait3A_194 = arith.constant 0 : i32
        %dma_wait3A_195 = tpu.memref_slice %arg9[%dma_wait3A_185, %dma_wait3A_193, %dma_wait3A_194] : memref<3x128x128xf32, #tpu.memory_space<vmem>> -> memref<1x128x128xf32, #tpu.memory_space<vmem>>
        %dma_wait3A_196 = tpu.memref_squeeze %dma_wait3A_195 : memref<1x128x128xf32, #tpu.memory_space<vmem>> -> memref<128x128xf32, #tpu.memory_space<vmem>>
        %dma_wait3A_197 = arith.constant 0 : i32
        %dma_wait3A_198 = arith.constant 0 : i32
        %dma_wait3A_199 = tpu.memref_slice %arg4[%dma_wait3A_197, %dma_wait3A_198] : memref<632x128xf32, #tpu.memory_space<hbm>> -> memref<128x128xf32, #tpu.memory_space<hbm>>
        tpu.wait_dma2 semaphore(%arg12 : memref<!tpu.dma_semaphore, #tpu.memory_space<semaphore_mem>>) src(%dma_wait3A_199 : memref<128x128xf32, #tpu.memory_space<hbm>>) dst(%dma_wait3A_196 : memref<128x128xf32, #tpu.memory_space<vmem>>)
      } else {
      }
      %mul3A_114 = arith.constant 3 : i32
      %mul3A_115 = arith.muli %scan3A_111, %mul3A_114 : i32
      %add3A_116 = arith.addi %add3A_7, %mul3A_115 : i32
      "tpu.region"() ({
        %run_scoped3A_155 = tpu.sem_alloc : memref<!tpu.dma_semaphore, #tpu.memory_space<semaphore_mem>>
        %dma_start3A_156 = arith.constant 0 : i32
        %dma_start3A_157 = arith.constant 0 : i32
        %dma_start3A_158 = tpu.memref_slice %arg3[%add3A_116, %dma_start3A_156, %dma_start3A_157] : memref<5088x2x128xi32, #tpu.memory_space<hbm>> -> memref<3x2x128xi32, #tpu.memory_space<hbm>>
        %dma_start3A_159 = arith.constant 0 : i32
        %dma_start3A_160 = arith.constant 0 : i32
        %dma_start3A_161 = tpu.memref_slice %arg3[%add3A_116, %dma_start3A_159, %dma_start3A_160] : memref<5088x2x128xi32, #tpu.memory_space<hbm>> -> memref<3x2x128xi32, #tpu.memory_space<hbm>>
        tpu.enqueue_dma source(%dma_start3A_161 : memref<3x2x128xi32, #tpu.memory_space<hbm>>) target(%arg8 : memref<3x2x128xi32, #tpu.memory_space<vmem>>) target_semaphore(%run_scoped3A_155 : memref<!tpu.dma_semaphore, #tpu.memory_space<semaphore_mem>>)
        %dma_wait3A_162 = arith.constant 0 : i32
        %dma_wait3A_163 = arith.constant 0 : i32
        %dma_wait3A_164 = tpu.memref_slice %arg3[%add3A_116, %dma_wait3A_162, %dma_wait3A_163] : memref<5088x2x128xi32, #tpu.memory_space<hbm>> -> memref<3x2x128xi32, #tpu.memory_space<hbm>>
        %dma_wait3A_165 = arith.constant 0 : i32
        %dma_wait3A_166 = arith.constant 0 : i32
        %dma_wait3A_167 = tpu.memref_slice %arg3[%add3A_116, %dma_wait3A_165, %dma_wait3A_166] : memref<5088x2x128xi32, #tpu.memory_space<hbm>> -> memref<3x2x128xi32, #tpu.memory_space<hbm>>
        tpu.wait_dma2 semaphore(%run_scoped3A_155 : memref<!tpu.dma_semaphore, #tpu.memory_space<semaphore_mem>>) src(%dma_wait3A_167 : memref<3x2x128xi32, #tpu.memory_space<hbm>>) dst(%arg8 : memref<3x2x128xi32, #tpu.memory_space<vmem>>)
        tpu.yield
      }) : () -> ()
      %dma_start3A = arith.constant 0 : i32
      %dma_start3A_117 = arith.constant 0 : i32
      %dma_start3A_118 = arith.constant 1 : i32
      %dma_start3A_119 = arith.constant 0 : i32
      %dma_start3A_120 = arith.constant 0 : i32
      %dma_start3A_121 = tpu.memref_slice %arg9[%dma_start3A, %dma_start3A_119, %dma_start3A_120] : memref<3x128x128xf32, #tpu.memory_space<vmem>> -> memref<1x128x128xf32, #tpu.memory_space<vmem>>
      %dma_start3A_122 = tpu.memref_squeeze %dma_start3A_121 : memref<1x128x128xf32, #tpu.memory_space<vmem>> -> memref<128x128xf32, #tpu.memory_space<vmem>>
      %dma_start3A_123 = arith.constant 0 : i32
      %dma_start3A_124 = tpu.memref_slice %arg8[%dma_start3A_117, %dma_start3A_118, %dma_start3A_123] : memref<3x2x128xi32, #tpu.memory_space<vmem>> -> memref<1x1x128xi32, #tpu.memory_space<vmem>>
      %dma_start3A_125 = tpu.memref_squeeze %dma_start3A_124 : memref<1x1x128xi32, #tpu.memory_space<vmem>> -> memref<128xi32, #tpu.memory_space<vmem>>
      %dma_start3A_126 = arith.constant 0 : i32
      %dma_start3A_127 = arith.constant 0 : i32
      %dma_start3A_128 = tpu.memref_slice %arg10[%dma_start3A_126, %dma_start3A_127] : memref<10112x128xf32, #tpu.memory_space<vmem_shared>> -> memref<10112x128xf32, #tpu.memory_space<vmem_shared>>
      tpu.enqueue_indirect_dma source(%dma_start3A_122 : memref<128x128xf32, #tpu.memory_space<vmem>>) target(%dma_start3A_128 : memref<10112x128xf32, #tpu.memory_space<vmem_shared>>) offsets(%dma_start3A_125 : memref<128xi32, #tpu.memory_space<vmem>>) semaphore(%arg12 : memref<!tpu.dma_semaphore, #tpu.memory_space<semaphore_mem>>) {add = true}
      %dma_start3A_129 = arith.constant 0 : i32
      %dma_start3A_130 = arith.constant 1 : i32
      %dma_start3A_131 = arith.constant 1 : i32
      %dma_start3A_132 = arith.constant 0 : i32
      %dma_start3A_133 = arith.constant 0 : i32
      %dma_start3A_134 = tpu.memref_slice %arg9[%dma_start3A_129, %dma_start3A_132, %dma_start3A_133] : memref<3x128x128xf32, #tpu.memory_space<vmem>> -> memref<1x128x128xf32, #tpu.memory_space<vmem>>
      %dma_start3A_135 = tpu.memref_squeeze %dma_start3A_134 : memref<1x128x128xf32, #tpu.memory_space<vmem>> -> memref<128x128xf32, #tpu.memory_space<vmem>>
      %dma_start3A_136 = arith.constant 0 : i32
      %dma_start3A_137 = tpu.memref_slice %arg8[%dma_start3A_130, %dma_start3A_131, %dma_start3A_136] : memref<3x2x128xi32, #tpu.memory_space<vmem>> -> memref<1x1x128xi32, #tpu.memory_space<vmem>>
      %dma_start3A_138 = tpu.memref_squeeze %dma_start3A_137 : memref<1x1x128xi32, #tpu.memory_space<vmem>> -> memref<128xi32, #tpu.memory_space<vmem>>
      %dma_start3A_139 = arith.constant 0 : i32
      %dma_start3A_140 = arith.constant 0 : i32
      %dma_start3A_141 = tpu.memref_slice %arg10[%dma_start3A_139, %dma_start3A_140] : memref<10112x128xf32, #tpu.memory_space<vmem_shared>> -> memref<10112x128xf32, #tpu.memory_space<vmem_shared>>
      tpu.enqueue_indirect_dma source(%dma_start3A_135 : memref<128x128xf32, #tpu.memory_space<vmem>>) target(%dma_start3A_141 : memref<10112x128xf32, #tpu.memory_space<vmem_shared>>) offsets(%dma_start3A_138 : memref<128xi32, #tpu.memory_space<vmem>>) semaphore(%arg12 : memref<!tpu.dma_semaphore, #tpu.memory_space<semaphore_mem>>) {add = true}
      %dma_start3A_142 = arith.constant 0 : i32
      %dma_start3A_143 = arith.constant 2 : i32
      %dma_start3A_144 = arith.constant 1 : i32
      %dma_start3A_145 = arith.constant 0 : i32
      %dma_start3A_146 = arith.constant 0 : i32
      %dma_start3A_147 = tpu.memref_slice %arg9[%dma_start3A_142, %dma_start3A_145, %dma_start3A_146] : memref<3x128x128xf32, #tpu.memory_space<vmem>> -> memref<1x128x128xf32, #tpu.memory_space<vmem>>
      %dma_start3A_148 = tpu.memref_squeeze %dma_start3A_147 : memref<1x128x128xf32, #tpu.memory_space<vmem>> -> memref<128x128xf32, #tpu.memory_space<vmem>>
      %dma_start3A_149 = arith.constant 0 : i32
      %dma_start3A_150 = tpu.memref_slice %arg8[%dma_start3A_143, %dma_start3A_144, %dma_start3A_149] : memref<3x2x128xi32, #tpu.memory_space<vmem>> -> memref<1x1x128xi32, #tpu.memory_space<vmem>>
      %dma_start3A_151 = tpu.memref_squeeze %dma_start3A_150 : memref<1x1x128xi32, #tpu.memory_space<vmem>> -> memref<128xi32, #tpu.memory_space<vmem>>
      %dma_start3A_152 = arith.constant 0 : i32
      %dma_start3A_153 = arith.constant 0 : i32
      %dma_start3A_154 = tpu.memref_slice %arg10[%dma_start3A_152, %dma_start3A_153] : memref<10112x128xf32, #tpu.memory_space<vmem_shared>> -> memref<10112x128xf32, #tpu.memory_space<vmem_shared>>
      tpu.enqueue_indirect_dma source(%dma_start3A_148 : memref<128x128xf32, #tpu.memory_space<vmem>>) target(%dma_start3A_154 : memref<10112x128xf32, #tpu.memory_space<vmem_shared>>) offsets(%dma_start3A_151 : memref<128xi32, #tpu.memory_space<vmem>>) semaphore(%arg12 : memref<!tpu.dma_semaphore, #tpu.memory_space<semaphore_mem>>) {add = true}
    }
    %scan3A_12 = arith.constant 53 : i32
    %dma_wait3A = arith.constant 0 : i32
    %dma_wait3A_13 = arith.constant 0 : i32
    %dma_wait3A_14 = arith.constant 0 : i32
    %dma_wait3A_15 = tpu.memref_slice %arg9[%dma_wait3A, %dma_wait3A_13, %dma_wait3A_14] : memref<3x128x128xf32, #tpu.memory_space<vmem>> -> memref<1x128x128xf32, #tpu.memory_space<vmem>>
    %dma_wait3A_16 = tpu.memref_squeeze %dma_wait3A_15 : memref<1x128x128xf32, #tpu.memory_space<vmem>> -> memref<128x128xf32, #tpu.memory_space<vmem>>
    %dma_wait3A_17 = arith.constant 0 : i32
    %dma_wait3A_18 = arith.constant 0 : i32
    %dma_wait3A_19 = tpu.memref_slice %arg4[%dma_wait3A_17, %dma_wait3A_18] : memref<632x128xf32, #tpu.memory_space<hbm>> -> memref<128x128xf32, #tpu.memory_space<hbm>>
    %dma_wait3A_20 = arith.constant 0 : i32
    %dma_wait3A_21 = arith.constant 0 : i32
    %dma_wait3A_22 = tpu.memref_slice %arg9[%dma_wait3A, %dma_wait3A_20, %dma_wait3A_21] : memref<3x128x128xf32, #tpu.memory_space<vmem>> -> memref<1x128x128xf32, #tpu.memory_space<vmem>>
    %dma_wait3A_23 = tpu.memref_squeeze %dma_wait3A_22 : memref<1x128x128xf32, #tpu.memory_space<vmem>> -> memref<128x128xf32, #tpu.memory_space<vmem>>
    %dma_wait3A_24 = arith.constant 0 : i32
    %dma_wait3A_25 = arith.constant 0 : i32
    %dma_wait3A_26 = tpu.memref_slice %arg4[%dma_wait3A_24, %dma_wait3A_25] : memref<632x128xf32, #tpu.memory_space<hbm>> -> memref<128x128xf32, #tpu.memory_space<hbm>>
    tpu.wait_dma2 semaphore(%arg12 : memref<!tpu.dma_semaphore, #tpu.memory_space<semaphore_mem>>) src(%dma_wait3A_26 : memref<128x128xf32, #tpu.memory_space<hbm>>) dst(%dma_wait3A_23 : memref<128x128xf32, #tpu.memory_space<vmem>>)
    %dma_wait3A_27 = arith.constant 1 : i32
    %dma_wait3A_28 = arith.constant 0 : i32
    %dma_wait3A_29 = arith.constant 0 : i32
    %dma_wait3A_30 = tpu.memref_slice %arg9[%dma_wait3A_27, %dma_wait3A_28, %dma_wait3A_29] : memref<3x128x128xf32, #tpu.memory_space<vmem>> -> memref<1x128x128xf32, #tpu.memory_space<vmem>>
    %dma_wait3A_31 = tpu.memref_squeeze %dma_wait3A_30 : memref<1x128x128xf32, #tpu.memory_space<vmem>> -> memref<128x128xf32, #tpu.memory_space<vmem>>
    %dma_wait3A_32 = arith.constant 0 : i32
    %dma_wait3A_33 = arith.constant 0 : i32
    %dma_wait3A_34 = tpu.memref_slice %arg4[%dma_wait3A_32, %dma_wait3A_33] : memref<632x128xf32, #tpu.memory_space<hbm>> -> memref<128x128xf32, #tpu.memory_space<hbm>>
    %dma_wait3A_35 = arith.constant 0 : i32
    %dma_wait3A_36 = arith.constant 0 : i32
    %dma_wait3A_37 = tpu.memref_slice %arg9[%dma_wait3A_27, %dma_wait3A_35, %dma_wait3A_36] : memref<3x128x128xf32, #tpu.memory_space<vmem>> -> memref<1x128x128xf32, #tpu.memory_space<vmem>>
    %dma_wait3A_38 = tpu.memref_squeeze %dma_wait3A_37 : memref<1x128x128xf32, #tpu.memory_space<vmem>> -> memref<128x128xf32, #tpu.memory_space<vmem>>
    %dma_wait3A_39 = arith.constant 0 : i32
    %dma_wait3A_40 = arith.constant 0 : i32
    %dma_wait3A_41 = tpu.memref_slice %arg4[%dma_wait3A_39, %dma_wait3A_40] : memref<632x128xf32, #tpu.memory_space<hbm>> -> memref<128x128xf32, #tpu.memory_space<hbm>>
    tpu.wait_dma2 semaphore(%arg12 : memref<!tpu.dma_semaphore, #tpu.memory_space<semaphore_mem>>) src(%dma_wait3A_41 : memref<128x128xf32, #tpu.memory_space<hbm>>) dst(%dma_wait3A_38 : memref<128x128xf32, #tpu.memory_space<vmem>>)
    %dma_wait3A_42 = arith.constant 2 : i32
    %dma_wait3A_43 = arith.constant 0 : i32
    %dma_wait3A_44 = arith.constant 0 : i32
    %dma_wait3A_45 = tpu.memref_slice %arg9[%dma_wait3A_42, %dma_wait3A_43, %dma_wait3A_44] : memref<3x128x128xf32, #tpu.memory_space<vmem>> -> memref<1x128x128xf32, #tpu.memory_space<vmem>>
    %dma_wait3A_46 = tpu.memref_squeeze %dma_wait3A_45 : memref<1x128x128xf32, #tpu.memory_space<vmem>> -> memref<128x128xf32, #tpu.memory_space<vmem>>
    %dma_wait3A_47 = arith.constant 0 : i32
    %dma_wait3A_48 = arith.constant 0 : i32
    %dma_wait3A_49 = tpu.memref_slice %arg4[%dma_wait3A_47, %dma_wait3A_48] : memref<632x128xf32, #tpu.memory_space<hbm>> -> memref<128x128xf32, #tpu.memory_space<hbm>>
    %dma_wait3A_50 = arith.constant 0 : i32
    %dma_wait3A_51 = arith.constant 0 : i32
    %dma_wait3A_52 = tpu.memref_slice %arg9[%dma_wait3A_42, %dma_wait3A_50, %dma_wait3A_51] : memref<3x128x128xf32, #tpu.memory_space<vmem>> -> memref<1x128x128xf32, #tpu.memory_space<vmem>>
    %dma_wait3A_53 = tpu.memref_squeeze %dma_wait3A_52 : memref<1x128x128xf32, #tpu.memory_space<vmem>> -> memref<128x128xf32, #tpu.memory_space<vmem>>
    %dma_wait3A_54 = arith.constant 0 : i32
    %dma_wait3A_55 = arith.constant 0 : i32
    %dma_wait3A_56 = tpu.memref_slice %arg4[%dma_wait3A_54, %dma_wait3A_55] : memref<632x128xf32, #tpu.memory_space<hbm>> -> memref<128x128xf32, #tpu.memory_space<hbm>>
    tpu.wait_dma2 semaphore(%arg12 : memref<!tpu.dma_semaphore, #tpu.memory_space<semaphore_mem>>) src(%dma_wait3A_56 : memref<128x128xf32, #tpu.memory_space<hbm>>) dst(%dma_wait3A_53 : memref<128x128xf32, #tpu.memory_space<vmem>>)
    %barrier3A_57 = arith.constant 0 : index
    tpu.barrier barrier_id(%barrier3A_57)
    "tpu.region"() ({
      %run_scoped3A_111 = tpu.sem_alloc : memref<!tpu.dma_semaphore, #tpu.memory_space<semaphore_mem>>
      %dma_start3A = arith.constant 0 : i32
      %dma_start3A_112 = tpu.memref_slice %arg7[%add3A, %dma_start3A] : memref<20224x128xf32, #tpu.memory_space<hbm>> -> memref<632x128xf32, #tpu.memory_space<hbm>>
      %dma_start3A_113 = arith.constant 0 : i32
      %dma_start3A_114 = tpu.memref_slice %arg10[%mul3A_0, %dma_start3A_113] : memref<10112x128xf32, #tpu.memory_space<vmem_shared>> -> memref<632x128xf32, #tpu.memory_space<vmem_shared>>
      tpu.enqueue_dma source(%dma_start3A_114 : memref<632x128xf32, #tpu.memory_space<vmem_shared>>) target(%dma_start3A_112 : memref<632x128xf32, #tpu.memory_space<hbm>>) target_semaphore(%run_scoped3A_111 : memref<!tpu.dma_semaphore, #tpu.memory_space<semaphore_mem>>)
      %dma_wait3A_115 = arith.constant 0 : i32
      %dma_wait3A_116 = tpu.memref_slice %arg7[%add3A, %dma_wait3A_115] : memref<20224x128xf32, #tpu.memory_space<hbm>> -> memref<632x128xf32, #tpu.memory_space<hbm>>
      %dma_wait3A_117 = arith.constant 0 : i32
      %dma_wait3A_118 = tpu.memref_slice %arg10[%mul3A_0, %dma_wait3A_117] : memref<10112x128xf32, #tpu.memory_space<vmem_shared>> -> memref<632x128xf32, #tpu.memory_space<vmem_shared>>
      tpu.wait_dma2 semaphore(%run_scoped3A_111 : memref<!tpu.dma_semaphore, #tpu.memory_space<semaphore_mem>>) src(%dma_wait3A_118 : memref<632x128xf32, #tpu.memory_space<vmem_shared>>) dst(%dma_wait3A_116 : memref<632x128xf32, #tpu.memory_space<hbm>>)
      tpu.yield
    }) : () -> ()
    "tpu.region"() ({
      %run_scoped3A_111 = tpu.sem_alloc : memref<!tpu.dma_semaphore, #tpu.memory_space<semaphore_mem>>
      %dma_start3A = arith.constant 0 : i32
      %dma_start3A_112 = tpu.memref_slice %arg10[%mul3A_0, %dma_start3A] : memref<10112x128xf32, #tpu.memory_space<vmem_shared>> -> memref<632x128xf32, #tpu.memory_space<vmem_shared>>
      tpu.enqueue_dma source(%arg4 : memref<632x128xf32, #tpu.memory_space<hbm>>) target(%dma_start3A_112 : memref<632x128xf32, #tpu.memory_space<vmem_shared>>) target_semaphore(%run_scoped3A_111 : memref<!tpu.dma_semaphore, #tpu.memory_space<semaphore_mem>>)
      %dma_wait3A_113 = arith.constant 0 : i32
      %dma_wait3A_114 = tpu.memref_slice %arg10[%mul3A_0, %dma_wait3A_113] : memref<10112x128xf32, #tpu.memory_space<vmem_shared>> -> memref<632x128xf32, #tpu.memory_space<vmem_shared>>
      tpu.wait_dma2 semaphore(%run_scoped3A_111 : memref<!tpu.dma_semaphore, #tpu.memory_space<semaphore_mem>>) src(%arg4 : memref<632x128xf32, #tpu.memory_space<hbm>>) dst(%dma_wait3A_114 : memref<632x128xf32, #tpu.memory_space<vmem_shared>>)
      tpu.yield
    }) : () -> ()
    %barrier3A_58 = arith.constant 0 : index
    tpu.barrier barrier_id(%barrier3A_58)
    %scan3A_59 = arith.constant 0 : i32
    %scan3A_60 = arith.constant 0 : i32
    %scan3A_61 = arith.constant 53 : i32
    %scan3A_62 = arith.addi %scan3A_60, %scan3A_61 : i32
    %scan3A_63 = arith.constant 1 : i32
    scf.for %scan3A_111 = %scan3A_60 to %scan3A_62 step %scan3A_63  : i32 {
      %gt3A = arith.constant 0 : i32
      %gt3A_112 = arith.cmpi sgt, %scan3A_111, %gt3A : i32
      %convert_element_type3A = arith.extui %gt3A_112 : i1 to i32
      %cond3A = arith.constant 0 : i32
      %cond3A_113 = arith.cmpi ne, %convert_element_type3A, %cond3A : i32
      scf.if %cond3A_113 {
        %dma_wait3A_233 = arith.constant 0 : i32
        %dma_wait3A_234 = arith.constant 0 : i32
        %dma_wait3A_235 = arith.constant 0 : i32
        %dma_wait3A_236 = tpu.memref_slice %arg9[%dma_wait3A_233, %dma_wait3A_234, %dma_wait3A_235] : memref<3x128x128xf32, #tpu.memory_space<vmem>> -> memref<1x128x128xf32, #tpu.memory_space<vmem>>
        %dma_wait3A_237 = tpu.memref_squeeze %dma_wait3A_236 : memref<1x128x128xf32, #tpu.memory_space<vmem>> -> memref<128x128xf32, #tpu.memory_space<vmem>>
        %dma_wait3A_238 = arith.constant 0 : i32
        %dma_wait3A_239 = arith.constant 0 : i32
        %dma_wait3A_240 = tpu.memref_slice %arg4[%dma_wait3A_238, %dma_wait3A_239] : memref<632x128xf32, #tpu.memory_space<hbm>> -> memref<128x128xf32, #tpu.memory_space<hbm>>
        %dma_wait3A_241 = arith.constant 0 : i32
        %dma_wait3A_242 = arith.constant 0 : i32
        %dma_wait3A_243 = tpu.memref_slice %arg9[%dma_wait3A_233, %dma_wait3A_241, %dma_wait3A_242] : memref<3x128x128xf32, #tpu.memory_space<vmem>> -> memref<1x128x128xf32, #tpu.memory_space<vmem>>
        %dma_wait3A_244 = tpu.memref_squeeze %dma_wait3A_243 : memref<1x128x128xf32, #tpu.memory_space<vmem>> -> memref<128x128xf32, #tpu.memory_space<vmem>>
        %dma_wait3A_245 = arith.constant 0 : i32
        %dma_wait3A_246 = arith.constant 0 : i32
        %dma_wait3A_247 = tpu.memref_slice %arg4[%dma_wait3A_245, %dma_wait3A_246] : memref<632x128xf32, #tpu.memory_space<hbm>> -> memref<128x128xf32, #tpu.memory_space<hbm>>
        tpu.wait_dma2 semaphore(%arg12 : memref<!tpu.dma_semaphore, #tpu.memory_space<semaphore_mem>>) src(%dma_wait3A_247 : memref<128x128xf32, #tpu.memory_space<hbm>>) dst(%dma_wait3A_244 : memref<128x128xf32, #tpu.memory_space<vmem>>)
        %dma_wait3A_248 = arith.constant 1 : i32
        %dma_wait3A_249 = arith.constant 0 : i32
        %dma_wait3A_250 = arith.constant 0 : i32
        %dma_wait3A_251 = tpu.memref_slice %arg9[%dma_wait3A_248, %dma_wait3A_249, %dma_wait3A_250] : memref<3x128x128xf32, #tpu.memory_space<vmem>> -> memref<1x128x128xf32, #tpu.memory_space<vmem>>
        %dma_wait3A_252 = tpu.memref_squeeze %dma_wait3A_251 : memref<1x128x128xf32, #tpu.memory_space<vmem>> -> memref<128x128xf32, #tpu.memory_space<vmem>>
        %dma_wait3A_253 = arith.constant 0 : i32
        %dma_wait3A_254 = arith.constant 0 : i32
        %dma_wait3A_255 = tpu.memref_slice %arg4[%dma_wait3A_253, %dma_wait3A_254] : memref<632x128xf32, #tpu.memory_space<hbm>> -> memref<128x128xf32, #tpu.memory_space<hbm>>
        %dma_wait3A_256 = arith.constant 0 : i32
        %dma_wait3A_257 = arith.constant 0 : i32
        %dma_wait3A_258 = tpu.memref_slice %arg9[%dma_wait3A_248, %dma_wait3A_256, %dma_wait3A_257] : memref<3x128x128xf32, #tpu.memory_space<vmem>> -> memref<1x128x128xf32, #tpu.memory_space<vmem>>
        %dma_wait3A_259 = tpu.memref_squeeze %dma_wait3A_258 : memref<1x128x128xf32, #tpu.memory_space<vmem>> -> memref<128x128xf32, #tpu.memory_space<vmem>>
        %dma_wait3A_260 = arith.constant 0 : i32
        %dma_wait3A_261 = arith.constant 0 : i32
        %dma_wait3A_262 = tpu.memref_slice %arg4[%dma_wait3A_260, %dma_wait3A_261] : memref<632x128xf32, #tpu.memory_space<hbm>> -> memref<128x128xf32, #tpu.memory_space<hbm>>
        tpu.wait_dma2 semaphore(%arg12 : memref<!tpu.dma_semaphore, #tpu.memory_space<semaphore_mem>>) src(%dma_wait3A_262 : memref<128x128xf32, #tpu.memory_space<hbm>>) dst(%dma_wait3A_259 : memref<128x128xf32, #tpu.memory_space<vmem>>)
        %dma_wait3A_263 = arith.constant 2 : i32
        %dma_wait3A_264 = arith.constant 0 : i32
        %dma_wait3A_265 = arith.constant 0 : i32
        %dma_wait3A_266 = tpu.memref_slice %arg9[%dma_wait3A_263, %dma_wait3A_264, %dma_wait3A_265] : memref<3x128x128xf32, #tpu.memory_space<vmem>> -> memref<1x128x128xf32, #tpu.memory_space<vmem>>
        %dma_wait3A_267 = tpu.memref_squeeze %dma_wait3A_266 : memref<1x128x128xf32, #tpu.memory_space<vmem>> -> memref<128x128xf32, #tpu.memory_space<vmem>>
        %dma_wait3A_268 = arith.constant 0 : i32
        %dma_wait3A_269 = arith.constant 0 : i32
        %dma_wait3A_270 = tpu.memref_slice %arg4[%dma_wait3A_268, %dma_wait3A_269] : memref<632x128xf32, #tpu.memory_space<hbm>> -> memref<128x128xf32, #tpu.memory_space<hbm>>
        %dma_wait3A_271 = arith.constant 0 : i32
        %dma_wait3A_272 = arith.constant 0 : i32
        %dma_wait3A_273 = tpu.memref_slice %arg9[%dma_wait3A_263, %dma_wait3A_271, %dma_wait3A_272] : memref<3x128x128xf32, #tpu.memory_space<vmem>> -> memref<1x128x128xf32, #tpu.memory_space<vmem>>
        %dma_wait3A_274 = tpu.memref_squeeze %dma_wait3A_273 : memref<1x128x128xf32, #tpu.memory_space<vmem>> -> memref<128x128xf32, #tpu.memory_space<vmem>>
        %dma_wait3A_275 = arith.constant 0 : i32
        %dma_wait3A_276 = arith.constant 0 : i32
        %dma_wait3A_277 = tpu.memref_slice %arg4[%dma_wait3A_275, %dma_wait3A_276] : memref<632x128xf32, #tpu.memory_space<hbm>> -> memref<128x128xf32, #tpu.memory_space<hbm>>
        tpu.wait_dma2 semaphore(%arg12 : memref<!tpu.dma_semaphore, #tpu.memory_space<semaphore_mem>>) src(%dma_wait3A_277 : memref<128x128xf32, #tpu.memory_space<hbm>>) dst(%dma_wait3A_274 : memref<128x128xf32, #tpu.memory_space<vmem>>)
      } else {
      }
      %mul3A_114 = arith.constant 3 : i32
      %mul3A_115 = arith.muli %scan3A_111, %mul3A_114 : i32
      %add3A_116 = arith.addi %add3A_7, %mul3A_115 : i32
      "tpu.region"() ({
        %run_scoped3A_233 = tpu.sem_alloc : memref<!tpu.dma_semaphore, #tpu.memory_space<semaphore_mem>>
        %dma_start3A_234 = arith.constant 0 : i32
        %dma_start3A_235 = arith.constant 0 : i32
        %dma_start3A_236 = tpu.memref_slice %arg3[%add3A_116, %dma_start3A_234, %dma_start3A_235] : memref<5088x2x128xi32, #tpu.memory_space<hbm>> -> memref<3x2x128xi32, #tpu.memory_space<hbm>>
        %dma_start3A_237 = arith.constant 0 : i32
        %dma_start3A_238 = arith.constant 0 : i32
        %dma_start3A_239 = tpu.memref_slice %arg3[%add3A_116, %dma_start3A_237, %dma_start3A_238] : memref<5088x2x128xi32, #tpu.memory_space<hbm>> -> memref<3x2x128xi32, #tpu.memory_space<hbm>>
        tpu.enqueue_dma source(%dma_start3A_239 : memref<3x2x128xi32, #tpu.memory_space<hbm>>) target(%arg8 : memref<3x2x128xi32, #tpu.memory_space<vmem>>) target_semaphore(%run_scoped3A_233 : memref<!tpu.dma_semaphore, #tpu.memory_space<semaphore_mem>>)
        %dma_wait3A_240 = arith.constant 0 : i32
        %dma_wait3A_241 = arith.constant 0 : i32
        %dma_wait3A_242 = tpu.memref_slice %arg3[%add3A_116, %dma_wait3A_240, %dma_wait3A_241] : memref<5088x2x128xi32, #tpu.memory_space<hbm>> -> memref<3x2x128xi32, #tpu.memory_space<hbm>>
        %dma_wait3A_243 = arith.constant 0 : i32
        %dma_wait3A_244 = arith.constant 0 : i32
        %dma_wait3A_245 = tpu.memref_slice %arg3[%add3A_116, %dma_wait3A_243, %dma_wait3A_244] : memref<5088x2x128xi32, #tpu.memory_space<hbm>> -> memref<3x2x128xi32, #tpu.memory_space<hbm>>
        tpu.wait_dma2 semaphore(%run_scoped3A_233 : memref<!tpu.dma_semaphore, #tpu.memory_space<semaphore_mem>>) src(%dma_wait3A_245 : memref<3x2x128xi32, #tpu.memory_space<hbm>>) dst(%arg8 : memref<3x2x128xi32, #tpu.memory_space<vmem>>)
        tpu.yield
      }) : () -> ()
      %dma_start3A = arith.constant 0 : i32
      %dma_start3A_117 = arith.constant 0 : i32
      %dma_start3A_118 = arith.constant 0 : i32
      %dma_start3A_119 = arith.constant 0 : i32
      %dma_start3A_120 = arith.constant 0 : i32
      %dma_start3A_121 = tpu.memref_slice %arg9[%dma_start3A_118, %dma_start3A_119, %dma_start3A_120] : memref<3x128x128xf32, #tpu.memory_space<vmem>> -> memref<1x128x128xf32, #tpu.memory_space<vmem>>
      %dma_start3A_122 = tpu.memref_squeeze %dma_start3A_121 : memref<1x128x128xf32, #tpu.memory_space<vmem>> -> memref<128x128xf32, #tpu.memory_space<vmem>>
      %dma_start3A_123 = arith.constant 0 : i32
      %dma_start3A_124 = tpu.memref_slice %arg8[%dma_start3A, %dma_start3A_117, %dma_start3A_123] : memref<3x2x128xi32, #tpu.memory_space<vmem>> -> memref<1x1x128xi32, #tpu.memory_space<vmem>>
      %dma_start3A_125 = tpu.memref_squeeze %dma_start3A_124 : memref<1x1x128xi32, #tpu.memory_space<vmem>> -> memref<128xi32, #tpu.memory_space<vmem>>
      %dma_start3A_126 = arith.constant 0 : i32
      %dma_start3A_127 = arith.constant 0 : i32
      %dma_start3A_128 = tpu.memref_slice %arg2[%dma_start3A_126, %dma_start3A_127] : memref<20000x128xf32, #tpu.memory_space<hbm>> -> memref<20000x128xf32, #tpu.memory_space<hbm>>
      tpu.enqueue_indirect_dma source(%dma_start3A_128 : memref<20000x128xf32, #tpu.memory_space<hbm>>) target(%dma_start3A_122 : memref<128x128xf32, #tpu.memory_space<vmem>>) offsets(%dma_start3A_125 : memref<128xi32, #tpu.memory_space<vmem>>) semaphore(%arg11 : memref<!tpu.dma_semaphore, #tpu.memory_space<semaphore_mem>>)
      %dma_start3A_129 = arith.constant 1 : i32
      %dma_start3A_130 = arith.constant 0 : i32
      %dma_start3A_131 = arith.constant 1 : i32
      %dma_start3A_132 = arith.constant 0 : i32
      %dma_start3A_133 = arith.constant 0 : i32
      %dma_start3A_134 = tpu.memref_slice %arg9[%dma_start3A_131, %dma_start3A_132, %dma_start3A_133] : memref<3x128x128xf32, #tpu.memory_space<vmem>> -> memref<1x128x128xf32, #tpu.memory_space<vmem>>
      %dma_start3A_135 = tpu.memref_squeeze %dma_start3A_134 : memref<1x128x128xf32, #tpu.memory_space<vmem>> -> memref<128x128xf32, #tpu.memory_space<vmem>>
      %dma_start3A_136 = arith.constant 0 : i32
      %dma_start3A_137 = tpu.memref_slice %arg8[%dma_start3A_129, %dma_start3A_130, %dma_start3A_136] : memref<3x2x128xi32, #tpu.memory_space<vmem>> -> memref<1x1x128xi32, #tpu.memory_space<vmem>>
      %dma_start3A_138 = tpu.memref_squeeze %dma_start3A_137 : memref<1x1x128xi32, #tpu.memory_space<vmem>> -> memref<128xi32, #tpu.memory_space<vmem>>
      %dma_start3A_139 = arith.constant 0 : i32
      %dma_start3A_140 = arith.constant 0 : i32
      %dma_start3A_141 = tpu.memref_slice %arg2[%dma_start3A_139, %dma_start3A_140] : memref<20000x128xf32, #tpu.memory_space<hbm>> -> memref<20000x128xf32, #tpu.memory_space<hbm>>
      tpu.enqueue_indirect_dma source(%dma_start3A_141 : memref<20000x128xf32, #tpu.memory_space<hbm>>) target(%dma_start3A_135 : memref<128x128xf32, #tpu.memory_space<vmem>>) offsets(%dma_start3A_138 : memref<128xi32, #tpu.memory_space<vmem>>) semaphore(%arg11 : memref<!tpu.dma_semaphore, #tpu.memory_space<semaphore_mem>>)
      %dma_start3A_142 = arith.constant 2 : i32
      %dma_start3A_143 = arith.constant 0 : i32
      %dma_start3A_144 = arith.constant 2 : i32
      %dma_start3A_145 = arith.constant 0 : i32
      %dma_start3A_146 = arith.constant 0 : i32
      %dma_start3A_147 = tpu.memref_slice %arg9[%dma_start3A_144, %dma_start3A_145, %dma_start3A_146] : memref<3x128x128xf32, #tpu.memory_space<vmem>> -> memref<1x128x128xf32, #tpu.memory_space<vmem>>
      %dma_start3A_148 = tpu.memref_squeeze %dma_start3A_147 : memref<1x128x128xf32, #tpu.memory_space<vmem>> -> memref<128x128xf32, #tpu.memory_space<vmem>>
      %dma_start3A_149 = arith.constant 0 : i32
      %dma_start3A_150 = tpu.memref_slice %arg8[%dma_start3A_142, %dma_start3A_143, %dma_start3A_149] : memref<3x2x128xi32, #tpu.memory_space<vmem>> -> memref<1x1x128xi32, #tpu.memory_space<vmem>>
      %dma_start3A_151 = tpu.memref_squeeze %dma_start3A_150 : memref<1x1x128xi32, #tpu.memory_space<vmem>> -> memref<128xi32, #tpu.memory_space<vmem>>
      %dma_start3A_152 = arith.constant 0 : i32
      %dma_start3A_153 = arith.constant 0 : i32
      %dma_start3A_154 = tpu.memref_slice %arg2[%dma_start3A_152, %dma_start3A_153] : memref<20000x128xf32, #tpu.memory_space<hbm>> -> memref<20000x128xf32, #tpu.memory_space<hbm>>
      tpu.enqueue_indirect_dma source(%dma_start3A_154 : memref<20000x128xf32, #tpu.memory_space<hbm>>) target(%dma_start3A_148 : memref<128x128xf32, #tpu.memory_space<vmem>>) offsets(%dma_start3A_151 : memref<128xi32, #tpu.memory_space<vmem>>) semaphore(%arg11 : memref<!tpu.dma_semaphore, #tpu.memory_space<semaphore_mem>>)
      %dma_wait3A_155 = arith.constant 0 : i32
      %dma_wait3A_156 = arith.constant 0 : i32
      %dma_wait3A_157 = arith.constant 0 : i32
      %dma_wait3A_158 = arith.constant 0 : i32
      %dma_wait3A_159 = arith.constant 0 : i32
      %dma_wait3A_160 = tpu.memref_slice %arg9[%dma_wait3A_157, %dma_wait3A_158, %dma_wait3A_159] : memref<3x128x128xf32, #tpu.memory_space<vmem>> -> memref<1x128x128xf32, #tpu.memory_space<vmem>>
      %dma_wait3A_161 = tpu.memref_squeeze %dma_wait3A_160 : memref<1x128x128xf32, #tpu.memory_space<vmem>> -> memref<128x128xf32, #tpu.memory_space<vmem>>
      %dma_wait3A_162 = arith.constant 0 : i32
      %dma_wait3A_163 = tpu.memref_slice %arg8[%dma_wait3A_155, %dma_wait3A_156, %dma_wait3A_162] : memref<3x2x128xi32, #tpu.memory_space<vmem>> -> memref<1x1x128xi32, #tpu.memory_space<vmem>>
      %dma_wait3A_164 = tpu.memref_squeeze %dma_wait3A_163 : memref<1x1x128xi32, #tpu.memory_space<vmem>> -> memref<128xi32, #tpu.memory_space<vmem>>
      %dma_wait3A_165 = arith.constant 0 : i32
      %dma_wait3A_166 = arith.constant 0 : i32
      %dma_wait3A_167 = tpu.memref_slice %arg2[%dma_wait3A_165, %dma_wait3A_166] : memref<20000x128xf32, #tpu.memory_space<hbm>> -> memref<20000x128xf32, #tpu.memory_space<hbm>>
      tpu.wait_indirect_dma semaphore(%arg11 : memref<!tpu.dma_semaphore, #tpu.memory_space<semaphore_mem>>) src(%dma_wait3A_167 : memref<20000x128xf32, #tpu.memory_space<hbm>>) dst(%dma_wait3A_161 : memref<128x128xf32, #tpu.memory_space<vmem>>)
      %dma_wait3A_168 = arith.constant 1 : i32
      %dma_wait3A_169 = arith.constant 0 : i32
      %dma_wait3A_170 = arith.constant 1 : i32
      %dma_wait3A_171 = arith.constant 0 : i32
      %dma_wait3A_172 = arith.constant 0 : i32
      %dma_wait3A_173 = tpu.memref_slice %arg9[%dma_wait3A_170, %dma_wait3A_171, %dma_wait3A_172] : memref<3x128x128xf32, #tpu.memory_space<vmem>> -> memref<1x128x128xf32, #tpu.memory_space<vmem>>
      %dma_wait3A_174 = tpu.memref_squeeze %dma_wait3A_173 : memref<1x128x128xf32, #tpu.memory_space<vmem>> -> memref<128x128xf32, #tpu.memory_space<vmem>>
      %dma_wait3A_175 = arith.constant 0 : i32
      %dma_wait3A_176 = tpu.memref_slice %arg8[%dma_wait3A_168, %dma_wait3A_169, %dma_wait3A_175] : memref<3x2x128xi32, #tpu.memory_space<vmem>> -> memref<1x1x128xi32, #tpu.memory_space<vmem>>
      %dma_wait3A_177 = tpu.memref_squeeze %dma_wait3A_176 : memref<1x1x128xi32, #tpu.memory_space<vmem>> -> memref<128xi32, #tpu.memory_space<vmem>>
      %dma_wait3A_178 = arith.constant 0 : i32
      %dma_wait3A_179 = arith.constant 0 : i32
      %dma_wait3A_180 = tpu.memref_slice %arg2[%dma_wait3A_178, %dma_wait3A_179] : memref<20000x128xf32, #tpu.memory_space<hbm>> -> memref<20000x128xf32, #tpu.memory_space<hbm>>
      tpu.wait_indirect_dma semaphore(%arg11 : memref<!tpu.dma_semaphore, #tpu.memory_space<semaphore_mem>>) src(%dma_wait3A_180 : memref<20000x128xf32, #tpu.memory_space<hbm>>) dst(%dma_wait3A_174 : memref<128x128xf32, #tpu.memory_space<vmem>>)
      %dma_wait3A_181 = arith.constant 2 : i32
      %dma_wait3A_182 = arith.constant 0 : i32
      %dma_wait3A_183 = arith.constant 2 : i32
      %dma_wait3A_184 = arith.constant 0 : i32
      %dma_wait3A_185 = arith.constant 0 : i32
      %dma_wait3A_186 = tpu.memref_slice %arg9[%dma_wait3A_183, %dma_wait3A_184, %dma_wait3A_185] : memref<3x128x128xf32, #tpu.memory_space<vmem>> -> memref<1x128x128xf32, #tpu.memory_space<vmem>>
      %dma_wait3A_187 = tpu.memref_squeeze %dma_wait3A_186 : memref<1x128x128xf32, #tpu.memory_space<vmem>> -> memref<128x128xf32, #tpu.memory_space<vmem>>
      %dma_wait3A_188 = arith.constant 0 : i32
      %dma_wait3A_189 = tpu.memref_slice %arg8[%dma_wait3A_181, %dma_wait3A_182, %dma_wait3A_188] : memref<3x2x128xi32, #tpu.memory_space<vmem>> -> memref<1x1x128xi32, #tpu.memory_space<vmem>>
      %dma_wait3A_190 = tpu.memref_squeeze %dma_wait3A_189 : memref<1x1x128xi32, #tpu.memory_space<vmem>> -> memref<128xi32, #tpu.memory_space<vmem>>
      %dma_wait3A_191 = arith.constant 0 : i32
      %dma_wait3A_192 = arith.constant 0 : i32
      %dma_wait3A_193 = tpu.memref_slice %arg2[%dma_wait3A_191, %dma_wait3A_192] : memref<20000x128xf32, #tpu.memory_space<hbm>> -> memref<20000x128xf32, #tpu.memory_space<hbm>>
      tpu.wait_indirect_dma semaphore(%arg11 : memref<!tpu.dma_semaphore, #tpu.memory_space<semaphore_mem>>) src(%dma_wait3A_193 : memref<20000x128xf32, #tpu.memory_space<hbm>>) dst(%dma_wait3A_187 : memref<128x128xf32, #tpu.memory_space<vmem>>)
      %dma_start3A_194 = arith.constant 0 : i32
      %dma_start3A_195 = arith.constant 0 : i32
      %dma_start3A_196 = arith.constant 1 : i32
      %dma_start3A_197 = arith.constant 0 : i32
      %dma_start3A_198 = arith.constant 0 : i32
      %dma_start3A_199 = tpu.memref_slice %arg9[%dma_start3A_194, %dma_start3A_197, %dma_start3A_198] : memref<3x128x128xf32, #tpu.memory_space<vmem>> -> memref<1x128x128xf32, #tpu.memory_space<vmem>>
      %dma_start3A_200 = tpu.memref_squeeze %dma_start3A_199 : memref<1x128x128xf32, #tpu.memory_space<vmem>> -> memref<128x128xf32, #tpu.memory_space<vmem>>
      %dma_start3A_201 = arith.constant 0 : i32
      %dma_start3A_202 = tpu.memref_slice %arg8[%dma_start3A_195, %dma_start3A_196, %dma_start3A_201] : memref<3x2x128xi32, #tpu.memory_space<vmem>> -> memref<1x1x128xi32, #tpu.memory_space<vmem>>
      %dma_start3A_203 = tpu.memref_squeeze %dma_start3A_202 : memref<1x1x128xi32, #tpu.memory_space<vmem>> -> memref<128xi32, #tpu.memory_space<vmem>>
      %dma_start3A_204 = arith.constant 0 : i32
      %dma_start3A_205 = arith.constant 0 : i32
      %dma_start3A_206 = tpu.memref_slice %arg10[%dma_start3A_204, %dma_start3A_205] : memref<10112x128xf32, #tpu.memory_space<vmem_shared>> -> memref<10112x128xf32, #tpu.memory_space<vmem_shared>>
      tpu.enqueue_indirect_dma source(%dma_start3A_200 : memref<128x128xf32, #tpu.memory_space<vmem>>) target(%dma_start3A_206 : memref<10112x128xf32, #tpu.memory_space<vmem_shared>>) offsets(%dma_start3A_203 : memref<128xi32, #tpu.memory_space<vmem>>) semaphore(%arg12 : memref<!tpu.dma_semaphore, #tpu.memory_space<semaphore_mem>>) {add = true}
      %dma_start3A_207 = arith.constant 1 : i32
      %dma_start3A_208 = arith.constant 1 : i32
      %dma_start3A_209 = arith.constant 1 : i32
      %dma_start3A_210 = arith.constant 0 : i32
      %dma_start3A_211 = arith.constant 0 : i32
      %dma_start3A_212 = tpu.memref_slice %arg9[%dma_start3A_207, %dma_start3A_210, %dma_start3A_211] : memref<3x128x128xf32, #tpu.memory_space<vmem>> -> memref<1x128x128xf32, #tpu.memory_space<vmem>>
      %dma_start3A_213 = tpu.memref_squeeze %dma_start3A_212 : memref<1x128x128xf32, #tpu.memory_space<vmem>> -> memref<128x128xf32, #tpu.memory_space<vmem>>
      %dma_start3A_214 = arith.constant 0 : i32
      %dma_start3A_215 = tpu.memref_slice %arg8[%dma_start3A_208, %dma_start3A_209, %dma_start3A_214] : memref<3x2x128xi32, #tpu.memory_space<vmem>> -> memref<1x1x128xi32, #tpu.memory_space<vmem>>
      %dma_start3A_216 = tpu.memref_squeeze %dma_start3A_215 : memref<1x1x128xi32, #tpu.memory_space<vmem>> -> memref<128xi32, #tpu.memory_space<vmem>>
      %dma_start3A_217 = arith.constant 0 : i32
      %dma_start3A_218 = arith.constant 0 : i32
      %dma_start3A_219 = tpu.memref_slice %arg10[%dma_start3A_217, %dma_start3A_218] : memref<10112x128xf32, #tpu.memory_space<vmem_shared>> -> memref<10112x128xf32, #tpu.memory_space<vmem_shared>>
      tpu.enqueue_indirect_dma source(%dma_start3A_213 : memref<128x128xf32, #tpu.memory_space<vmem>>) target(%dma_start3A_219 : memref<10112x128xf32, #tpu.memory_space<vmem_shared>>) offsets(%dma_start3A_216 : memref<128xi32, #tpu.memory_space<vmem>>) semaphore(%arg12 : memref<!tpu.dma_semaphore, #tpu.memory_space<semaphore_mem>>) {add = true}
      %dma_start3A_220 = arith.constant 2 : i32
      %dma_start3A_221 = arith.constant 2 : i32
      %dma_start3A_222 = arith.constant 1 : i32
      %dma_start3A_223 = arith.constant 0 : i32
      %dma_start3A_224 = arith.constant 0 : i32
      %dma_start3A_225 = tpu.memref_slice %arg9[%dma_start3A_220, %dma_start3A_223, %dma_start3A_224] : memref<3x128x128xf32, #tpu.memory_space<vmem>> -> memref<1x128x128xf32, #tpu.memory_space<vmem>>
      %dma_start3A_226 = tpu.memref_squeeze %dma_start3A_225 : memref<1x128x128xf32, #tpu.memory_space<vmem>> -> memref<128x128xf32, #tpu.memory_space<vmem>>
      %dma_start3A_227 = arith.constant 0 : i32
      %dma_start3A_228 = tpu.memref_slice %arg8[%dma_start3A_221, %dma_start3A_222, %dma_start3A_227] : memref<3x2x128xi32, #tpu.memory_space<vmem>> -> memref<1x1x128xi32, #tpu.memory_space<vmem>>
      %dma_start3A_229 = tpu.memref_squeeze %dma_start3A_228 : memref<1x1x128xi32, #tpu.memory_space<vmem>> -> memref<128xi32, #tpu.memory_space<vmem>>
      %dma_start3A_230 = arith.constant 0 : i32
      %dma_start3A_231 = arith.constant 0 : i32
      %dma_start3A_232 = tpu.memref_slice %arg10[%dma_start3A_230, %dma_start3A_231] : memref<10112x128xf32, #tpu.memory_space<vmem_shared>> -> memref<10112x128xf32, #tpu.memory_space<vmem_shared>>
      tpu.enqueue_indirect_dma source(%dma_start3A_226 : memref<128x128xf32, #tpu.memory_space<vmem>>) target(%dma_start3A_232 : memref<10112x128xf32, #tpu.memory_space<vmem_shared>>) offsets(%dma_start3A_229 : memref<128xi32, #tpu.memory_space<vmem>>) semaphore(%arg12 : memref<!tpu.dma_semaphore, #tpu.memory_space<semaphore_mem>>) {add = true}
    }
    %scan3A_64 = arith.constant 53 : i32
    %dma_wait3A_65 = arith.constant 0 : i32
    %dma_wait3A_66 = arith.constant 0 : i32
    %dma_wait3A_67 = arith.constant 0 : i32
    %dma_wait3A_68 = tpu.memref_slice %arg9[%dma_wait3A_65, %dma_wait3A_66, %dma_wait3A_67] : memref<3x128x128xf32, #tpu.memory_space<vmem>> -> memref<1x128x128xf32, #tpu.memory_space<vmem>>
    %dma_wait3A_69 = tpu.memref_squeeze %dma_wait3A_68 : memref<1x128x128xf32, #tpu.memory_space<vmem>> -> memref<128x128xf32, #tpu.memory_space<vmem>>
    %dma_wait3A_70 = arith.constant 0 : i32
    %dma_wait3A_71 = arith.constant 0 : i32
    %dma_wait3A_72 = tpu.memref_slice %arg4[%dma_wait3A_70, %dma_wait3A_71] : memref<632x128xf32, #tpu.memory_space<hbm>> -> memref<128x128xf32, #tpu.memory_space<hbm>>
    %dma_wait3A_73 = arith.constant 0 : i32
    %dma_wait3A_74 = arith.constant 0 : i32
    %dma_wait3A_75 = tpu.memref_slice %arg9[%dma_wait3A_65, %dma_wait3A_73, %dma_wait3A_74] : memref<3x128x128xf32, #tpu.memory_space<vmem>> -> memref<1x128x128xf32, #tpu.memory_space<vmem>>
    %dma_wait3A_76 = tpu.memref_squeeze %dma_wait3A_75 : memref<1x128x128xf32, #tpu.memory_space<vmem>> -> memref<128x128xf32, #tpu.memory_space<vmem>>
    %dma_wait3A_77 = arith.constant 0 : i32
    %dma_wait3A_78 = arith.constant 0 : i32
    %dma_wait3A_79 = tpu.memref_slice %arg4[%dma_wait3A_77, %dma_wait3A_78] : memref<632x128xf32, #tpu.memory_space<hbm>> -> memref<128x128xf32, #tpu.memory_space<hbm>>
    tpu.wait_dma2 semaphore(%arg12 : memref<!tpu.dma_semaphore, #tpu.memory_space<semaphore_mem>>) src(%dma_wait3A_79 : memref<128x128xf32, #tpu.memory_space<hbm>>) dst(%dma_wait3A_76 : memref<128x128xf32, #tpu.memory_space<vmem>>)
    %dma_wait3A_80 = arith.constant 1 : i32
    %dma_wait3A_81 = arith.constant 0 : i32
    %dma_wait3A_82 = arith.constant 0 : i32
    %dma_wait3A_83 = tpu.memref_slice %arg9[%dma_wait3A_80, %dma_wait3A_81, %dma_wait3A_82] : memref<3x128x128xf32, #tpu.memory_space<vmem>> -> memref<1x128x128xf32, #tpu.memory_space<vmem>>
    %dma_wait3A_84 = tpu.memref_squeeze %dma_wait3A_83 : memref<1x128x128xf32, #tpu.memory_space<vmem>> -> memref<128x128xf32, #tpu.memory_space<vmem>>
    %dma_wait3A_85 = arith.constant 0 : i32
    %dma_wait3A_86 = arith.constant 0 : i32
    %dma_wait3A_87 = tpu.memref_slice %arg4[%dma_wait3A_85, %dma_wait3A_86] : memref<632x128xf32, #tpu.memory_space<hbm>> -> memref<128x128xf32, #tpu.memory_space<hbm>>
    %dma_wait3A_88 = arith.constant 0 : i32
    %dma_wait3A_89 = arith.constant 0 : i32
    %dma_wait3A_90 = tpu.memref_slice %arg9[%dma_wait3A_80, %dma_wait3A_88, %dma_wait3A_89] : memref<3x128x128xf32, #tpu.memory_space<vmem>> -> memref<1x128x128xf32, #tpu.memory_space<vmem>>
    %dma_wait3A_91 = tpu.memref_squeeze %dma_wait3A_90 : memref<1x128x128xf32, #tpu.memory_space<vmem>> -> memref<128x128xf32, #tpu.memory_space<vmem>>
    %dma_wait3A_92 = arith.constant 0 : i32
    %dma_wait3A_93 = arith.constant 0 : i32
    %dma_wait3A_94 = tpu.memref_slice %arg4[%dma_wait3A_92, %dma_wait3A_93] : memref<632x128xf32, #tpu.memory_space<hbm>> -> memref<128x128xf32, #tpu.memory_space<hbm>>
    tpu.wait_dma2 semaphore(%arg12 : memref<!tpu.dma_semaphore, #tpu.memory_space<semaphore_mem>>) src(%dma_wait3A_94 : memref<128x128xf32, #tpu.memory_space<hbm>>) dst(%dma_wait3A_91 : memref<128x128xf32, #tpu.memory_space<vmem>>)
    %dma_wait3A_95 = arith.constant 2 : i32
    %dma_wait3A_96 = arith.constant 0 : i32
    %dma_wait3A_97 = arith.constant 0 : i32
    %dma_wait3A_98 = tpu.memref_slice %arg9[%dma_wait3A_95, %dma_wait3A_96, %dma_wait3A_97] : memref<3x128x128xf32, #tpu.memory_space<vmem>> -> memref<1x128x128xf32, #tpu.memory_space<vmem>>
    %dma_wait3A_99 = tpu.memref_squeeze %dma_wait3A_98 : memref<1x128x128xf32, #tpu.memory_space<vmem>> -> memref<128x128xf32, #tpu.memory_space<vmem>>
    %dma_wait3A_100 = arith.constant 0 : i32
    %dma_wait3A_101 = arith.constant 0 : i32
    %dma_wait3A_102 = tpu.memref_slice %arg4[%dma_wait3A_100, %dma_wait3A_101] : memref<632x128xf32, #tpu.memory_space<hbm>> -> memref<128x128xf32, #tpu.memory_space<hbm>>
    %dma_wait3A_103 = arith.constant 0 : i32
    %dma_wait3A_104 = arith.constant 0 : i32
    %dma_wait3A_105 = tpu.memref_slice %arg9[%dma_wait3A_95, %dma_wait3A_103, %dma_wait3A_104] : memref<3x128x128xf32, #tpu.memory_space<vmem>> -> memref<1x128x128xf32, #tpu.memory_space<vmem>>
    %dma_wait3A_106 = tpu.memref_squeeze %dma_wait3A_105 : memref<1x128x128xf32, #tpu.memory_space<vmem>> -> memref<128x128xf32, #tpu.memory_space<vmem>>
    %dma_wait3A_107 = arith.constant 0 : i32
    %dma_wait3A_108 = arith.constant 0 : i32
    %dma_wait3A_109 = tpu.memref_slice %arg4[%dma_wait3A_107, %dma_wait3A_108] : memref<632x128xf32, #tpu.memory_space<hbm>> -> memref<128x128xf32, #tpu.memory_space<hbm>>
    tpu.wait_dma2 semaphore(%arg12 : memref<!tpu.dma_semaphore, #tpu.memory_space<semaphore_mem>>) src(%dma_wait3A_109 : memref<128x128xf32, #tpu.memory_space<hbm>>) dst(%dma_wait3A_106 : memref<128x128xf32, #tpu.memory_space<vmem>>)
    %barrier3A_110 = arith.constant 0 : index
    tpu.barrier barrier_id(%barrier3A_110)
    "tpu.region"() ({
      %run_scoped3A_111 = tpu.sem_alloc : memref<!tpu.dma_semaphore, #tpu.memory_space<semaphore_mem>>
      %dma_start3A = arith.constant 0 : i32
      %dma_start3A_112 = tpu.memref_slice %arg6[%add3A, %dma_start3A] : memref<20224x128xf32, #tpu.memory_space<hbm>> -> memref<632x128xf32, #tpu.memory_space<hbm>>
      %dma_start3A_113 = arith.constant 0 : i32
      %dma_start3A_114 = tpu.memref_slice %arg10[%mul3A_0, %dma_start3A_113] : memref<10112x128xf32, #tpu.memory_space<vmem_shared>> -> memref<632x128xf32, #tpu.memory_space<vmem_shared>>
      tpu.enqueue_dma source(%dma_start3A_114 : memref<632x128xf32, #tpu.memory_space<vmem_shared>>) target(%dma_start3A_112 : memref<632x128xf32, #tpu.memory_space<hbm>>) target_semaphore(%run_scoped3A_111 : memref<!tpu.dma_semaphore, #tpu.memory_space<semaphore_mem>>)
      %dma_wait3A_115 = arith.constant 0 : i32
      %dma_wait3A_116 = tpu.memref_slice %arg6[%add3A, %dma_wait3A_115] : memref<20224x128xf32, #tpu.memory_space<hbm>> -> memref<632x128xf32, #tpu.memory_space<hbm>>
      %dma_wait3A_117 = arith.constant 0 : i32
      %dma_wait3A_118 = tpu.memref_slice %arg10[%mul3A_0, %dma_wait3A_117] : memref<10112x128xf32, #tpu.memory_space<vmem_shared>> -> memref<632x128xf32, #tpu.memory_space<vmem_shared>>
      tpu.wait_dma2 semaphore(%run_scoped3A_111 : memref<!tpu.dma_semaphore, #tpu.memory_space<semaphore_mem>>) src(%dma_wait3A_118 : memref<632x128xf32, #tpu.memory_space<vmem_shared>>) dst(%dma_wait3A_116 : memref<632x128xf32, #tpu.memory_space<hbm>>)
      tpu.yield
    }) : () -> ()
    return
  }
}

#map = affine_map<(d0, d1) -> (0, 0)>
#map1 = affine_map<(d0, d1) -> (0, 0, 0)>
module attributes {stable_mosaic.version = 14 : i64} {
  func.func @body(%arg0: i32, %arg1: i32, %arg2: memref<20000x128xf32, #tpu.memory_space<hbm>>, %arg3: memref<5088x2x128xi32, #tpu.memory_space<hbm>>, %arg4: memref<632x128xf32, #tpu.memory_space<hbm>>, %arg5: memref<20224x128xf32, #tpu.memory_space<hbm>>, %arg6: memref<3x2x128xi32, #tpu.memory_space<vmem>>, %arg7: memref<3x128x128xf32, #tpu.memory_space<vmem>>, %arg8: memref<10112x128xf32, #tpu.memory_space<vmem_shared>>, %arg9: memref<!tpu.dma_semaphore, #tpu.memory_space<semaphore_mem>>, %arg10: memref<!tpu.dma_semaphore, #tpu.memory_space<semaphore_mem>>) attributes {dimension_semantics = [#tpu.dimension_semantics<core_parallel>, #tpu.dimension_semantics<subcore_parallel>], iteration_bounds = array<i64: 2, 16>, scalar_prefetch = 0 : i64, scratch_operands = 5 : i64, tpu.core_type = #tpu.core_type<sc_vector_subcore>, window_params = [{transform_indices = #map}, {transform_indices = #map1}, {transform_indices = #map}, {transform_indices = #map}]} {
    %mul3A = arith.constant 632 : i32
    %mul3A_0 = arith.muli %arg1, %mul3A : i32
    %mul3A_1 = arith.constant 10112 : i32
    %mul3A_2 = arith.muli %arg0, %mul3A_1 : i32
    %add3A = arith.addi %mul3A_2, %mul3A_0 : i32
    %mul3A_3 = arith.constant 2544 : i32
    %mul3A_4 = arith.muli %arg0, %mul3A_3 : i32
    %mul3A_5 = arith.constant 159 : i32
    %mul3A_6 = arith.muli %arg1, %mul3A_5 : i32
    %add3A_7 = arith.addi %mul3A_4, %mul3A_6 : i32
    "tpu.region"() ({
      %run_scoped3A = tpu.sem_alloc : memref<!tpu.dma_semaphore, #tpu.memory_space<semaphore_mem>>
      %dma_start3A = arith.constant 0 : i32
      %dma_start3A_58 = tpu.memref_slice %arg8[%mul3A_0, %dma_start3A] : memref<10112x128xf32, #tpu.memory_space<vmem_shared>> -> memref<632x128xf32, #tpu.memory_space<vmem_shared>>
      tpu.enqueue_dma source(%arg4 : memref<632x128xf32, #tpu.memory_space<hbm>>) target(%dma_start3A_58 : memref<632x128xf32, #tpu.memory_space<vmem_shared>>) target_semaphore(%run_scoped3A : memref<!tpu.dma_semaphore, #tpu.memory_space<semaphore_mem>>)
      %dma_wait3A_59 = arith.constant 0 : i32
      %dma_wait3A_60 = tpu.memref_slice %arg8[%mul3A_0, %dma_wait3A_59] : memref<10112x128xf32, #tpu.memory_space<vmem_shared>> -> memref<632x128xf32, #tpu.memory_space<vmem_shared>>
      tpu.wait_dma2 semaphore(%run_scoped3A : memref<!tpu.dma_semaphore, #tpu.memory_space<semaphore_mem>>) src(%arg4 : memref<632x128xf32, #tpu.memory_space<hbm>>) dst(%dma_wait3A_60 : memref<632x128xf32, #tpu.memory_space<vmem_shared>>)
      tpu.yield
    }) : () -> ()
    %barrier3A = arith.constant 0 : index
    tpu.barrier barrier_id(%barrier3A)
    %scan3A = arith.constant 0 : i32
    %scan3A_8 = arith.constant 0 : i32
    %scan3A_9 = arith.constant 53 : i32
    %scan3A_10 = arith.addi %scan3A_8, %scan3A_9 : i32
    %scan3A_11 = arith.constant 1 : i32
    scf.for %scan3A_58 = %scan3A_8 to %scan3A_10 step %scan3A_11  : i32 {
      %gt3A = arith.constant 0 : i32
      %gt3A_59 = arith.cmpi sgt, %scan3A_58, %gt3A : i32
      %convert_element_type3A = arith.extui %gt3A_59 : i1 to i32
      %cond3A = arith.constant 0 : i32
      %cond3A_60 = arith.cmpi ne, %convert_element_type3A, %cond3A : i32
      scf.if %cond3A_60 {
        %dma_wait3A_180 = arith.constant 0 : i32
        %dma_wait3A_181 = arith.constant 0 : i32
        %dma_wait3A_182 = arith.constant 0 : i32
        %dma_wait3A_183 = tpu.memref_slice %arg7[%dma_wait3A_180, %dma_wait3A_181, %dma_wait3A_182] : memref<3x128x128xf32, #tpu.memory_space<vmem>> -> memref<1x128x128xf32, #tpu.memory_space<vmem>>
        %dma_wait3A_184 = tpu.memref_squeeze %dma_wait3A_183 : memref<1x128x128xf32, #tpu.memory_space<vmem>> -> memref<128x128xf32, #tpu.memory_space<vmem>>
        %dma_wait3A_185 = arith.constant 0 : i32
        %dma_wait3A_186 = arith.constant 0 : i32
        %dma_wait3A_187 = tpu.memref_slice %arg4[%dma_wait3A_185, %dma_wait3A_186] : memref<632x128xf32, #tpu.memory_space<hbm>> -> memref<128x128xf32, #tpu.memory_space<hbm>>
        %dma_wait3A_188 = arith.constant 0 : i32
        %dma_wait3A_189 = arith.constant 0 : i32
        %dma_wait3A_190 = tpu.memref_slice %arg7[%dma_wait3A_180, %dma_wait3A_188, %dma_wait3A_189] : memref<3x128x128xf32, #tpu.memory_space<vmem>> -> memref<1x128x128xf32, #tpu.memory_space<vmem>>
        %dma_wait3A_191 = tpu.memref_squeeze %dma_wait3A_190 : memref<1x128x128xf32, #tpu.memory_space<vmem>> -> memref<128x128xf32, #tpu.memory_space<vmem>>
        %dma_wait3A_192 = arith.constant 0 : i32
        %dma_wait3A_193 = arith.constant 0 : i32
        %dma_wait3A_194 = tpu.memref_slice %arg4[%dma_wait3A_192, %dma_wait3A_193] : memref<632x128xf32, #tpu.memory_space<hbm>> -> memref<128x128xf32, #tpu.memory_space<hbm>>
        tpu.wait_dma2 semaphore(%arg10 : memref<!tpu.dma_semaphore, #tpu.memory_space<semaphore_mem>>) src(%dma_wait3A_194 : memref<128x128xf32, #tpu.memory_space<hbm>>) dst(%dma_wait3A_191 : memref<128x128xf32, #tpu.memory_space<vmem>>)
        %dma_wait3A_195 = arith.constant 1 : i32
        %dma_wait3A_196 = arith.constant 0 : i32
        %dma_wait3A_197 = arith.constant 0 : i32
        %dma_wait3A_198 = tpu.memref_slice %arg7[%dma_wait3A_195, %dma_wait3A_196, %dma_wait3A_197] : memref<3x128x128xf32, #tpu.memory_space<vmem>> -> memref<1x128x128xf32, #tpu.memory_space<vmem>>
        %dma_wait3A_199 = tpu.memref_squeeze %dma_wait3A_198 : memref<1x128x128xf32, #tpu.memory_space<vmem>> -> memref<128x128xf32, #tpu.memory_space<vmem>>
        %dma_wait3A_200 = arith.constant 0 : i32
        %dma_wait3A_201 = arith.constant 0 : i32
        %dma_wait3A_202 = tpu.memref_slice %arg4[%dma_wait3A_200, %dma_wait3A_201] : memref<632x128xf32, #tpu.memory_space<hbm>> -> memref<128x128xf32, #tpu.memory_space<hbm>>
        %dma_wait3A_203 = arith.constant 0 : i32
        %dma_wait3A_204 = arith.constant 0 : i32
        %dma_wait3A_205 = tpu.memref_slice %arg7[%dma_wait3A_195, %dma_wait3A_203, %dma_wait3A_204] : memref<3x128x128xf32, #tpu.memory_space<vmem>> -> memref<1x128x128xf32, #tpu.memory_space<vmem>>
        %dma_wait3A_206 = tpu.memref_squeeze %dma_wait3A_205 : memref<1x128x128xf32, #tpu.memory_space<vmem>> -> memref<128x128xf32, #tpu.memory_space<vmem>>
        %dma_wait3A_207 = arith.constant 0 : i32
        %dma_wait3A_208 = arith.constant 0 : i32
        %dma_wait3A_209 = tpu.memref_slice %arg4[%dma_wait3A_207, %dma_wait3A_208] : memref<632x128xf32, #tpu.memory_space<hbm>> -> memref<128x128xf32, #tpu.memory_space<hbm>>
        tpu.wait_dma2 semaphore(%arg10 : memref<!tpu.dma_semaphore, #tpu.memory_space<semaphore_mem>>) src(%dma_wait3A_209 : memref<128x128xf32, #tpu.memory_space<hbm>>) dst(%dma_wait3A_206 : memref<128x128xf32, #tpu.memory_space<vmem>>)
        %dma_wait3A_210 = arith.constant 2 : i32
        %dma_wait3A_211 = arith.constant 0 : i32
        %dma_wait3A_212 = arith.constant 0 : i32
        %dma_wait3A_213 = tpu.memref_slice %arg7[%dma_wait3A_210, %dma_wait3A_211, %dma_wait3A_212] : memref<3x128x128xf32, #tpu.memory_space<vmem>> -> memref<1x128x128xf32, #tpu.memory_space<vmem>>
        %dma_wait3A_214 = tpu.memref_squeeze %dma_wait3A_213 : memref<1x128x128xf32, #tpu.memory_space<vmem>> -> memref<128x128xf32, #tpu.memory_space<vmem>>
        %dma_wait3A_215 = arith.constant 0 : i32
        %dma_wait3A_216 = arith.constant 0 : i32
        %dma_wait3A_217 = tpu.memref_slice %arg4[%dma_wait3A_215, %dma_wait3A_216] : memref<632x128xf32, #tpu.memory_space<hbm>> -> memref<128x128xf32, #tpu.memory_space<hbm>>
        %dma_wait3A_218 = arith.constant 0 : i32
        %dma_wait3A_219 = arith.constant 0 : i32
        %dma_wait3A_220 = tpu.memref_slice %arg7[%dma_wait3A_210, %dma_wait3A_218, %dma_wait3A_219] : memref<3x128x128xf32, #tpu.memory_space<vmem>> -> memref<1x128x128xf32, #tpu.memory_space<vmem>>
        %dma_wait3A_221 = tpu.memref_squeeze %dma_wait3A_220 : memref<1x128x128xf32, #tpu.memory_space<vmem>> -> memref<128x128xf32, #tpu.memory_space<vmem>>
        %dma_wait3A_222 = arith.constant 0 : i32
        %dma_wait3A_223 = arith.constant 0 : i32
        %dma_wait3A_224 = tpu.memref_slice %arg4[%dma_wait3A_222, %dma_wait3A_223] : memref<632x128xf32, #tpu.memory_space<hbm>> -> memref<128x128xf32, #tpu.memory_space<hbm>>
        tpu.wait_dma2 semaphore(%arg10 : memref<!tpu.dma_semaphore, #tpu.memory_space<semaphore_mem>>) src(%dma_wait3A_224 : memref<128x128xf32, #tpu.memory_space<hbm>>) dst(%dma_wait3A_221 : memref<128x128xf32, #tpu.memory_space<vmem>>)
      } else {
      }
      %mul3A_61 = arith.constant 3 : i32
      %mul3A_62 = arith.muli %scan3A_58, %mul3A_61 : i32
      %add3A_63 = arith.addi %add3A_7, %mul3A_62 : i32
      "tpu.region"() ({
        %run_scoped3A = tpu.sem_alloc : memref<!tpu.dma_semaphore, #tpu.memory_space<semaphore_mem>>
        %dma_start3A_180 = arith.constant 0 : i32
        %dma_start3A_181 = arith.constant 0 : i32
        %dma_start3A_182 = tpu.memref_slice %arg3[%add3A_63, %dma_start3A_180, %dma_start3A_181] : memref<5088x2x128xi32, #tpu.memory_space<hbm>> -> memref<3x2x128xi32, #tpu.memory_space<hbm>>
        %dma_start3A_183 = arith.constant 0 : i32
        %dma_start3A_184 = arith.constant 0 : i32
        %dma_start3A_185 = tpu.memref_slice %arg3[%add3A_63, %dma_start3A_183, %dma_start3A_184] : memref<5088x2x128xi32, #tpu.memory_space<hbm>> -> memref<3x2x128xi32, #tpu.memory_space<hbm>>
        tpu.enqueue_dma source(%dma_start3A_185 : memref<3x2x128xi32, #tpu.memory_space<hbm>>) target(%arg6 : memref<3x2x128xi32, #tpu.memory_space<vmem>>) target_semaphore(%run_scoped3A : memref<!tpu.dma_semaphore, #tpu.memory_space<semaphore_mem>>)
        %dma_wait3A_186 = arith.constant 0 : i32
        %dma_wait3A_187 = arith.constant 0 : i32
        %dma_wait3A_188 = tpu.memref_slice %arg3[%add3A_63, %dma_wait3A_186, %dma_wait3A_187] : memref<5088x2x128xi32, #tpu.memory_space<hbm>> -> memref<3x2x128xi32, #tpu.memory_space<hbm>>
        %dma_wait3A_189 = arith.constant 0 : i32
        %dma_wait3A_190 = arith.constant 0 : i32
        %dma_wait3A_191 = tpu.memref_slice %arg3[%add3A_63, %dma_wait3A_189, %dma_wait3A_190] : memref<5088x2x128xi32, #tpu.memory_space<hbm>> -> memref<3x2x128xi32, #tpu.memory_space<hbm>>
        tpu.wait_dma2 semaphore(%run_scoped3A : memref<!tpu.dma_semaphore, #tpu.memory_space<semaphore_mem>>) src(%dma_wait3A_191 : memref<3x2x128xi32, #tpu.memory_space<hbm>>) dst(%arg6 : memref<3x2x128xi32, #tpu.memory_space<vmem>>)
        tpu.yield
      }) : () -> ()
      %dma_start3A = arith.constant 0 : i32
      %dma_start3A_64 = arith.constant 0 : i32
      %dma_start3A_65 = arith.constant 0 : i32
      %dma_start3A_66 = arith.constant 0 : i32
      %dma_start3A_67 = arith.constant 0 : i32
      %dma_start3A_68 = tpu.memref_slice %arg7[%dma_start3A_65, %dma_start3A_66, %dma_start3A_67] : memref<3x128x128xf32, #tpu.memory_space<vmem>> -> memref<1x128x128xf32, #tpu.memory_space<vmem>>
      %dma_start3A_69 = tpu.memref_squeeze %dma_start3A_68 : memref<1x128x128xf32, #tpu.memory_space<vmem>> -> memref<128x128xf32, #tpu.memory_space<vmem>>
      %dma_start3A_70 = arith.constant 0 : i32
      %dma_start3A_71 = tpu.memref_slice %arg6[%dma_start3A, %dma_start3A_64, %dma_start3A_70] : memref<3x2x128xi32, #tpu.memory_space<vmem>> -> memref<1x1x128xi32, #tpu.memory_space<vmem>>
      %dma_start3A_72 = tpu.memref_squeeze %dma_start3A_71 : memref<1x1x128xi32, #tpu.memory_space<vmem>> -> memref<128xi32, #tpu.memory_space<vmem>>
      %dma_start3A_73 = arith.constant 0 : i32
      %dma_start3A_74 = arith.constant 0 : i32
      %dma_start3A_75 = tpu.memref_slice %arg2[%dma_start3A_73, %dma_start3A_74] : memref<20000x128xf32, #tpu.memory_space<hbm>> -> memref<20000x128xf32, #tpu.memory_space<hbm>>
      tpu.enqueue_indirect_dma source(%dma_start3A_75 : memref<20000x128xf32, #tpu.memory_space<hbm>>) target(%dma_start3A_69 : memref<128x128xf32, #tpu.memory_space<vmem>>) offsets(%dma_start3A_72 : memref<128xi32, #tpu.memory_space<vmem>>) semaphore(%arg9 : memref<!tpu.dma_semaphore, #tpu.memory_space<semaphore_mem>>)
      %dma_start3A_76 = arith.constant 1 : i32
      %dma_start3A_77 = arith.constant 0 : i32
      %dma_start3A_78 = arith.constant 1 : i32
      %dma_start3A_79 = arith.constant 0 : i32
      %dma_start3A_80 = arith.constant 0 : i32
      %dma_start3A_81 = tpu.memref_slice %arg7[%dma_start3A_78, %dma_start3A_79, %dma_start3A_80] : memref<3x128x128xf32, #tpu.memory_space<vmem>> -> memref<1x128x128xf32, #tpu.memory_space<vmem>>
      %dma_start3A_82 = tpu.memref_squeeze %dma_start3A_81 : memref<1x128x128xf32, #tpu.memory_space<vmem>> -> memref<128x128xf32, #tpu.memory_space<vmem>>
      %dma_start3A_83 = arith.constant 0 : i32
      %dma_start3A_84 = tpu.memref_slice %arg6[%dma_start3A_76, %dma_start3A_77, %dma_start3A_83] : memref<3x2x128xi32, #tpu.memory_space<vmem>> -> memref<1x1x128xi32, #tpu.memory_space<vmem>>
      %dma_start3A_85 = tpu.memref_squeeze %dma_start3A_84 : memref<1x1x128xi32, #tpu.memory_space<vmem>> -> memref<128xi32, #tpu.memory_space<vmem>>
      %dma_start3A_86 = arith.constant 0 : i32
      %dma_start3A_87 = arith.constant 0 : i32
      %dma_start3A_88 = tpu.memref_slice %arg2[%dma_start3A_86, %dma_start3A_87] : memref<20000x128xf32, #tpu.memory_space<hbm>> -> memref<20000x128xf32, #tpu.memory_space<hbm>>
      tpu.enqueue_indirect_dma source(%dma_start3A_88 : memref<20000x128xf32, #tpu.memory_space<hbm>>) target(%dma_start3A_82 : memref<128x128xf32, #tpu.memory_space<vmem>>) offsets(%dma_start3A_85 : memref<128xi32, #tpu.memory_space<vmem>>) semaphore(%arg9 : memref<!tpu.dma_semaphore, #tpu.memory_space<semaphore_mem>>)
      %dma_start3A_89 = arith.constant 2 : i32
      %dma_start3A_90 = arith.constant 0 : i32
      %dma_start3A_91 = arith.constant 2 : i32
      %dma_start3A_92 = arith.constant 0 : i32
      %dma_start3A_93 = arith.constant 0 : i32
      %dma_start3A_94 = tpu.memref_slice %arg7[%dma_start3A_91, %dma_start3A_92, %dma_start3A_93] : memref<3x128x128xf32, #tpu.memory_space<vmem>> -> memref<1x128x128xf32, #tpu.memory_space<vmem>>
      %dma_start3A_95 = tpu.memref_squeeze %dma_start3A_94 : memref<1x128x128xf32, #tpu.memory_space<vmem>> -> memref<128x128xf32, #tpu.memory_space<vmem>>
      %dma_start3A_96 = arith.constant 0 : i32
      %dma_start3A_97 = tpu.memref_slice %arg6[%dma_start3A_89, %dma_start3A_90, %dma_start3A_96] : memref<3x2x128xi32, #tpu.memory_space<vmem>> -> memref<1x1x128xi32, #tpu.memory_space<vmem>>
      %dma_start3A_98 = tpu.memref_squeeze %dma_start3A_97 : memref<1x1x128xi32, #tpu.memory_space<vmem>> -> memref<128xi32, #tpu.memory_space<vmem>>
      %dma_start3A_99 = arith.constant 0 : i32
      %dma_start3A_100 = arith.constant 0 : i32
      %dma_start3A_101 = tpu.memref_slice %arg2[%dma_start3A_99, %dma_start3A_100] : memref<20000x128xf32, #tpu.memory_space<hbm>> -> memref<20000x128xf32, #tpu.memory_space<hbm>>
      tpu.enqueue_indirect_dma source(%dma_start3A_101 : memref<20000x128xf32, #tpu.memory_space<hbm>>) target(%dma_start3A_95 : memref<128x128xf32, #tpu.memory_space<vmem>>) offsets(%dma_start3A_98 : memref<128xi32, #tpu.memory_space<vmem>>) semaphore(%arg9 : memref<!tpu.dma_semaphore, #tpu.memory_space<semaphore_mem>>)
      %dma_wait3A_102 = arith.constant 0 : i32
      %dma_wait3A_103 = arith.constant 0 : i32
      %dma_wait3A_104 = arith.constant 0 : i32
      %dma_wait3A_105 = arith.constant 0 : i32
      %dma_wait3A_106 = arith.constant 0 : i32
      %dma_wait3A_107 = tpu.memref_slice %arg7[%dma_wait3A_104, %dma_wait3A_105, %dma_wait3A_106] : memref<3x128x128xf32, #tpu.memory_space<vmem>> -> memref<1x128x128xf32, #tpu.memory_space<vmem>>
      %dma_wait3A_108 = tpu.memref_squeeze %dma_wait3A_107 : memref<1x128x128xf32, #tpu.memory_space<vmem>> -> memref<128x128xf32, #tpu.memory_space<vmem>>
      %dma_wait3A_109 = arith.constant 0 : i32
      %dma_wait3A_110 = tpu.memref_slice %arg6[%dma_wait3A_102, %dma_wait3A_103, %dma_wait3A_109] : memref<3x2x128xi32, #tpu.memory_space<vmem>> -> memref<1x1x128xi32, #tpu.memory_space<vmem>>
      %dma_wait3A_111 = tpu.memref_squeeze %dma_wait3A_110 : memref<1x1x128xi32, #tpu.memory_space<vmem>> -> memref<128xi32, #tpu.memory_space<vmem>>
      %dma_wait3A_112 = arith.constant 0 : i32
      %dma_wait3A_113 = arith.constant 0 : i32
      %dma_wait3A_114 = tpu.memref_slice %arg2[%dma_wait3A_112, %dma_wait3A_113] : memref<20000x128xf32, #tpu.memory_space<hbm>> -> memref<20000x128xf32, #tpu.memory_space<hbm>>
      tpu.wait_indirect_dma semaphore(%arg9 : memref<!tpu.dma_semaphore, #tpu.memory_space<semaphore_mem>>) src(%dma_wait3A_114 : memref<20000x128xf32, #tpu.memory_space<hbm>>) dst(%dma_wait3A_108 : memref<128x128xf32, #tpu.memory_space<vmem>>)
      %dma_wait3A_115 = arith.constant 1 : i32
      %dma_wait3A_116 = arith.constant 0 : i32
      %dma_wait3A_117 = arith.constant 1 : i32
      %dma_wait3A_118 = arith.constant 0 : i32
      %dma_wait3A_119 = arith.constant 0 : i32
      %dma_wait3A_120 = tpu.memref_slice %arg7[%dma_wait3A_117, %dma_wait3A_118, %dma_wait3A_119] : memref<3x128x128xf32, #tpu.memory_space<vmem>> -> memref<1x128x128xf32, #tpu.memory_space<vmem>>
      %dma_wait3A_121 = tpu.memref_squeeze %dma_wait3A_120 : memref<1x128x128xf32, #tpu.memory_space<vmem>> -> memref<128x128xf32, #tpu.memory_space<vmem>>
      %dma_wait3A_122 = arith.constant 0 : i32
      %dma_wait3A_123 = tpu.memref_slice %arg6[%dma_wait3A_115, %dma_wait3A_116, %dma_wait3A_122] : memref<3x2x128xi32, #tpu.memory_space<vmem>> -> memref<1x1x128xi32, #tpu.memory_space<vmem>>
      %dma_wait3A_124 = tpu.memref_squeeze %dma_wait3A_123 : memref<1x1x128xi32, #tpu.memory_space<vmem>> -> memref<128xi32, #tpu.memory_space<vmem>>
      %dma_wait3A_125 = arith.constant 0 : i32
      %dma_wait3A_126 = arith.constant 0 : i32
      %dma_wait3A_127 = tpu.memref_slice %arg2[%dma_wait3A_125, %dma_wait3A_126] : memref<20000x128xf32, #tpu.memory_space<hbm>> -> memref<20000x128xf32, #tpu.memory_space<hbm>>
      tpu.wait_indirect_dma semaphore(%arg9 : memref<!tpu.dma_semaphore, #tpu.memory_space<semaphore_mem>>) src(%dma_wait3A_127 : memref<20000x128xf32, #tpu.memory_space<hbm>>) dst(%dma_wait3A_121 : memref<128x128xf32, #tpu.memory_space<vmem>>)
      %dma_wait3A_128 = arith.constant 2 : i32
      %dma_wait3A_129 = arith.constant 0 : i32
      %dma_wait3A_130 = arith.constant 2 : i32
      %dma_wait3A_131 = arith.constant 0 : i32
      %dma_wait3A_132 = arith.constant 0 : i32
      %dma_wait3A_133 = tpu.memref_slice %arg7[%dma_wait3A_130, %dma_wait3A_131, %dma_wait3A_132] : memref<3x128x128xf32, #tpu.memory_space<vmem>> -> memref<1x128x128xf32, #tpu.memory_space<vmem>>
      %dma_wait3A_134 = tpu.memref_squeeze %dma_wait3A_133 : memref<1x128x128xf32, #tpu.memory_space<vmem>> -> memref<128x128xf32, #tpu.memory_space<vmem>>
      %dma_wait3A_135 = arith.constant 0 : i32
      %dma_wait3A_136 = tpu.memref_slice %arg6[%dma_wait3A_128, %dma_wait3A_129, %dma_wait3A_135] : memref<3x2x128xi32, #tpu.memory_space<vmem>> -> memref<1x1x128xi32, #tpu.memory_space<vmem>>
      %dma_wait3A_137 = tpu.memref_squeeze %dma_wait3A_136 : memref<1x1x128xi32, #tpu.memory_space<vmem>> -> memref<128xi32, #tpu.memory_space<vmem>>
      %dma_wait3A_138 = arith.constant 0 : i32
      %dma_wait3A_139 = arith.constant 0 : i32
      %dma_wait3A_140 = tpu.memref_slice %arg2[%dma_wait3A_138, %dma_wait3A_139] : memref<20000x128xf32, #tpu.memory_space<hbm>> -> memref<20000x128xf32, #tpu.memory_space<hbm>>
      tpu.wait_indirect_dma semaphore(%arg9 : memref<!tpu.dma_semaphore, #tpu.memory_space<semaphore_mem>>) src(%dma_wait3A_140 : memref<20000x128xf32, #tpu.memory_space<hbm>>) dst(%dma_wait3A_134 : memref<128x128xf32, #tpu.memory_space<vmem>>)
      %dma_start3A_141 = arith.constant 0 : i32
      %dma_start3A_142 = arith.constant 0 : i32
      %dma_start3A_143 = arith.constant 1 : i32
      %dma_start3A_144 = arith.constant 0 : i32
      %dma_start3A_145 = arith.constant 0 : i32
      %dma_start3A_146 = tpu.memref_slice %arg7[%dma_start3A_141, %dma_start3A_144, %dma_start3A_145] : memref<3x128x128xf32, #tpu.memory_space<vmem>> -> memref<1x128x128xf32, #tpu.memory_space<vmem>>
      %dma_start3A_147 = tpu.memref_squeeze %dma_start3A_146 : memref<1x128x128xf32, #tpu.memory_space<vmem>> -> memref<128x128xf32, #tpu.memory_space<vmem>>
      %dma_start3A_148 = arith.constant 0 : i32
      %dma_start3A_149 = tpu.memref_slice %arg6[%dma_start3A_142, %dma_start3A_143, %dma_start3A_148] : memref<3x2x128xi32, #tpu.memory_space<vmem>> -> memref<1x1x128xi32, #tpu.memory_space<vmem>>
      %dma_start3A_150 = tpu.memref_squeeze %dma_start3A_149 : memref<1x1x128xi32, #tpu.memory_space<vmem>> -> memref<128xi32, #tpu.memory_space<vmem>>
      %dma_start3A_151 = arith.constant 0 : i32
      %dma_start3A_152 = arith.constant 0 : i32
      %dma_start3A_153 = tpu.memref_slice %arg8[%dma_start3A_151, %dma_start3A_152] : memref<10112x128xf32, #tpu.memory_space<vmem_shared>> -> memref<10112x128xf32, #tpu.memory_space<vmem_shared>>
      tpu.enqueue_indirect_dma source(%dma_start3A_147 : memref<128x128xf32, #tpu.memory_space<vmem>>) target(%dma_start3A_153 : memref<10112x128xf32, #tpu.memory_space<vmem_shared>>) offsets(%dma_start3A_150 : memref<128xi32, #tpu.memory_space<vmem>>) semaphore(%arg10 : memref<!tpu.dma_semaphore, #tpu.memory_space<semaphore_mem>>) {add = true}
      %dma_start3A_154 = arith.constant 1 : i32
      %dma_start3A_155 = arith.constant 1 : i32
      %dma_start3A_156 = arith.constant 1 : i32
      %dma_start3A_157 = arith.constant 0 : i32
      %dma_start3A_158 = arith.constant 0 : i32
      %dma_start3A_159 = tpu.memref_slice %arg7[%dma_start3A_154, %dma_start3A_157, %dma_start3A_158] : memref<3x128x128xf32, #tpu.memory_space<vmem>> -> memref<1x128x128xf32, #tpu.memory_space<vmem>>
      %dma_start3A_160 = tpu.memref_squeeze %dma_start3A_159 : memref<1x128x128xf32, #tpu.memory_space<vmem>> -> memref<128x128xf32, #tpu.memory_space<vmem>>
      %dma_start3A_161 = arith.constant 0 : i32
      %dma_start3A_162 = tpu.memref_slice %arg6[%dma_start3A_155, %dma_start3A_156, %dma_start3A_161] : memref<3x2x128xi32, #tpu.memory_space<vmem>> -> memref<1x1x128xi32, #tpu.memory_space<vmem>>
      %dma_start3A_163 = tpu.memref_squeeze %dma_start3A_162 : memref<1x1x128xi32, #tpu.memory_space<vmem>> -> memref<128xi32, #tpu.memory_space<vmem>>
      %dma_start3A_164 = arith.constant 0 : i32
      %dma_start3A_165 = arith.constant 0 : i32
      %dma_start3A_166 = tpu.memref_slice %arg8[%dma_start3A_164, %dma_start3A_165] : memref<10112x128xf32, #tpu.memory_space<vmem_shared>> -> memref<10112x128xf32, #tpu.memory_space<vmem_shared>>
      tpu.enqueue_indirect_dma source(%dma_start3A_160 : memref<128x128xf32, #tpu.memory_space<vmem>>) target(%dma_start3A_166 : memref<10112x128xf32, #tpu.memory_space<vmem_shared>>) offsets(%dma_start3A_163 : memref<128xi32, #tpu.memory_space<vmem>>) semaphore(%arg10 : memref<!tpu.dma_semaphore, #tpu.memory_space<semaphore_mem>>) {add = true}
      %dma_start3A_167 = arith.constant 2 : i32
      %dma_start3A_168 = arith.constant 2 : i32
      %dma_start3A_169 = arith.constant 1 : i32
      %dma_start3A_170 = arith.constant 0 : i32
      %dma_start3A_171 = arith.constant 0 : i32
      %dma_start3A_172 = tpu.memref_slice %arg7[%dma_start3A_167, %dma_start3A_170, %dma_start3A_171] : memref<3x128x128xf32, #tpu.memory_space<vmem>> -> memref<1x128x128xf32, #tpu.memory_space<vmem>>
      %dma_start3A_173 = tpu.memref_squeeze %dma_start3A_172 : memref<1x128x128xf32, #tpu.memory_space<vmem>> -> memref<128x128xf32, #tpu.memory_space<vmem>>
      %dma_start3A_174 = arith.constant 0 : i32
      %dma_start3A_175 = tpu.memref_slice %arg6[%dma_start3A_168, %dma_start3A_169, %dma_start3A_174] : memref<3x2x128xi32, #tpu.memory_space<vmem>> -> memref<1x1x128xi32, #tpu.memory_space<vmem>>
      %dma_start3A_176 = tpu.memref_squeeze %dma_start3A_175 : memref<1x1x128xi32, #tpu.memory_space<vmem>> -> memref<128xi32, #tpu.memory_space<vmem>>
      %dma_start3A_177 = arith.constant 0 : i32
      %dma_start3A_178 = arith.constant 0 : i32
      %dma_start3A_179 = tpu.memref_slice %arg8[%dma_start3A_177, %dma_start3A_178] : memref<10112x128xf32, #tpu.memory_space<vmem_shared>> -> memref<10112x128xf32, #tpu.memory_space<vmem_shared>>
      tpu.enqueue_indirect_dma source(%dma_start3A_173 : memref<128x128xf32, #tpu.memory_space<vmem>>) target(%dma_start3A_179 : memref<10112x128xf32, #tpu.memory_space<vmem_shared>>) offsets(%dma_start3A_176 : memref<128xi32, #tpu.memory_space<vmem>>) semaphore(%arg10 : memref<!tpu.dma_semaphore, #tpu.memory_space<semaphore_mem>>) {add = true}
    }
    %scan3A_12 = arith.constant 53 : i32
    %dma_wait3A = arith.constant 0 : i32
    %dma_wait3A_13 = arith.constant 0 : i32
    %dma_wait3A_14 = arith.constant 0 : i32
    %dma_wait3A_15 = tpu.memref_slice %arg7[%dma_wait3A, %dma_wait3A_13, %dma_wait3A_14] : memref<3x128x128xf32, #tpu.memory_space<vmem>> -> memref<1x128x128xf32, #tpu.memory_space<vmem>>
    %dma_wait3A_16 = tpu.memref_squeeze %dma_wait3A_15 : memref<1x128x128xf32, #tpu.memory_space<vmem>> -> memref<128x128xf32, #tpu.memory_space<vmem>>
    %dma_wait3A_17 = arith.constant 0 : i32
    %dma_wait3A_18 = arith.constant 0 : i32
    %dma_wait3A_19 = tpu.memref_slice %arg4[%dma_wait3A_17, %dma_wait3A_18] : memref<632x128xf32, #tpu.memory_space<hbm>> -> memref<128x128xf32, #tpu.memory_space<hbm>>
    %dma_wait3A_20 = arith.constant 0 : i32
    %dma_wait3A_21 = arith.constant 0 : i32
    %dma_wait3A_22 = tpu.memref_slice %arg7[%dma_wait3A, %dma_wait3A_20, %dma_wait3A_21] : memref<3x128x128xf32, #tpu.memory_space<vmem>> -> memref<1x128x128xf32, #tpu.memory_space<vmem>>
    %dma_wait3A_23 = tpu.memref_squeeze %dma_wait3A_22 : memref<1x128x128xf32, #tpu.memory_space<vmem>> -> memref<128x128xf32, #tpu.memory_space<vmem>>
    %dma_wait3A_24 = arith.constant 0 : i32
    %dma_wait3A_25 = arith.constant 0 : i32
    %dma_wait3A_26 = tpu.memref_slice %arg4[%dma_wait3A_24, %dma_wait3A_25] : memref<632x128xf32, #tpu.memory_space<hbm>> -> memref<128x128xf32, #tpu.memory_space<hbm>>
    tpu.wait_dma2 semaphore(%arg10 : memref<!tpu.dma_semaphore, #tpu.memory_space<semaphore_mem>>) src(%dma_wait3A_26 : memref<128x128xf32, #tpu.memory_space<hbm>>) dst(%dma_wait3A_23 : memref<128x128xf32, #tpu.memory_space<vmem>>)
    %dma_wait3A_27 = arith.constant 1 : i32
    %dma_wait3A_28 = arith.constant 0 : i32
    %dma_wait3A_29 = arith.constant 0 : i32
    %dma_wait3A_30 = tpu.memref_slice %arg7[%dma_wait3A_27, %dma_wait3A_28, %dma_wait3A_29] : memref<3x128x128xf32, #tpu.memory_space<vmem>> -> memref<1x128x128xf32, #tpu.memory_space<vmem>>
    %dma_wait3A_31 = tpu.memref_squeeze %dma_wait3A_30 : memref<1x128x128xf32, #tpu.memory_space<vmem>> -> memref<128x128xf32, #tpu.memory_space<vmem>>
    %dma_wait3A_32 = arith.constant 0 : i32
    %dma_wait3A_33 = arith.constant 0 : i32
    %dma_wait3A_34 = tpu.memref_slice %arg4[%dma_wait3A_32, %dma_wait3A_33] : memref<632x128xf32, #tpu.memory_space<hbm>> -> memref<128x128xf32, #tpu.memory_space<hbm>>
    %dma_wait3A_35 = arith.constant 0 : i32
    %dma_wait3A_36 = arith.constant 0 : i32
    %dma_wait3A_37 = tpu.memref_slice %arg7[%dma_wait3A_27, %dma_wait3A_35, %dma_wait3A_36] : memref<3x128x128xf32, #tpu.memory_space<vmem>> -> memref<1x128x128xf32, #tpu.memory_space<vmem>>
    %dma_wait3A_38 = tpu.memref_squeeze %dma_wait3A_37 : memref<1x128x128xf32, #tpu.memory_space<vmem>> -> memref<128x128xf32, #tpu.memory_space<vmem>>
    %dma_wait3A_39 = arith.constant 0 : i32
    %dma_wait3A_40 = arith.constant 0 : i32
    %dma_wait3A_41 = tpu.memref_slice %arg4[%dma_wait3A_39, %dma_wait3A_40] : memref<632x128xf32, #tpu.memory_space<hbm>> -> memref<128x128xf32, #tpu.memory_space<hbm>>
    tpu.wait_dma2 semaphore(%arg10 : memref<!tpu.dma_semaphore, #tpu.memory_space<semaphore_mem>>) src(%dma_wait3A_41 : memref<128x128xf32, #tpu.memory_space<hbm>>) dst(%dma_wait3A_38 : memref<128x128xf32, #tpu.memory_space<vmem>>)
    %dma_wait3A_42 = arith.constant 2 : i32
    %dma_wait3A_43 = arith.constant 0 : i32
    %dma_wait3A_44 = arith.constant 0 : i32
    %dma_wait3A_45 = tpu.memref_slice %arg7[%dma_wait3A_42, %dma_wait3A_43, %dma_wait3A_44] : memref<3x128x128xf32, #tpu.memory_space<vmem>> -> memref<1x128x128xf32, #tpu.memory_space<vmem>>
    %dma_wait3A_46 = tpu.memref_squeeze %dma_wait3A_45 : memref<1x128x128xf32, #tpu.memory_space<vmem>> -> memref<128x128xf32, #tpu.memory_space<vmem>>
    %dma_wait3A_47 = arith.constant 0 : i32
    %dma_wait3A_48 = arith.constant 0 : i32
    %dma_wait3A_49 = tpu.memref_slice %arg4[%dma_wait3A_47, %dma_wait3A_48] : memref<632x128xf32, #tpu.memory_space<hbm>> -> memref<128x128xf32, #tpu.memory_space<hbm>>
    %dma_wait3A_50 = arith.constant 0 : i32
    %dma_wait3A_51 = arith.constant 0 : i32
    %dma_wait3A_52 = tpu.memref_slice %arg7[%dma_wait3A_42, %dma_wait3A_50, %dma_wait3A_51] : memref<3x128x128xf32, #tpu.memory_space<vmem>> -> memref<1x128x128xf32, #tpu.memory_space<vmem>>
    %dma_wait3A_53 = tpu.memref_squeeze %dma_wait3A_52 : memref<1x128x128xf32, #tpu.memory_space<vmem>> -> memref<128x128xf32, #tpu.memory_space<vmem>>
    %dma_wait3A_54 = arith.constant 0 : i32
    %dma_wait3A_55 = arith.constant 0 : i32
    %dma_wait3A_56 = tpu.memref_slice %arg4[%dma_wait3A_54, %dma_wait3A_55] : memref<632x128xf32, #tpu.memory_space<hbm>> -> memref<128x128xf32, #tpu.memory_space<hbm>>
    tpu.wait_dma2 semaphore(%arg10 : memref<!tpu.dma_semaphore, #tpu.memory_space<semaphore_mem>>) src(%dma_wait3A_56 : memref<128x128xf32, #tpu.memory_space<hbm>>) dst(%dma_wait3A_53 : memref<128x128xf32, #tpu.memory_space<vmem>>)
    %barrier3A_57 = arith.constant 0 : index
    tpu.barrier barrier_id(%barrier3A_57)
    "tpu.region"() ({
      %run_scoped3A = tpu.sem_alloc : memref<!tpu.dma_semaphore, #tpu.memory_space<semaphore_mem>>
      %dma_start3A = arith.constant 0 : i32
      %dma_start3A_58 = tpu.memref_slice %arg5[%add3A, %dma_start3A] : memref<20224x128xf32, #tpu.memory_space<hbm>> -> memref<632x128xf32, #tpu.memory_space<hbm>>
      %dma_start3A_59 = arith.constant 0 : i32
      %dma_start3A_60 = tpu.memref_slice %arg8[%mul3A_0, %dma_start3A_59] : memref<10112x128xf32, #tpu.memory_space<vmem_shared>> -> memref<632x128xf32, #tpu.memory_space<vmem_shared>>
      tpu.enqueue_dma source(%dma_start3A_60 : memref<632x128xf32, #tpu.memory_space<vmem_shared>>) target(%dma_start3A_58 : memref<632x128xf32, #tpu.memory_space<hbm>>) target_semaphore(%run_scoped3A : memref<!tpu.dma_semaphore, #tpu.memory_space<semaphore_mem>>)
      %dma_wait3A_61 = arith.constant 0 : i32
      %dma_wait3A_62 = tpu.memref_slice %arg5[%add3A, %dma_wait3A_61] : memref<20224x128xf32, #tpu.memory_space<hbm>> -> memref<632x128xf32, #tpu.memory_space<hbm>>
      %dma_wait3A_63 = arith.constant 0 : i32
      %dma_wait3A_64 = tpu.memref_slice %arg8[%mul3A_0, %dma_wait3A_63] : memref<10112x128xf32, #tpu.memory_space<vmem_shared>> -> memref<632x128xf32, #tpu.memory_space<vmem_shared>>
      tpu.wait_dma2 semaphore(%run_scoped3A : memref<!tpu.dma_semaphore, #tpu.memory_space<semaphore_mem>>) src(%dma_wait3A_64 : memref<632x128xf32, #tpu.memory_space<vmem_shared>>) dst(%dma_wait3A_62 : memref<632x128xf32, #tpu.memory_space<hbm>>)
      tpu.yield
    }) : () -> ()
    return
  }
}

module attributes {stable_mosaic.version = 14 : i64} {
  func.func @_pre_body(%arg0: i32, %arg1: memref<1000x64xf32, #tpu.memory_space<vmem>>, %arg2: memref<1000x64xf32, #tpu.memory_space<vmem>>, %arg3: memref<64x128xf32, #tpu.memory_space<vmem>>, %arg4: memref<64x128xf32, #tpu.memory_space<vmem>>, %arg5: memref<2x1000x128xf32, #tpu.memory_space<vmem>>) attributes {dimension_semantics = [#tpu.dimension_semantics<arbitrary>], iteration_bounds = array<i64: 10>, scalar_prefetch = 0 : i64, scratch_operands = 0 : i64, tpu.core_type = #tpu.core_type<tc>, window_params = [{transform_indices = @transform_0, window_bounds = array<i64: 1000, 64>}, {transform_indices = @transform_1, window_bounds = array<i64: 1000, 64>}, {pipeline_mode = #tpu.pipeline_mode<synchronous>, transform_indices = @transform_2, window_bounds = array<i64: 64, 128>}, {pipeline_mode = #tpu.pipeline_mode<synchronous>, transform_indices = @transform_3, window_bounds = array<i64: 64, 128>}, {transform_indices = @transform_4, window_bounds = array<i64: 2, 1000, 128>}]} {
    %get3A = arith.constant 0 : index
    %get3A_0 = arith.constant 0 : index
    %get3A_1 = vector.load %arg1[%get3A, %get3A_0] : memref<1000x64xf32, #tpu.memory_space<vmem>>, vector<1000x64xf32>
    %get3A_2 = arith.constant 0 : index
    %get3A_3 = arith.constant 0 : index
    %get3A_4 = vector.load %arg3[%get3A_2, %get3A_3] : memref<64x128xf32, #tpu.memory_space<vmem>>, vector<64x128xf32>
    %dot_general3A = arith.constant dense<0.000000e+00> : vector<1000x128xf32>
    %dot_general3A_5 = tpu.matmul %get3A_1, %get3A_4, %dot_general3A {dimension_numbers = #tpu.dot_dimension_numbers<[1], [0], [0], [1], [0, 0, 1, 1], [], []>, transpose_lhs_hint = false} : vector<1000x64xf32>, vector<64x128xf32>, vector<1000x128xf32> -> vector<1000x128xf32>
    %swap3A = arith.constant 0 : index
    %swap3A_6 = arith.constant 0 : index
    %swap3A_7 = arith.constant 0 : index
    %swap3A_8 = vector.load %arg5[%swap3A, %swap3A_6, %swap3A_7] : memref<2x1000x128xf32, #tpu.memory_space<vmem>>, vector<1x1000x128xf32>
    %swap3A_9 = vector.shape_cast %swap3A_8 : vector<1x1000x128xf32> to vector<1000x128xf32>
    %swap3A_10 = vector.shape_cast %dot_general3A_5 : vector<1000x128xf32> to vector<1x1000x128xf32>
    tpu.vector_store %arg5[%swap3A, %swap3A_6, %swap3A_7], %swap3A_10 {strides = array<i32>} : memref<2x1000x128xf32, #tpu.memory_space<vmem>>, vector<1x1000x128xf32>,
    %get3A_11 = arith.constant 0 : index
    %get3A_12 = arith.constant 0 : index
    %get3A_13 = vector.load %arg2[%get3A_11, %get3A_12] : memref<1000x64xf32, #tpu.memory_space<vmem>>, vector<1000x64xf32>
    %get3A_14 = arith.constant 0 : index
    %get3A_15 = arith.constant 0 : index
    %get3A_16 = vector.load %arg4[%get3A_14, %get3A_15] : memref<64x128xf32, #tpu.memory_space<vmem>>, vector<64x128xf32>
    %dot_general3A_17 = arith.constant dense<0.000000e+00> : vector<1000x128xf32>
    %dot_general3A_18 = tpu.matmul %get3A_13, %get3A_16, %dot_general3A_17 {dimension_numbers = #tpu.dot_dimension_numbers<[1], [0], [0], [1], [0, 0, 1, 1], [], []>, transpose_lhs_hint = false} : vector<1000x64xf32>, vector<64x128xf32>, vector<1000x128xf32> -> vector<1000x128xf32>
    %swap3A_19 = arith.constant 1 : index
    %swap3A_20 = arith.constant 0 : index
    %swap3A_21 = arith.constant 0 : index
    %swap3A_22 = vector.load %arg5[%swap3A_19, %swap3A_20, %swap3A_21] : memref<2x1000x128xf32, #tpu.memory_space<vmem>>, vector<1x1000x128xf32>
    %swap3A_23 = vector.shape_cast %swap3A_22 : vector<1x1000x128xf32> to vector<1000x128xf32>
    %swap3A_24 = vector.shape_cast %dot_general3A_18 : vector<1000x128xf32> to vector<1x1000x128xf32>
    tpu.vector_store %arg5[%swap3A_19, %swap3A_20, %swap3A_21], %swap3A_24 {strides = array<i32>} : memref<2x1000x128xf32, #tpu.memory_space<vmem>>, vector<1x1000x128xf32>,
    return
  }
  func.func @transform_0(%arg0: i32) -> (i32, i32) {
    %c0_i32 = arith.constant 0 : i32
    %c0_i32_0 = arith.constant 0 : i32
    return %arg0, %c0_i32 : i32, i32
  }
  func.func @transform_1(%arg0: i32) -> (i32, i32) {
    %c0_i32 = arith.constant 0 : i32
    %c0_i32_0 = arith.constant 0 : i32
    return %arg0, %c0_i32 : i32, i32
  }
  func.func @transform_2(%arg0: i32) -> (i32, i32) {
    %c0_i32 = arith.constant 0 : i32
    %c0_i32_0 = arith.constant 0 : i32
    %c0_i32_1 = arith.constant 0 : i32
    return %c0_i32, %c0_i32_0 : i32, i32
  }
  func.func @transform_3(%arg0: i32) -> (i32, i32) {
    %c0_i32 = arith.constant 0 : i32
    %c0_i32_0 = arith.constant 0 : i32
    %c0_i32_1 = arith.constant 0 : i32
    return %c0_i32, %c0_i32_0 : i32, i32
  }
  func.func @transform_4(%arg0: i32) -> (i32, i32, i32) {
    %c0_i32 = arith.constant 0 : i32
    %c0_i32_0 = arith.constant 0 : i32
    %c0_i32_1 = arith.constant 0 : i32
    return %c0_i32, %arg0, %c0_i32_0 : i32, i32, i32
  }
}

module attributes {stable_mosaic.version = 14 : i64} {
  func.func @_mid_body(%arg0: i32, %arg1: memref<1000x64xf32, #tpu.memory_space<vmem>>, %arg2: memref<1000x64xf32, #tpu.memory_space<vmem>>, %arg3: memref<1000x128xf32, #tpu.memory_space<vmem>>, %arg4: memref<1000x128xf32, #tpu.memory_space<vmem>>, %arg5: memref<1000x128xf32, #tpu.memory_space<vmem>>, %arg6: memref<1000x128xf32, #tpu.memory_space<vmem>>, %arg7: memref<64x128xf32, #tpu.memory_space<vmem>>, %arg8: memref<1x128xf32, #tpu.memory_space<vmem>>, %arg9: memref<128x64xf32, #tpu.memory_space<vmem>>, %arg10: memref<64x64xf32, #tpu.memory_space<vmem>>, %arg11: memref<1x64xf32, #tpu.memory_space<vmem>>, %arg12: memref<1x64xf32, #tpu.memory_space<vmem>>, %arg13: memref<128x64xf32, #tpu.memory_space<vmem>>, %arg14: memref<64x64xf32, #tpu.memory_space<vmem>>, %arg15: memref<1x64xf32, #tpu.memory_space<vmem>>, %arg16: memref<1x64xf32, #tpu.memory_space<vmem>>, %arg17: memref<128x64xf32, #tpu.memory_space<vmem>>, %arg18: memref<64x64xf32, #tpu.memory_space<vmem>>, %arg19: memref<1x64xf32, #tpu.memory_space<vmem>>, %arg20: memref<1x64xf32, #tpu.memory_space<vmem>>, %arg21: memref<64x128xf32, #tpu.memory_space<vmem>>, %arg22: memref<64x128xf32, #tpu.memory_space<vmem>>, %arg23: memref<1x128xf32, #tpu.memory_space<vmem>>, %arg24: memref<128x64xf32, #tpu.memory_space<vmem>>, %arg25: memref<64x64xf32, #tpu.memory_space<vmem>>, %arg26: memref<1x64xf32, #tpu.memory_space<vmem>>, %arg27: memref<1x64xf32, #tpu.memory_space<vmem>>, %arg28: memref<128x64xf32, #tpu.memory_space<vmem>>, %arg29: memref<64x64xf32, #tpu.memory_space<vmem>>, %arg30: memref<1x64xf32, #tpu.memory_space<vmem>>, %arg31: memref<1x64xf32, #tpu.memory_space<vmem>>, %arg32: memref<128x64xf32, #tpu.memory_space<vmem>>, %arg33: memref<64x64xf32, #tpu.memory_space<vmem>>, %arg34: memref<1x64xf32, #tpu.memory_space<vmem>>, %arg35: memref<1x64xf32, #tpu.memory_space<vmem>>, %arg36: memref<64x128xf32, #tpu.memory_space<vmem>>, %arg37: memref<1000x64xf32, #tpu.memory_space<vmem>>, %arg38: memref<1000x64xf32, #tpu.memory_space<vmem>>, %arg39: memref<2x1000x128xf32, #tpu.memory_space<vmem>>) attributes {dimension_semantics = [#tpu.dimension_semantics<arbitrary>], iteration_bounds = array<i64: 10>, scalar_prefetch = 0 : i64, scratch_operands = 0 : i64, tpu.core_type = #tpu.core_type<tc>, window_params = [{transform_indices = @transform_0, window_bounds = array<i64: 1000, 64>}, {transform_indices = @transform_1, window_bounds = array<i64: 1000, 64>}, {transform_indices = @transform_2, window_bounds = array<i64: 1000, 128>}, {transform_indices = @transform_3, window_bounds = array<i64: 1000, 128>}, {transform_indices = @transform_4, window_bounds = array<i64: 1000, 128>}, {transform_indices = @transform_5, window_bounds = array<i64: 1000, 128>}, {pipeline_mode = #tpu.pipeline_mode<synchronous>, transform_indices = @transform_6, window_bounds = array<i64: 64, 128>}, {pipeline_mode = #tpu.pipeline_mode<synchronous>, transform_indices = @transform_7, window_bounds = array<i64: 1, 128>}, {pipeline_mode = #tpu.pipeline_mode<synchronous>, transform_indices = @transform_8, window_bounds = array<i64: 128, 64>}, {pipeline_mode = #tpu.pipeline_mode<synchronous>, transform_indices = @transform_9, window_bounds = array<i64: 64, 64>}, {pipeline_mode = #tpu.pipeline_mode<synchronous>, transform_indices = @transform_10, window_bounds = array<i64: 1, 64>}, {pipeline_mode = #tpu.pipeline_mode<synchronous>, transform_indices = @transform_11, window_bounds = array<i64: 1, 64>}, {pipeline_mode = #tpu.pipeline_mode<synchronous>, transform_indices = @transform_12, window_bounds = array<i64: 128, 64>}, {pipeline_mode = #tpu.pipeline_mode<synchronous>, transform_indices = @transform_13, window_bounds = array<i64: 64, 64>}, {pipeline_mode = #tpu.pipeline_mode<synchronous>, transform_indices = @transform_14, window_bounds = array<i64: 1, 64>}, {pipeline_mode = #tpu.pipeline_mode<synchronous>, transform_indices = @transform_15, window_bounds = array<i64: 1, 64>}, {pipeline_mode = #tpu.pipeline_mode<synchronous>, transform_indices = @transform_16, window_bounds = array<i64: 128, 64>}, {pipeline_mode = #tpu.pipeline_mode<synchronous>, transform_indices = @transform_17, window_bounds = array<i64: 64, 64>}, {pipeline_mode = #tpu.pipeline_mode<synchronous>, transform_indices = @transform_18, window_bounds = array<i64: 1, 64>}, {pipeline_mode = #tpu.pipeline_mode<synchronous>, transform_indices = @transform_19, window_bounds = array<i64: 1, 64>}, {pipeline_mode = #tpu.pipeline_mode<synchronous>, transform_indices = @transform_20, window_bounds = array<i64: 64, 128>}, {pipeline_mode = #tpu.pipeline_mode<synchronous>, transform_indices = @transform_21, window_bounds = array<i64: 64, 128>}, {pipeline_mode = #tpu.pipeline_mode<synchronous>, transform_indices = @transform_22, window_bounds = array<i64: 1, 128>}, {pipeline_mode = #tpu.pipeline_mode<synchronous>, transform_indices = @transform_23, window_bounds = array<i64: 128, 64>}, {pipeline_mode = #tpu.pipeline_mode<synchronous>, transform_indices = @transform_24, window_bounds = array<i64: 64, 64>}, {pipeline_mode = #tpu.pipeline_mode<synchronous>, transform_indices = @transform_25, window_bounds = array<i64: 1, 64>}, {pipeline_mode = #tpu.pipeline_mode<synchronous>, transform_indices = @transform_26, window_bounds = array<i64: 1, 64>}, {pipeline_mode = #tpu.pipeline_mode<synchronous>, transform_indices = @transform_27, window_bounds = array<i64: 128, 64>}, {pipeline_mode = #tpu.pipeline_mode<synchronous>, transform_indices = @transform_28, window_bounds = array<i64: 64, 64>}, {pipeline_mode = #tpu.pipeline_mode<synchronous>, transform_indices = @transform_29, window_bounds = array<i64: 1, 64>}, {pipeline_mode = #tpu.pipeline_mode<synchronous>, transform_indices = @transform_30, window_bounds = array<i64: 1, 64>}, {pipeline_mode = #tpu.pipeline_mode<synchronous>, transform_indices = @transform_31, window_bounds = array<i64: 128, 64>}, {pipeline_mode = #tpu.pipeline_mode<synchronous>, transform_indices = @transform_32, window_bounds = array<i64: 64, 64>}, {pipeline_mode = #tpu.pipeline_mode<synchronous>, transform_indices = @transform_33, window_bounds = array<i64: 1, 64>}, {pipeline_mode = #tpu.pipeline_mode<synchronous>, transform_indices = @transform_34, window_bounds = array<i64: 1, 64>}, {pipeline_mode = #tpu.pipeline_mode<synchronous>, transform_indices = @transform_35, window_bounds = array<i64: 64, 128>}, {transform_indices = @transform_36, window_bounds = array<i64: 1000, 64>}, {transform_indices = @transform_37, window_bounds = array<i64: 1000, 64>}, {transform_indices = @transform_38, window_bounds = array<i64: 2, 1000, 128>}]} {
    %get3A = arith.constant 0 : index
    %get3A_0 = arith.constant 0 : index
    %get3A_1 = vector.load %arg1[%get3A, %get3A_0] : memref<1000x64xf32, #tpu.memory_space<vmem>>, vector<1000x64xf32>
    %get3A_2 = arith.constant 0 : index
    %get3A_3 = arith.constant 0 : index
    %get3A_4 = vector.load %arg5[%get3A_2, %get3A_3] : memref<1000x128xf32, #tpu.memory_space<vmem>>, vector<1000x128xf32>
    %slice3A = vector.extract_strided_slice %get3A_4 {offsets = [0, 0], sizes = [1000, 1], strides = [1, 1]} : vector<1000x128xf32> to vector<1000x1xf32>
    %get3A_5 = arith.constant 0 : index
    %get3A_6 = arith.constant 0 : index
    %get3A_7 = vector.load %arg7[%get3A_5, %get3A_6] : memref<64x128xf32, #tpu.memory_space<vmem>>, vector<64x128xf32>
    %get3A_8 = arith.constant 0 : index
    %get3A_9 = arith.constant 0 : index
    %get3A_10 = vector.load %arg8[%get3A_8, %get3A_9] : memref<1x128xf32, #tpu.memory_space<vmem>>, vector<1x128xf32>
    %get3A_11 = arith.constant 0 : index
    %get3A_12 = arith.constant 0 : index
    %get3A_13 = vector.load %arg3[%get3A_11, %get3A_12] : memref<1000x128xf32, #tpu.memory_space<vmem>>, vector<1000x128xf32>
    %dot_general3A = arith.constant dense<0.000000e+00> : vector<1000x128xf32>
    %dot_general3A_14 = tpu.matmul %get3A_1, %get3A_7, %dot_general3A {dimension_numbers = #tpu.dot_dimension_numbers<[1], [0], [0], [1], [0, 0, 1, 1], [], []>, transpose_lhs_hint = false} : vector<1000x64xf32>, vector<64x128xf32>, vector<1000x128xf32> -> vector<1000x128xf32>
    %add3A = vector.broadcast %get3A_10 : vector<1x128xf32> to vector<1000x128xf32>
    %add3A_15 = arith.addf %dot_general3A_14, %add3A : vector<1000x128xf32>
    %mul3A = vector.broadcast %slice3A : vector<1000x1xf32> to vector<1000x128xf32>
    %mul3A_16 = arith.mulf %mul3A, %add3A_15 : vector<1000x128xf32>
    %add3A_17 = arith.addf %get3A_13, %mul3A_16 : vector<1000x128xf32>
    %get3A_18 = arith.constant 0 : index
    %get3A_19 = arith.constant 0 : index
    %get3A_20 = vector.load %arg9[%get3A_18, %get3A_19] : memref<128x64xf32, #tpu.memory_space<vmem>>, vector<128x64xf32>
    %get3A_21 = arith.constant 0 : index
    %get3A_22 = arith.constant 0 : index
    %get3A_23 = vector.load %arg10[%get3A_21, %get3A_22] : memref<64x64xf32, #tpu.memory_space<vmem>>, vector<64x64xf32>
    %get3A_24 = arith.constant 0 : index
    %get3A_25 = arith.constant 0 : index
    %get3A_26 = vector.load %arg11[%get3A_24, %get3A_25] : memref<1x64xf32, #tpu.memory_space<vmem>>, vector<1x64xf32>
    %get3A_27 = arith.constant 0 : index
    %get3A_28 = arith.constant 0 : index
    %get3A_29 = vector.load %arg12[%get3A_27, %get3A_28] : memref<1x64xf32, #tpu.memory_space<vmem>>, vector<1x64xf32>
    %get3A_30 = arith.constant 0 : index
    %get3A_31 = arith.constant 0 : index
    %get3A_32 = vector.load %arg13[%get3A_30, %get3A_31] : memref<128x64xf32, #tpu.memory_space<vmem>>, vector<128x64xf32>
    %get3A_33 = arith.constant 0 : index
    %get3A_34 = arith.constant 0 : index
    %get3A_35 = vector.load %arg14[%get3A_33, %get3A_34] : memref<64x64xf32, #tpu.memory_space<vmem>>, vector<64x64xf32>
    %get3A_36 = arith.constant 0 : index
    %get3A_37 = arith.constant 0 : index
    %get3A_38 = vector.load %arg15[%get3A_36, %get3A_37] : memref<1x64xf32, #tpu.memory_space<vmem>>, vector<1x64xf32>
    %get3A_39 = arith.constant 0 : index
    %get3A_40 = arith.constant 0 : index
    %get3A_41 = vector.load %arg16[%get3A_39, %get3A_40] : memref<1x64xf32, #tpu.memory_space<vmem>>, vector<1x64xf32>
    %get3A_42 = arith.constant 0 : index
    %get3A_43 = arith.constant 0 : index
    %get3A_44 = vector.load %arg17[%get3A_42, %get3A_43] : memref<128x64xf32, #tpu.memory_space<vmem>>, vector<128x64xf32>
    %get3A_45 = arith.constant 0 : index
    %get3A_46 = arith.constant 0 : index
    %get3A_47 = vector.load %arg18[%get3A_45, %get3A_46] : memref<64x64xf32, #tpu.memory_space<vmem>>, vector<64x64xf32>
    %get3A_48 = arith.constant 0 : index
    %get3A_49 = arith.constant 0 : index
    %get3A_50 = vector.load %arg19[%get3A_48, %get3A_49] : memref<1x64xf32, #tpu.memory_space<vmem>>, vector<1x64xf32>
    %get3A_51 = arith.constant 0 : index
    %get3A_52 = arith.constant 0 : index
    %get3A_53 = vector.load %arg20[%get3A_51, %get3A_52] : memref<1x64xf32, #tpu.memory_space<vmem>>, vector<1x64xf32>
    %dot_general3A_54 = arith.constant dense<0.000000e+00> : vector<1000x64xf32>
    %dot_general3A_55 = tpu.matmul %add3A_17, %get3A_20, %dot_general3A_54 {dimension_numbers = #tpu.dot_dimension_numbers<[1], [0], [0], [1], [0, 0, 1, 1], [], []>, transpose_lhs_hint = false} : vector<1000x128xf32>, vector<128x64xf32>, vector<1000x64xf32> -> vector<1000x64xf32>
    %add3A_56 = vector.broadcast %get3A_26 : vector<1x64xf32> to vector<1000x64xf32>
    %add3A_57 = arith.addf %dot_general3A_55, %add3A_56 : vector<1000x64xf32>
    %dot_general3A_58 = arith.constant dense<0.000000e+00> : vector<1000x64xf32>
    %dot_general3A_59 = tpu.matmul %get3A_1, %get3A_23, %dot_general3A_58 {dimension_numbers = #tpu.dot_dimension_numbers<[1], [0], [0], [1], [0, 0, 1, 1], [], []>, transpose_lhs_hint = false} : vector<1000x64xf32>, vector<64x64xf32>, vector<1000x64xf32> -> vector<1000x64xf32>
    %add3A_60 = arith.addf %add3A_57, %dot_general3A_59 : vector<1000x64xf32>
    %add3A_61 = vector.broadcast %get3A_29 : vector<1x64xf32> to vector<1000x64xf32>
    %add3A_62 = arith.addf %add3A_60, %add3A_61 : vector<1000x64xf32>
    %logistic3A = arith.negf %add3A_62 : vector<1000x64xf32>
    %logistic3A_63 = math.exp %logistic3A : vector<1000x64xf32>
    %logistic3A_64 = arith.constant 1.000000e+00 : f32
    %logistic3A_65 = vector.broadcast %logistic3A_64 : f32 to vector<1000x64xf32>
    %logistic3A_66 = arith.addf %logistic3A_65, %logistic3A_63 : vector<1000x64xf32>
    %logistic3A_67 = arith.divf %logistic3A_65, %logistic3A_66 : vector<1000x64xf32>
    %dot_general3A_68 = arith.constant dense<0.000000e+00> : vector<1000x64xf32>
    %dot_general3A_69 = tpu.matmul %add3A_17, %get3A_32, %dot_general3A_68 {dimension_numbers = #tpu.dot_dimension_numbers<[1], [0], [0], [1], [0, 0, 1, 1], [], []>, transpose_lhs_hint = false} : vector<1000x128xf32>, vector<128x64xf32>, vector<1000x64xf32> -> vector<1000x64xf32>
    %add3A_70 = vector.broadcast %get3A_38 : vector<1x64xf32> to vector<1000x64xf32>
    %add3A_71 = arith.addf %dot_general3A_69, %add3A_70 : vector<1000x64xf32>
    %dot_general3A_72 = arith.constant dense<0.000000e+00> : vector<1000x64xf32>
    %dot_general3A_73 = tpu.matmul %get3A_1, %get3A_35, %dot_general3A_72 {dimension_numbers = #tpu.dot_dimension_numbers<[1], [0], [0], [1], [0, 0, 1, 1], [], []>, transpose_lhs_hint = false} : vector<1000x64xf32>, vector<64x64xf32>, vector<1000x64xf32> -> vector<1000x64xf32>
    %add3A_74 = arith.addf %add3A_71, %dot_general3A_73 : vector<1000x64xf32>
    %add3A_75 = vector.broadcast %get3A_41 : vector<1x64xf32> to vector<1000x64xf32>
    %add3A_76 = arith.addf %add3A_74, %add3A_75 : vector<1000x64xf32>
    %logistic3A_77 = arith.negf %add3A_76 : vector<1000x64xf32>
    %logistic3A_78 = math.exp %logistic3A_77 : vector<1000x64xf32>
    %logistic3A_79 = arith.constant 1.000000e+00 : f32
    %logistic3A_80 = vector.broadcast %logistic3A_79 : f32 to vector<1000x64xf32>
    %logistic3A_81 = arith.addf %logistic3A_80, %logistic3A_78 : vector<1000x64xf32>
    %logistic3A_82 = arith.divf %logistic3A_80, %logistic3A_81 : vector<1000x64xf32>
    %dot_general3A_83 = arith.constant dense<0.000000e+00> : vector<1000x64xf32>
    %dot_general3A_84 = tpu.matmul %add3A_17, %get3A_44, %dot_general3A_83 {dimension_numbers = #tpu.dot_dimension_numbers<[1], [0], [0], [1], [0, 0, 1, 1], [], []>, transpose_lhs_hint = false} : vector<1000x128xf32>, vector<128x64xf32>, vector<1000x64xf32> -> vector<1000x64xf32>
    %add3A_85 = vector.broadcast %get3A_50 : vector<1x64xf32> to vector<1000x64xf32>
    %add3A_86 = arith.addf %dot_general3A_84, %add3A_85 : vector<1000x64xf32>
    %dot_general3A_87 = arith.constant dense<0.000000e+00> : vector<1000x64xf32>
    %dot_general3A_88 = tpu.matmul %get3A_1, %get3A_47, %dot_general3A_87 {dimension_numbers = #tpu.dot_dimension_numbers<[1], [0], [0], [1], [0, 0, 1, 1], [], []>, transpose_lhs_hint = false} : vector<1000x64xf32>, vector<64x64xf32>, vector<1000x64xf32> -> vector<1000x64xf32>
    %add3A_89 = vector.broadcast %get3A_53 : vector<1x64xf32> to vector<1000x64xf32>
    %add3A_90 = arith.addf %dot_general3A_88, %add3A_89 : vector<1000x64xf32>
    %mul3A_91 = arith.mulf %logistic3A_67, %add3A_90 : vector<1000x64xf32>
    %add3A_92 = arith.addf %add3A_86, %mul3A_91 : vector<1000x64xf32>
    %tanh3A = math.tanh %add3A_92 : vector<1000x64xf32>
    %sub3A = arith.constant 1.000000e+00 : f32
    %sub3A_93 = vector.broadcast %sub3A : f32 to vector<1000x64xf32>
    %sub3A_94 = arith.subf %sub3A_93, %logistic3A_82 : vector<1000x64xf32>
    %mul3A_95 = arith.mulf %sub3A_94, %tanh3A : vector<1000x64xf32>
    %mul3A_96 = arith.mulf %logistic3A_82, %get3A_1 : vector<1000x64xf32>
    %add3A_97 = arith.addf %mul3A_95, %mul3A_96 : vector<1000x64xf32>
    %swap3A = arith.constant 0 : index
    %swap3A_98 = arith.constant 0 : index
    %swap3A_99 = vector.load %arg37[%swap3A, %swap3A_98] : memref<1000x64xf32, #tpu.memory_space<vmem>>, vector<1000x64xf32>
    tpu.vector_store %arg37[%swap3A, %swap3A_98], %add3A_97 {strides = array<i32>} : memref<1000x64xf32, #tpu.memory_space<vmem>>, vector<1000x64xf32>,
    %get3A_100 = arith.constant 0 : index
    %get3A_101 = arith.constant 0 : index
    %get3A_102 = vector.load %arg21[%get3A_100, %get3A_101] : memref<64x128xf32, #tpu.memory_space<vmem>>, vector<64x128xf32>
    %dot_general3A_103 = arith.constant dense<0.000000e+00> : vector<1000x128xf32>
    %dot_general3A_104 = tpu.matmul %add3A_97, %get3A_102, %dot_general3A_103 {dimension_numbers = #tpu.dot_dimension_numbers<[1], [0], [0], [1], [0, 0, 1, 1], [], []>, transpose_lhs_hint = false} : vector<1000x64xf32>, vector<64x128xf32>, vector<1000x128xf32> -> vector<1000x128xf32>
    %swap3A_105 = arith.constant 0 : index
    %swap3A_106 = arith.constant 0 : index
    %swap3A_107 = arith.constant 0 : index
    %swap3A_108 = vector.load %arg39[%swap3A_105, %swap3A_106, %swap3A_107] : memref<2x1000x128xf32, #tpu.memory_space<vmem>>, vector<1x1000x128xf32>
    %swap3A_109 = vector.shape_cast %swap3A_108 : vector<1x1000x128xf32> to vector<1000x128xf32>
    %swap3A_110 = vector.shape_cast %dot_general3A_104 : vector<1000x128xf32> to vector<1x1000x128xf32>
    tpu.vector_store %arg39[%swap3A_105, %swap3A_106, %swap3A_107], %swap3A_110 {strides = array<i32>} : memref<2x1000x128xf32, #tpu.memory_space<vmem>>, vector<1x1000x128xf32>,
    %get3A_111 = arith.constant 0 : index
    %get3A_112 = arith.constant 0 : index
    %get3A_113 = vector.load %arg2[%get3A_111, %get3A_112] : memref<1000x64xf32, #tpu.memory_space<vmem>>, vector<1000x64xf32>
    %get3A_114 = arith.constant 0 : index
    %get3A_115 = arith.constant 0 : index
    %get3A_116 = vector.load %arg6[%get3A_114, %get3A_115] : memref<1000x128xf32, #tpu.memory_space<vmem>>, vector<1000x128xf32>
    %slice3A_117 = vector.extract_strided_slice %get3A_116 {offsets = [0, 0], sizes = [1000, 1], strides = [1, 1]} : vector<1000x128xf32> to vector<1000x1xf32>
    %get3A_118 = arith.constant 0 : index
    %get3A_119 = arith.constant 0 : index
    %get3A_120 = vector.load %arg22[%get3A_118, %get3A_119] : memref<64x128xf32, #tpu.memory_space<vmem>>, vector<64x128xf32>
    %get3A_121 = arith.constant 0 : index
    %get3A_122 = arith.constant 0 : index
    %get3A_123 = vector.load %arg23[%get3A_121, %get3A_122] : memref<1x128xf32, #tpu.memory_space<vmem>>, vector<1x128xf32>
    %get3A_124 = arith.constant 0 : index
    %get3A_125 = arith.constant 0 : index
    %get3A_126 = vector.load %arg4[%get3A_124, %get3A_125] : memref<1000x128xf32, #tpu.memory_space<vmem>>, vector<1000x128xf32>
    %dot_general3A_127 = arith.constant dense<0.000000e+00> : vector<1000x128xf32>
    %dot_general3A_128 = tpu.matmul %get3A_113, %get3A_120, %dot_general3A_127 {dimension_numbers = #tpu.dot_dimension_numbers<[1], [0], [0], [1], [0, 0, 1, 1], [], []>, transpose_lhs_hint = false} : vector<1000x64xf32>, vector<64x128xf32>, vector<1000x128xf32> -> vector<1000x128xf32>
    %add3A_129 = vector.broadcast %get3A_123 : vector<1x128xf32> to vector<1000x128xf32>
    %add3A_130 = arith.addf %dot_general3A_128, %add3A_129 : vector<1000x128xf32>
    %mul3A_131 = vector.broadcast %slice3A_117 : vector<1000x1xf32> to vector<1000x128xf32>
    %mul3A_132 = arith.mulf %mul3A_131, %add3A_130 : vector<1000x128xf32>
    %add3A_133 = arith.addf %get3A_126, %mul3A_132 : vector<1000x128xf32>
    %get3A_134 = arith.constant 0 : index
    %get3A_135 = arith.constant 0 : index
    %get3A_136 = vector.load %arg24[%get3A_134, %get3A_135] : memref<128x64xf32, #tpu.memory_space<vmem>>, vector<128x64xf32>
    %get3A_137 = arith.constant 0 : index
    %get3A_138 = arith.constant 0 : index
    %get3A_139 = vector.load %arg25[%get3A_137, %get3A_138] : memref<64x64xf32, #tpu.memory_space<vmem>>, vector<64x64xf32>
    %get3A_140 = arith.constant 0 : index
    %get3A_141 = arith.constant 0 : index
    %get3A_142 = vector.load %arg26[%get3A_140, %get3A_141] : memref<1x64xf32, #tpu.memory_space<vmem>>, vector<1x64xf32>
    %get3A_143 = arith.constant 0 : index
    %get3A_144 = arith.constant 0 : index
    %get3A_145 = vector.load %arg27[%get3A_143, %get3A_144] : memref<1x64xf32, #tpu.memory_space<vmem>>, vector<1x64xf32>
    %get3A_146 = arith.constant 0 : index
    %get3A_147 = arith.constant 0 : index
    %get3A_148 = vector.load %arg28[%get3A_146, %get3A_147] : memref<128x64xf32, #tpu.memory_space<vmem>>, vector<128x64xf32>
    %get3A_149 = arith.constant 0 : index
    %get3A_150 = arith.constant 0 : index
    %get3A_151 = vector.load %arg29[%get3A_149, %get3A_150] : memref<64x64xf32, #tpu.memory_space<vmem>>, vector<64x64xf32>
    %get3A_152 = arith.constant 0 : index
    %get3A_153 = arith.constant 0 : index
    %get3A_154 = vector.load %arg30[%get3A_152, %get3A_153] : memref<1x64xf32, #tpu.memory_space<vmem>>, vector<1x64xf32>
    %get3A_155 = arith.constant 0 : index
    %get3A_156 = arith.constant 0 : index
    %get3A_157 = vector.load %arg31[%get3A_155, %get3A_156] : memref<1x64xf32, #tpu.memory_space<vmem>>, vector<1x64xf32>
    %get3A_158 = arith.constant 0 : index
    %get3A_159 = arith.constant 0 : index
    %get3A_160 = vector.load %arg32[%get3A_158, %get3A_159] : memref<128x64xf32, #tpu.memory_space<vmem>>, vector<128x64xf32>
    %get3A_161 = arith.constant 0 : index
    %get3A_162 = arith.constant 0 : index
    %get3A_163 = vector.load %arg33[%get3A_161, %get3A_162] : memref<64x64xf32, #tpu.memory_space<vmem>>, vector<64x64xf32>
    %get3A_164 = arith.constant 0 : index
    %get3A_165 = arith.constant 0 : index
    %get3A_166 = vector.load %arg34[%get3A_164, %get3A_165] : memref<1x64xf32, #tpu.memory_space<vmem>>, vector<1x64xf32>
    %get3A_167 = arith.constant 0 : index
    %get3A_168 = arith.constant 0 : index
    %get3A_169 = vector.load %arg35[%get3A_167, %get3A_168] : memref<1x64xf32, #tpu.memory_space<vmem>>, vector<1x64xf32>
    %dot_general3A_170 = arith.constant dense<0.000000e+00> : vector<1000x64xf32>
    %dot_general3A_171 = tpu.matmul %add3A_133, %get3A_136, %dot_general3A_170 {dimension_numbers = #tpu.dot_dimension_numbers<[1], [0], [0], [1], [0, 0, 1, 1], [], []>, transpose_lhs_hint = false} : vector<1000x128xf32>, vector<128x64xf32>, vector<1000x64xf32> -> vector<1000x64xf32>
    %add3A_172 = vector.broadcast %get3A_142 : vector<1x64xf32> to vector<1000x64xf32>
    %add3A_173 = arith.addf %dot_general3A_171, %add3A_172 : vector<1000x64xf32>
    %dot_general3A_174 = arith.constant dense<0.000000e+00> : vector<1000x64xf32>
    %dot_general3A_175 = tpu.matmul %get3A_113, %get3A_139, %dot_general3A_174 {dimension_numbers = #tpu.dot_dimension_numbers<[1], [0], [0], [1], [0, 0, 1, 1], [], []>, transpose_lhs_hint = false} : vector<1000x64xf32>, vector<64x64xf32>, vector<1000x64xf32> -> vector<1000x64xf32>
    %add3A_176 = arith.addf %add3A_173, %dot_general3A_175 : vector<1000x64xf32>
    %add3A_177 = vector.broadcast %get3A_145 : vector<1x64xf32> to vector<1000x64xf32>
    %add3A_178 = arith.addf %add3A_176, %add3A_177 : vector<1000x64xf32>
    %logistic3A_179 = arith.negf %add3A_178 : vector<1000x64xf32>
    %logistic3A_180 = math.exp %logistic3A_179 : vector<1000x64xf32>
    %logistic3A_181 = arith.constant 1.000000e+00 : f32
    %logistic3A_182 = vector.broadcast %logistic3A_181 : f32 to vector<1000x64xf32>
    %logistic3A_183 = arith.addf %logistic3A_182, %logistic3A_180 : vector<1000x64xf32>
    %logistic3A_184 = arith.divf %logistic3A_182, %logistic3A_183 : vector<1000x64xf32>
    %dot_general3A_185 = arith.constant dense<0.000000e+00> : vector<1000x64xf32>
    %dot_general3A_186 = tpu.matmul %add3A_133, %get3A_148, %dot_general3A_185 {dimension_numbers = #tpu.dot_dimension_numbers<[1], [0], [0], [1], [0, 0, 1, 1], [], []>, transpose_lhs_hint = false} : vector<1000x128xf32>, vector<128x64xf32>, vector<1000x64xf32> -> vector<1000x64xf32>
    %add3A_187 = vector.broadcast %get3A_154 : vector<1x64xf32> to vector<1000x64xf32>
    %add3A_188 = arith.addf %dot_general3A_186, %add3A_187 : vector<1000x64xf32>
    %dot_general3A_189 = arith.constant dense<0.000000e+00> : vector<1000x64xf32>
    %dot_general3A_190 = tpu.matmul %get3A_113, %get3A_151, %dot_general3A_189 {dimension_numbers = #tpu.dot_dimension_numbers<[1], [0], [0], [1], [0, 0, 1, 1], [], []>, transpose_lhs_hint = false} : vector<1000x64xf32>, vector<64x64xf32>, vector<1000x64xf32> -> vector<1000x64xf32>
    %add3A_191 = arith.addf %add3A_188, %dot_general3A_190 : vector<1000x64xf32>
    %add3A_192 = vector.broadcast %get3A_157 : vector<1x64xf32> to vector<1000x64xf32>
    %add3A_193 = arith.addf %add3A_191, %add3A_192 : vector<1000x64xf32>
    %logistic3A_194 = arith.negf %add3A_193 : vector<1000x64xf32>
    %logistic3A_195 = math.exp %logistic3A_194 : vector<1000x64xf32>
    %logistic3A_196 = arith.constant 1.000000e+00 : f32
    %logistic3A_197 = vector.broadcast %logistic3A_196 : f32 to vector<1000x64xf32>
    %logistic3A_198 = arith.addf %logistic3A_197, %logistic3A_195 : vector<1000x64xf32>
    %logistic3A_199 = arith.divf %logistic3A_197, %logistic3A_198 : vector<1000x64xf32>
    %dot_general3A_200 = arith.constant dense<0.000000e+00> : vector<1000x64xf32>
    %dot_general3A_201 = tpu.matmul %add3A_133, %get3A_160, %dot_general3A_200 {dimension_numbers = #tpu.dot_dimension_numbers<[1], [0], [0], [1], [0, 0, 1, 1], [], []>, transpose_lhs_hint = false} : vector<1000x128xf32>, vector<128x64xf32>, vector<1000x64xf32> -> vector<1000x64xf32>
    %add3A_202 = vector.broadcast %get3A_166 : vector<1x64xf32> to vector<1000x64xf32>
    %add3A_203 = arith.addf %dot_general3A_201, %add3A_202 : vector<1000x64xf32>
    %dot_general3A_204 = arith.constant dense<0.000000e+00> : vector<1000x64xf32>
    %dot_general3A_205 = tpu.matmul %get3A_113, %get3A_163, %dot_general3A_204 {dimension_numbers = #tpu.dot_dimension_numbers<[1], [0], [0], [1], [0, 0, 1, 1], [], []>, transpose_lhs_hint = false} : vector<1000x64xf32>, vector<64x64xf32>, vector<1000x64xf32> -> vector<1000x64xf32>
    %add3A_206 = vector.broadcast %get3A_169 : vector<1x64xf32> to vector<1000x64xf32>
    %add3A_207 = arith.addf %dot_general3A_205, %add3A_206 : vector<1000x64xf32>
    %mul3A_208 = arith.mulf %logistic3A_184, %add3A_207 : vector<1000x64xf32>
    %add3A_209 = arith.addf %add3A_203, %mul3A_208 : vector<1000x64xf32>
    %tanh3A_210 = math.tanh %add3A_209 : vector<1000x64xf32>
    %sub3A_211 = arith.constant 1.000000e+00 : f32
    %sub3A_212 = vector.broadcast %sub3A_211 : f32 to vector<1000x64xf32>
    %sub3A_213 = arith.subf %sub3A_212, %logistic3A_199 : vector<1000x64xf32>
    %mul3A_214 = arith.mulf %sub3A_213, %tanh3A_210 : vector<1000x64xf32>
    %mul3A_215 = arith.mulf %logistic3A_199, %get3A_113 : vector<1000x64xf32>
    %add3A_216 = arith.addf %mul3A_214, %mul3A_215 : vector<1000x64xf32>
    %swap3A_217 = arith.constant 0 : index
    %swap3A_218 = arith.constant 0 : index
    %swap3A_219 = vector.load %arg38[%swap3A_217, %swap3A_218] : memref<1000x64xf32, #tpu.memory_space<vmem>>, vector<1000x64xf32>
    tpu.vector_store %arg38[%swap3A_217, %swap3A_218], %add3A_216 {strides = array<i32>} : memref<1000x64xf32, #tpu.memory_space<vmem>>, vector<1000x64xf32>,
    %get3A_220 = arith.constant 0 : index
    %get3A_221 = arith.constant 0 : index
    %get3A_222 = vector.load %arg36[%get3A_220, %get3A_221] : memref<64x128xf32, #tpu.memory_space<vmem>>, vector<64x128xf32>
    %dot_general3A_223 = arith.constant dense<0.000000e+00> : vector<1000x128xf32>
    %dot_general3A_224 = tpu.matmul %add3A_216, %get3A_222, %dot_general3A_223 {dimension_numbers = #tpu.dot_dimension_numbers<[1], [0], [0], [1], [0, 0, 1, 1], [], []>, transpose_lhs_hint = false} : vector<1000x64xf32>, vector<64x128xf32>, vector<1000x128xf32> -> vector<1000x128xf32>
    %swap3A_225 = arith.constant 1 : index
    %swap3A_226 = arith.constant 0 : index
    %swap3A_227 = arith.constant 0 : index
    %swap3A_228 = vector.load %arg39[%swap3A_225, %swap3A_226, %swap3A_227] : memref<2x1000x128xf32, #tpu.memory_space<vmem>>, vector<1x1000x128xf32>
    %swap3A_229 = vector.shape_cast %swap3A_228 : vector<1x1000x128xf32> to vector<1000x128xf32>
    %swap3A_230 = vector.shape_cast %dot_general3A_224 : vector<1000x128xf32> to vector<1x1000x128xf32>
    tpu.vector_store %arg39[%swap3A_225, %swap3A_226, %swap3A_227], %swap3A_230 {strides = array<i32>} : memref<2x1000x128xf32, #tpu.memory_space<vmem>>, vector<1x1000x128xf32>,
    return
  }
  func.func @transform_0(%arg0: i32) -> (i32, i32) {
    %c0_i32 = arith.constant 0 : i32
    %c0_i32_0 = arith.constant 0 : i32
    return %arg0, %c0_i32 : i32, i32
  }
  func.func @transform_1(%arg0: i32) -> (i32, i32) {
    %c0_i32 = arith.constant 0 : i32
    %c0_i32_0 = arith.constant 0 : i32
    return %arg0, %c0_i32 : i32, i32
  }
  func.func @transform_2(%arg0: i32) -> (i32, i32) {
    %c0_i32 = arith.constant 0 : i32
    %c0_i32_0 = arith.constant 0 : i32
    return %arg0, %c0_i32 : i32, i32
  }
  func.func @transform_3(%arg0: i32) -> (i32, i32) {
    %c0_i32 = arith.constant 0 : i32
    %c0_i32_0 = arith.constant 0 : i32
    return %arg0, %c0_i32 : i32, i32
  }
  func.func @transform_4(%arg0: i32) -> (i32, i32) {
    %c0_i32 = arith.constant 0 : i32
    %c0_i32_0 = arith.constant 0 : i32
    return %arg0, %c0_i32 : i32, i32
  }
  func.func @transform_5(%arg0: i32) -> (i32, i32) {
    %c0_i32 = arith.constant 0 : i32
    %c0_i32_0 = arith.constant 0 : i32
    return %arg0, %c0_i32 : i32, i32
  }
  func.func @transform_6(%arg0: i32) -> (i32, i32) {
    %c0_i32 = arith.constant 0 : i32
    %c0_i32_0 = arith.constant 0 : i32
    %c0_i32_1 = arith.constant 0 : i32
    return %c0_i32, %c0_i32_0 : i32, i32
  }
  func.func @transform_7(%arg0: i32) -> (i32, i32) {
    %c0_i32 = arith.constant 0 : i32
    %c0_i32_0 = arith.constant 0 : i32
    %c0_i32_1 = arith.constant 0 : i32
    return %c0_i32, %c0_i32_0 : i32, i32
  }
  func.func @transform_8(%arg0: i32) -> (i32, i32) {
    %c0_i32 = arith.constant 0 : i32
    %c0_i32_0 = arith.constant 0 : i32
    %c0_i32_1 = arith.constant 0 : i32
    return %c0_i32, %c0_i32_0 : i32, i32
  }
  func.func @transform_9(%arg0: i32) -> (i32, i32) {
    %c0_i32 = arith.constant 0 : i32
    %c0_i32_0 = arith.constant 0 : i32
    %c0_i32_1 = arith.constant 0 : i32
    return %c0_i32, %c0_i32_0 : i32, i32
  }
  func.func @transform_10(%arg0: i32) -> (i32, i32) {
    %c0_i32 = arith.constant 0 : i32
    %c0_i32_0 = arith.constant 0 : i32
    %c0_i32_1 = arith.constant 0 : i32
    return %c0_i32, %c0_i32_0 : i32, i32
  }
  func.func @transform_11(%arg0: i32) -> (i32, i32) {
    %c0_i32 = arith.constant 0 : i32
    %c0_i32_0 = arith.constant 0 : i32
    %c0_i32_1 = arith.constant 0 : i32
    return %c0_i32, %c0_i32_0 : i32, i32
  }
  func.func @transform_12(%arg0: i32) -> (i32, i32) {
    %c0_i32 = arith.constant 0 : i32
    %c0_i32_0 = arith.constant 0 : i32
    %c0_i32_1 = arith.constant 0 : i32
    return %c0_i32, %c0_i32_0 : i32, i32
  }
  func.func @transform_13(%arg0: i32) -> (i32, i32) {
    %c0_i32 = arith.constant 0 : i32
    %c0_i32_0 = arith.constant 0 : i32
    %c0_i32_1 = arith.constant 0 : i32
    return %c0_i32, %c0_i32_0 : i32, i32
  }
  func.func @transform_14(%arg0: i32) -> (i32, i32) {
    %c0_i32 = arith.constant 0 : i32
    %c0_i32_0 = arith.constant 0 : i32
    %c0_i32_1 = arith.constant 0 : i32
    return %c0_i32, %c0_i32_0 : i32, i32
  }
  func.func @transform_15(%arg0: i32) -> (i32, i32) {
    %c0_i32 = arith.constant 0 : i32
    %c0_i32_0 = arith.constant 0 : i32
    %c0_i32_1 = arith.constant 0 : i32
    return %c0_i32, %c0_i32_0 : i32, i32
  }
  func.func @transform_16(%arg0: i32) -> (i32, i32) {
    %c0_i32 = arith.constant 0 : i32
    %c0_i32_0 = arith.constant 0 : i32
    %c0_i32_1 = arith.constant 0 : i32
    return %c0_i32, %c0_i32_0 : i32, i32
  }
  func.func @transform_17(%arg0: i32) -> (i32, i32) {
    %c0_i32 = arith.constant 0 : i32
    %c0_i32_0 = arith.constant 0 : i32
    %c0_i32_1 = arith.constant 0 : i32
    return %c0_i32, %c0_i32_0 : i32, i32
  }
  func.func @transform_18(%arg0: i32) -> (i32, i32) {
    %c0_i32 = arith.constant 0 : i32
    %c0_i32_0 = arith.constant 0 : i32
    %c0_i32_1 = arith.constant 0 : i32
    return %c0_i32, %c0_i32_0 : i32, i32
  }
  func.func @transform_19(%arg0: i32) -> (i32, i32) {
    %c0_i32 = arith.constant 0 : i32
    %c0_i32_0 = arith.constant 0 : i32
    %c0_i32_1 = arith.constant 0 : i32
    return %c0_i32, %c0_i32_0 : i32, i32
  }
  func.func @transform_20(%arg0: i32) -> (i32, i32) {
    %c0_i32 = arith.constant 0 : i32
    %c0_i32_0 = arith.constant 0 : i32
    %c0_i32_1 = arith.constant 0 : i32
    return %c0_i32, %c0_i32_0 : i32, i32
  }
  func.func @transform_21(%arg0: i32) -> (i32, i32) {
    %c0_i32 = arith.constant 0 : i32
    %c0_i32_0 = arith.constant 0 : i32
    %c0_i32_1 = arith.constant 0 : i32
    return %c0_i32, %c0_i32_0 : i32, i32
  }
  func.func @transform_22(%arg0: i32) -> (i32, i32) {
    %c0_i32 = arith.constant 0 : i32
    %c0_i32_0 = arith.constant 0 : i32
    %c0_i32_1 = arith.constant 0 : i32
    return %c0_i32, %c0_i32_0 : i32, i32
  }
  func.func @transform_23(%arg0: i32) -> (i32, i32) {
    %c0_i32 = arith.constant 0 : i32
    %c0_i32_0 = arith.constant 0 : i32
    %c0_i32_1 = arith.constant 0 : i32
    return %c0_i32, %c0_i32_0 : i32, i32
  }
  func.func @transform_24(%arg0: i32) -> (i32, i32) {
    %c0_i32 = arith.constant 0 : i32
    %c0_i32_0 = arith.constant 0 : i32
    %c0_i32_1 = arith.constant 0 : i32
    return %c0_i32, %c0_i32_0 : i32, i32
  }
  func.func @transform_25(%arg0: i32) -> (i32, i32) {
    %c0_i32 = arith.constant 0 : i32
    %c0_i32_0 = arith.constant 0 : i32
    %c0_i32_1 = arith.constant 0 : i32
    return %c0_i32, %c0_i32_0 : i32, i32
  }
  func.func @transform_26(%arg0: i32) -> (i32, i32) {
    %c0_i32 = arith.constant 0 : i32
    %c0_i32_0 = arith.constant 0 : i32
    %c0_i32_1 = arith.constant 0 : i32
    return %c0_i32, %c0_i32_0 : i32, i32
  }
  func.func @transform_27(%arg0: i32) -> (i32, i32) {
    %c0_i32 = arith.constant 0 : i32
    %c0_i32_0 = arith.constant 0 : i32
    %c0_i32_1 = arith.constant 0 : i32
    return %c0_i32, %c0_i32_0 : i32, i32
  }
  func.func @transform_28(%arg0: i32) -> (i32, i32) {
    %c0_i32 = arith.constant 0 : i32
    %c0_i32_0 = arith.constant 0 : i32
    %c0_i32_1 = arith.constant 0 : i32
    return %c0_i32, %c0_i32_0 : i32, i32
  }
  func.func @transform_29(%arg0: i32) -> (i32, i32) {
    %c0_i32 = arith.constant 0 : i32
    %c0_i32_0 = arith.constant 0 : i32
    %c0_i32_1 = arith.constant 0 : i32
    return %c0_i32, %c0_i32_0 : i32, i32
  }
  func.func @transform_30(%arg0: i32) -> (i32, i32) {
    %c0_i32 = arith.constant 0 : i32
    %c0_i32_0 = arith.constant 0 : i32
    %c0_i32_1 = arith.constant 0 : i32
    return %c0_i32, %c0_i32_0 : i32, i32
  }
  func.func @transform_31(%arg0: i32) -> (i32, i32) {
    %c0_i32 = arith.constant 0 : i32
    %c0_i32_0 = arith.constant 0 : i32
    %c0_i32_1 = arith.constant 0 : i32
    return %c0_i32, %c0_i32_0 : i32, i32
  }
  func.func @transform_32(%arg0: i32) -> (i32, i32) {
    %c0_i32 = arith.constant 0 : i32
    %c0_i32_0 = arith.constant 0 : i32
    %c0_i32_1 = arith.constant 0 : i32
    return %c0_i32, %c0_i32_0 : i32, i32
  }
  func.func @transform_33(%arg0: i32) -> (i32, i32) {
    %c0_i32 = arith.constant 0 : i32
    %c0_i32_0 = arith.constant 0 : i32
    %c0_i32_1 = arith.constant 0 : i32
    return %c0_i32, %c0_i32_0 : i32, i32
  }
  func.func @transform_34(%arg0: i32) -> (i32, i32) {
    %c0_i32 = arith.constant 0 : i32
    %c0_i32_0 = arith.constant 0 : i32
    %c0_i32_1 = arith.constant 0 : i32
    return %c0_i32, %c0_i32_0 : i32, i32
  }
  func.func @transform_35(%arg0: i32) -> (i32, i32) {
    %c0_i32 = arith.constant 0 : i32
    %c0_i32_0 = arith.constant 0 : i32
    %c0_i32_1 = arith.constant 0 : i32
    return %c0_i32, %c0_i32_0 : i32, i32
  }
  func.func @transform_36(%arg0: i32) -> (i32, i32) {
    %c0_i32 = arith.constant 0 : i32
    %c0_i32_0 = arith.constant 0 : i32
    return %arg0, %c0_i32 : i32, i32
  }
  func.func @transform_37(%arg0: i32) -> (i32, i32) {
    %c0_i32 = arith.constant 0 : i32
    %c0_i32_0 = arith.constant 0 : i32
    return %arg0, %c0_i32 : i32, i32
  }
  func.func @transform_38(%arg0: i32) -> (i32, i32, i32) {
    %c0_i32 = arith.constant 0 : i32
    %c0_i32_0 = arith.constant 0 : i32
    %c0_i32_1 = arith.constant 0 : i32
    return %c0_i32, %arg0, %c0_i32_0 : i32, i32, i32
  }
}

module attributes {stable_mosaic.version = 14 : i64} {
  func.func @_post_body(%arg0: i32, %arg1: memref<1000x64xf32, #tpu.memory_space<vmem>>, %arg2: memref<1000x64xf32, #tpu.memory_space<vmem>>, %arg3: memref<1000x128xf32, #tpu.memory_space<vmem>>, %arg4: memref<1000x128xf32, #tpu.memory_space<vmem>>, %arg5: memref<1000x128xf32, #tpu.memory_space<vmem>>, %arg6: memref<1000x128xf32, #tpu.memory_space<vmem>>, %arg7: memref<64x128xf32, #tpu.memory_space<vmem>>, %arg8: memref<1x128xf32, #tpu.memory_space<vmem>>, %arg9: memref<128x64xf32, #tpu.memory_space<vmem>>, %arg10: memref<64x64xf32, #tpu.memory_space<vmem>>, %arg11: memref<1x64xf32, #tpu.memory_space<vmem>>, %arg12: memref<1x64xf32, #tpu.memory_space<vmem>>, %arg13: memref<128x64xf32, #tpu.memory_space<vmem>>, %arg14: memref<64x64xf32, #tpu.memory_space<vmem>>, %arg15: memref<1x64xf32, #tpu.memory_space<vmem>>, %arg16: memref<1x64xf32, #tpu.memory_space<vmem>>, %arg17: memref<128x64xf32, #tpu.memory_space<vmem>>, %arg18: memref<64x64xf32, #tpu.memory_space<vmem>>, %arg19: memref<1x64xf32, #tpu.memory_space<vmem>>, %arg20: memref<1x64xf32, #tpu.memory_space<vmem>>, %arg21: memref<64x128xf32, #tpu.memory_space<vmem>>, %arg22: memref<1x128xf32, #tpu.memory_space<vmem>>, %arg23: memref<128x64xf32, #tpu.memory_space<vmem>>, %arg24: memref<64x64xf32, #tpu.memory_space<vmem>>, %arg25: memref<1x64xf32, #tpu.memory_space<vmem>>, %arg26: memref<1x64xf32, #tpu.memory_space<vmem>>, %arg27: memref<128x64xf32, #tpu.memory_space<vmem>>, %arg28: memref<64x64xf32, #tpu.memory_space<vmem>>, %arg29: memref<1x64xf32, #tpu.memory_space<vmem>>, %arg30: memref<1x64xf32, #tpu.memory_space<vmem>>, %arg31: memref<128x64xf32, #tpu.memory_space<vmem>>, %arg32: memref<64x64xf32, #tpu.memory_space<vmem>>, %arg33: memref<1x64xf32, #tpu.memory_space<vmem>>, %arg34: memref<1x64xf32, #tpu.memory_space<vmem>>, %arg35: memref<128x128xf32, #tpu.memory_space<vmem>>, %arg36: memref<1x128xf32, #tpu.memory_space<vmem>>, %arg37: memref<128x1xf32, #tpu.memory_space<vmem>>, %arg38: memref<1x1xf32, #tpu.memory_space<vmem>>, %arg39: memref<128x128xf32, #tpu.memory_space<vmem>>, %arg40: memref<1x128xf32, #tpu.memory_space<vmem>>, %arg41: memref<128x1xf32, #tpu.memory_space<vmem>>, %arg42: memref<1x1xf32, #tpu.memory_space<vmem>>, %arg43: memref<128x256xf32, #tpu.memory_space<vmem>>, %arg44: memref<1000x128xf32, #tpu.memory_space<vmem>>, %arg45: memref<1000x128xf32, #tpu.memory_space<vmem>>, %arg46: memref<1000x128xf32, #tpu.memory_space<vmem>>, %arg47: memref<1000x256xf32, #tpu.memory_space<vmem>>) attributes {dimension_semantics = [#tpu.dimension_semantics<arbitrary>], iteration_bounds = array<i64: 10>, scalar_prefetch = 0 : i64, scratch_operands = 0 : i64, tpu.core_type = #tpu.core_type<tc>, window_params = [{transform_indices = @transform_0, window_bounds = array<i64: 1000, 64>}, {transform_indices = @transform_1, window_bounds = array<i64: 1000, 64>}, {transform_indices = @transform_2, window_bounds = array<i64: 1000, 128>}, {transform_indices = @transform_3, window_bounds = array<i64: 1000, 128>}, {transform_indices = @transform_4, window_bounds = array<i64: 1000, 128>}, {transform_indices = @transform_5, window_bounds = array<i64: 1000, 128>}, {pipeline_mode = #tpu.pipeline_mode<synchronous>, transform_indices = @transform_6, window_bounds = array<i64: 64, 128>}, {pipeline_mode = #tpu.pipeline_mode<synchronous>, transform_indices = @transform_7, window_bounds = array<i64: 1, 128>}, {pipeline_mode = #tpu.pipeline_mode<synchronous>, transform_indices = @transform_8, window_bounds = array<i64: 128, 64>}, {pipeline_mode = #tpu.pipeline_mode<synchronous>, transform_indices = @transform_9, window_bounds = array<i64: 64, 64>}, {pipeline_mode = #tpu.pipeline_mode<synchronous>, transform_indices = @transform_10, window_bounds = array<i64: 1, 64>}, {pipeline_mode = #tpu.pipeline_mode<synchronous>, transform_indices = @transform_11, window_bounds = array<i64: 1, 64>}, {pipeline_mode = #tpu.pipeline_mode<synchronous>, transform_indices = @transform_12, window_bounds = array<i64: 128, 64>}, {pipeline_mode = #tpu.pipeline_mode<synchronous>, transform_indices = @transform_13, window_bounds = array<i64: 64, 64>}, {pipeline_mode = #tpu.pipeline_mode<synchronous>, transform_indices = @transform_14, window_bounds = array<i64: 1, 64>}, {pipeline_mode = #tpu.pipeline_mode<synchronous>, transform_indices = @transform_15, window_bounds = array<i64: 1, 64>}, {pipeline_mode = #tpu.pipeline_mode<synchronous>, transform_indices = @transform_16, window_bounds = array<i64: 128, 64>}, {pipeline_mode = #tpu.pipeline_mode<synchronous>, transform_indices = @transform_17, window_bounds = array<i64: 64, 64>}, {pipeline_mode = #tpu.pipeline_mode<synchronous>, transform_indices = @transform_18, window_bounds = array<i64: 1, 64>}, {pipeline_mode = #tpu.pipeline_mode<synchronous>, transform_indices = @transform_19, window_bounds = array<i64: 1, 64>}, {pipeline_mode = #tpu.pipeline_mode<synchronous>, transform_indices = @transform_20, window_bounds = array<i64: 64, 128>}, {pipeline_mode = #tpu.pipeline_mode<synchronous>, transform_indices = @transform_21, window_bounds = array<i64: 1, 128>}, {pipeline_mode = #tpu.pipeline_mode<synchronous>, transform_indices = @transform_22, window_bounds = array<i64: 128, 64>}, {pipeline_mode = #tpu.pipeline_mode<synchronous>, transform_indices = @transform_23, window_bounds = array<i64: 64, 64>}, {pipeline_mode = #tpu.pipeline_mode<synchronous>, transform_indices = @transform_24, window_bounds = array<i64: 1, 64>}, {pipeline_mode = #tpu.pipeline_mode<synchronous>, transform_indices = @transform_25, window_bounds = array<i64: 1, 64>}, {pipeline_mode = #tpu.pipeline_mode<synchronous>, transform_indices = @transform_26, window_bounds = array<i64: 128, 64>}, {pipeline_mode = #tpu.pipeline_mode<synchronous>, transform_indices = @transform_27, window_bounds = array<i64: 64, 64>}, {pipeline_mode = #tpu.pipeline_mode<synchronous>, transform_indices = @transform_28, window_bounds = array<i64: 1, 64>}, {pipeline_mode = #tpu.pipeline_mode<synchronous>, transform_indices = @transform_29, window_bounds = array<i64: 1, 64>}, {pipeline_mode = #tpu.pipeline_mode<synchronous>, transform_indices = @transform_30, window_bounds = array<i64: 128, 64>}, {pipeline_mode = #tpu.pipeline_mode<synchronous>, transform_indices = @transform_31, window_bounds = array<i64: 64, 64>}, {pipeline_mode = #tpu.pipeline_mode<synchronous>, transform_indices = @transform_32, window_bounds = array<i64: 1, 64>}, {pipeline_mode = #tpu.pipeline_mode<synchronous>, transform_indices = @transform_33, window_bounds = array<i64: 1, 64>}, {pipeline_mode = #tpu.pipeline_mode<synchronous>, transform_indices = @transform_34, window_bounds = array<i64: 128, 128>}, {pipeline_mode = #tpu.pipeline_mode<synchronous>, transform_indices = @transform_35, window_bounds = array<i64: 1, 128>}, {pipeline_mode = #tpu.pipeline_mode<synchronous>, transform_indices = @transform_36, window_bounds = array<i64: 128, 1>}, {pipeline_mode = #tpu.pipeline_mode<synchronous>, transform_indices = @transform_37, window_bounds = array<i64: 1, 1>}, {pipeline_mode = #tpu.pipeline_mode<synchronous>, transform_indices = @transform_38, window_bounds = array<i64: 128, 128>}, {pipeline_mode = #tpu.pipeline_mode<synchronous>, transform_indices = @transform_39, window_bounds = array<i64: 1, 128>}, {pipeline_mode = #tpu.pipeline_mode<synchronous>, transform_indices = @transform_40, window_bounds = array<i64: 128, 1>}, {pipeline_mode = #tpu.pipeline_mode<synchronous>, transform_indices = @transform_41, window_bounds = array<i64: 1, 1>}, {pipeline_mode = #tpu.pipeline_mode<synchronous>, transform_indices = @transform_42, window_bounds = array<i64: 128, 256>}, {transform_indices = @transform_43, window_bounds = array<i64: 1000, 128>}, {transform_indices = @transform_44, window_bounds = array<i64: 1000, 128>}, {transform_indices = @transform_45, window_bounds = array<i64: 1000, 128>}, {transform_indices = @transform_46, window_bounds = array<i64: 1000, 256>}]} {
    %get3A = arith.constant 0 : index
    %get3A_0 = arith.constant 0 : index
    %get3A_1 = vector.load %arg1[%get3A, %get3A_0] : memref<1000x64xf32, #tpu.memory_space<vmem>>, vector<1000x64xf32>
    %get3A_2 = arith.constant 0 : index
    %get3A_3 = arith.constant 0 : index
    %get3A_4 = vector.load %arg5[%get3A_2, %get3A_3] : memref<1000x128xf32, #tpu.memory_space<vmem>>, vector<1000x128xf32>
    %slice3A = vector.extract_strided_slice %get3A_4 {offsets = [0, 0], sizes = [1000, 1], strides = [1, 1]} : vector<1000x128xf32> to vector<1000x1xf32>
    %get3A_5 = arith.constant 0 : index
    %get3A_6 = arith.constant 0 : index
    %get3A_7 = vector.load %arg7[%get3A_5, %get3A_6] : memref<64x128xf32, #tpu.memory_space<vmem>>, vector<64x128xf32>
    %get3A_8 = arith.constant 0 : index
    %get3A_9 = arith.constant 0 : index
    %get3A_10 = vector.load %arg8[%get3A_8, %get3A_9] : memref<1x128xf32, #tpu.memory_space<vmem>>, vector<1x128xf32>
    %get3A_11 = arith.constant 0 : index
    %get3A_12 = arith.constant 0 : index
    %get3A_13 = vector.load %arg3[%get3A_11, %get3A_12] : memref<1000x128xf32, #tpu.memory_space<vmem>>, vector<1000x128xf32>
    %dot_general3A = arith.constant dense<0.000000e+00> : vector<1000x128xf32>
    %dot_general3A_14 = tpu.matmul %get3A_1, %get3A_7, %dot_general3A {dimension_numbers = #tpu.dot_dimension_numbers<[1], [0], [0], [1], [0, 0, 1, 1], [], []>, transpose_lhs_hint = false} : vector<1000x64xf32>, vector<64x128xf32>, vector<1000x128xf32> -> vector<1000x128xf32>
    %add3A = vector.broadcast %get3A_10 : vector<1x128xf32> to vector<1000x128xf32>
    %add3A_15 = arith.addf %dot_general3A_14, %add3A : vector<1000x128xf32>
    %mul3A = vector.broadcast %slice3A : vector<1000x1xf32> to vector<1000x128xf32>
    %mul3A_16 = arith.mulf %mul3A, %add3A_15 : vector<1000x128xf32>
    %add3A_17 = arith.addf %get3A_13, %mul3A_16 : vector<1000x128xf32>
    %get3A_18 = arith.constant 0 : index
    %get3A_19 = arith.constant 0 : index
    %get3A_20 = vector.load %arg9[%get3A_18, %get3A_19] : memref<128x64xf32, #tpu.memory_space<vmem>>, vector<128x64xf32>
    %get3A_21 = arith.constant 0 : index
    %get3A_22 = arith.constant 0 : index
    %get3A_23 = vector.load %arg10[%get3A_21, %get3A_22] : memref<64x64xf32, #tpu.memory_space<vmem>>, vector<64x64xf32>
    %get3A_24 = arith.constant 0 : index
    %get3A_25 = arith.constant 0 : index
    %get3A_26 = vector.load %arg11[%get3A_24, %get3A_25] : memref<1x64xf32, #tpu.memory_space<vmem>>, vector<1x64xf32>
    %get3A_27 = arith.constant 0 : index
    %get3A_28 = arith.constant 0 : index
    %get3A_29 = vector.load %arg12[%get3A_27, %get3A_28] : memref<1x64xf32, #tpu.memory_space<vmem>>, vector<1x64xf32>
    %get3A_30 = arith.constant 0 : index
    %get3A_31 = arith.constant 0 : index
    %get3A_32 = vector.load %arg13[%get3A_30, %get3A_31] : memref<128x64xf32, #tpu.memory_space<vmem>>, vector<128x64xf32>
    %get3A_33 = arith.constant 0 : index
    %get3A_34 = arith.constant 0 : index
    %get3A_35 = vector.load %arg14[%get3A_33, %get3A_34] : memref<64x64xf32, #tpu.memory_space<vmem>>, vector<64x64xf32>
    %get3A_36 = arith.constant 0 : index
    %get3A_37 = arith.constant 0 : index
    %get3A_38 = vector.load %arg15[%get3A_36, %get3A_37] : memref<1x64xf32, #tpu.memory_space<vmem>>, vector<1x64xf32>
    %get3A_39 = arith.constant 0 : index
    %get3A_40 = arith.constant 0 : index
    %get3A_41 = vector.load %arg16[%get3A_39, %get3A_40] : memref<1x64xf32, #tpu.memory_space<vmem>>, vector<1x64xf32>
    %get3A_42 = arith.constant 0 : index
    %get3A_43 = arith.constant 0 : index
    %get3A_44 = vector.load %arg17[%get3A_42, %get3A_43] : memref<128x64xf32, #tpu.memory_space<vmem>>, vector<128x64xf32>
    %get3A_45 = arith.constant 0 : index
    %get3A_46 = arith.constant 0 : index
    %get3A_47 = vector.load %arg18[%get3A_45, %get3A_46] : memref<64x64xf32, #tpu.memory_space<vmem>>, vector<64x64xf32>
    %get3A_48 = arith.constant 0 : index
    %get3A_49 = arith.constant 0 : index
    %get3A_50 = vector.load %arg19[%get3A_48, %get3A_49] : memref<1x64xf32, #tpu.memory_space<vmem>>, vector<1x64xf32>
    %get3A_51 = arith.constant 0 : index
    %get3A_52 = arith.constant 0 : index
    %get3A_53 = vector.load %arg20[%get3A_51, %get3A_52] : memref<1x64xf32, #tpu.memory_space<vmem>>, vector<1x64xf32>
    %dot_general3A_54 = arith.constant dense<0.000000e+00> : vector<1000x64xf32>
    %dot_general3A_55 = tpu.matmul %add3A_17, %get3A_20, %dot_general3A_54 {dimension_numbers = #tpu.dot_dimension_numbers<[1], [0], [0], [1], [0, 0, 1, 1], [], []>, transpose_lhs_hint = false} : vector<1000x128xf32>, vector<128x64xf32>, vector<1000x64xf32> -> vector<1000x64xf32>
    %add3A_56 = vector.broadcast %get3A_26 : vector<1x64xf32> to vector<1000x64xf32>
    %add3A_57 = arith.addf %dot_general3A_55, %add3A_56 : vector<1000x64xf32>
    %dot_general3A_58 = arith.constant dense<0.000000e+00> : vector<1000x64xf32>
    %dot_general3A_59 = tpu.matmul %get3A_1, %get3A_23, %dot_general3A_58 {dimension_numbers = #tpu.dot_dimension_numbers<[1], [0], [0], [1], [0, 0, 1, 1], [], []>, transpose_lhs_hint = false} : vector<1000x64xf32>, vector<64x64xf32>, vector<1000x64xf32> -> vector<1000x64xf32>
    %add3A_60 = arith.addf %add3A_57, %dot_general3A_59 : vector<1000x64xf32>
    %add3A_61 = vector.broadcast %get3A_29 : vector<1x64xf32> to vector<1000x64xf32>
    %add3A_62 = arith.addf %add3A_60, %add3A_61 : vector<1000x64xf32>
    %logistic3A = arith.negf %add3A_62 : vector<1000x64xf32>
    %logistic3A_63 = math.exp %logistic3A : vector<1000x64xf32>
    %logistic3A_64 = arith.constant 1.000000e+00 : f32
    %logistic3A_65 = vector.broadcast %logistic3A_64 : f32 to vector<1000x64xf32>
    %logistic3A_66 = arith.addf %logistic3A_65, %logistic3A_63 : vector<1000x64xf32>
    %logistic3A_67 = arith.divf %logistic3A_65, %logistic3A_66 : vector<1000x64xf32>
    %dot_general3A_68 = arith.constant dense<0.000000e+00> : vector<1000x64xf32>
    %dot_general3A_69 = tpu.matmul %add3A_17, %get3A_32, %dot_general3A_68 {dimension_numbers = #tpu.dot_dimension_numbers<[1], [0], [0], [1], [0, 0, 1, 1], [], []>, transpose_lhs_hint = false} : vector<1000x128xf32>, vector<128x64xf32>, vector<1000x64xf32> -> vector<1000x64xf32>
    %add3A_70 = vector.broadcast %get3A_38 : vector<1x64xf32> to vector<1000x64xf32>
    %add3A_71 = arith.addf %dot_general3A_69, %add3A_70 : vector<1000x64xf32>
    %dot_general3A_72 = arith.constant dense<0.000000e+00> : vector<1000x64xf32>
    %dot_general3A_73 = tpu.matmul %get3A_1, %get3A_35, %dot_general3A_72 {dimension_numbers = #tpu.dot_dimension_numbers<[1], [0], [0], [1], [0, 0, 1, 1], [], []>, transpose_lhs_hint = false} : vector<1000x64xf32>, vector<64x64xf32>, vector<1000x64xf32> -> vector<1000x64xf32>
    %add3A_74 = arith.addf %add3A_71, %dot_general3A_73 : vector<1000x64xf32>
    %add3A_75 = vector.broadcast %get3A_41 : vector<1x64xf32> to vector<1000x64xf32>
    %add3A_76 = arith.addf %add3A_74, %add3A_75 : vector<1000x64xf32>
    %logistic3A_77 = arith.negf %add3A_76 : vector<1000x64xf32>
    %logistic3A_78 = math.exp %logistic3A_77 : vector<1000x64xf32>
    %logistic3A_79 = arith.constant 1.000000e+00 : f32
    %logistic3A_80 = vector.broadcast %logistic3A_79 : f32 to vector<1000x64xf32>
    %logistic3A_81 = arith.addf %logistic3A_80, %logistic3A_78 : vector<1000x64xf32>
    %logistic3A_82 = arith.divf %logistic3A_80, %logistic3A_81 : vector<1000x64xf32>
    %dot_general3A_83 = arith.constant dense<0.000000e+00> : vector<1000x64xf32>
    %dot_general3A_84 = tpu.matmul %add3A_17, %get3A_44, %dot_general3A_83 {dimension_numbers = #tpu.dot_dimension_numbers<[1], [0], [0], [1], [0, 0, 1, 1], [], []>, transpose_lhs_hint = false} : vector<1000x128xf32>, vector<128x64xf32>, vector<1000x64xf32> -> vector<1000x64xf32>
    %add3A_85 = vector.broadcast %get3A_50 : vector<1x64xf32> to vector<1000x64xf32>
    %add3A_86 = arith.addf %dot_general3A_84, %add3A_85 : vector<1000x64xf32>
    %dot_general3A_87 = arith.constant dense<0.000000e+00> : vector<1000x64xf32>
    %dot_general3A_88 = tpu.matmul %get3A_1, %get3A_47, %dot_general3A_87 {dimension_numbers = #tpu.dot_dimension_numbers<[1], [0], [0], [1], [0, 0, 1, 1], [], []>, transpose_lhs_hint = false} : vector<1000x64xf32>, vector<64x64xf32>, vector<1000x64xf32> -> vector<1000x64xf32>
    %add3A_89 = vector.broadcast %get3A_53 : vector<1x64xf32> to vector<1000x64xf32>
    %add3A_90 = arith.addf %dot_general3A_88, %add3A_89 : vector<1000x64xf32>
    %mul3A_91 = arith.mulf %logistic3A_67, %add3A_90 : vector<1000x64xf32>
    %add3A_92 = arith.addf %add3A_86, %mul3A_91 : vector<1000x64xf32>
    %tanh3A = math.tanh %add3A_92 : vector<1000x64xf32>
    %sub3A = arith.constant 1.000000e+00 : f32
    %sub3A_93 = vector.broadcast %sub3A : f32 to vector<1000x64xf32>
    %sub3A_94 = arith.subf %sub3A_93, %logistic3A_82 : vector<1000x64xf32>
    %mul3A_95 = arith.mulf %sub3A_94, %tanh3A : vector<1000x64xf32>
    %mul3A_96 = arith.mulf %logistic3A_82, %get3A_1 : vector<1000x64xf32>
    %add3A_97 = arith.addf %mul3A_95, %mul3A_96 : vector<1000x64xf32>
    %get3A_98 = arith.constant 0 : index
    %get3A_99 = arith.constant 0 : index
    %get3A_100 = vector.load %arg2[%get3A_98, %get3A_99] : memref<1000x64xf32, #tpu.memory_space<vmem>>, vector<1000x64xf32>
    %get3A_101 = arith.constant 0 : index
    %get3A_102 = arith.constant 0 : index
    %get3A_103 = vector.load %arg6[%get3A_101, %get3A_102] : memref<1000x128xf32, #tpu.memory_space<vmem>>, vector<1000x128xf32>
    %slice3A_104 = vector.extract_strided_slice %get3A_103 {offsets = [0, 0], sizes = [1000, 1], strides = [1, 1]} : vector<1000x128xf32> to vector<1000x1xf32>
    %get3A_105 = arith.constant 0 : index
    %get3A_106 = arith.constant 0 : index
    %get3A_107 = vector.load %arg21[%get3A_105, %get3A_106] : memref<64x128xf32, #tpu.memory_space<vmem>>, vector<64x128xf32>
    %get3A_108 = arith.constant 0 : index
    %get3A_109 = arith.constant 0 : index
    %get3A_110 = vector.load %arg22[%get3A_108, %get3A_109] : memref<1x128xf32, #tpu.memory_space<vmem>>, vector<1x128xf32>
    %get3A_111 = arith.constant 0 : index
    %get3A_112 = arith.constant 0 : index
    %get3A_113 = vector.load %arg4[%get3A_111, %get3A_112] : memref<1000x128xf32, #tpu.memory_space<vmem>>, vector<1000x128xf32>
    %dot_general3A_114 = arith.constant dense<0.000000e+00> : vector<1000x128xf32>
    %dot_general3A_115 = tpu.matmul %get3A_100, %get3A_107, %dot_general3A_114 {dimension_numbers = #tpu.dot_dimension_numbers<[1], [0], [0], [1], [0, 0, 1, 1], [], []>, transpose_lhs_hint = false} : vector<1000x64xf32>, vector<64x128xf32>, vector<1000x128xf32> -> vector<1000x128xf32>
    %add3A_116 = vector.broadcast %get3A_110 : vector<1x128xf32> to vector<1000x128xf32>
    %add3A_117 = arith.addf %dot_general3A_115, %add3A_116 : vector<1000x128xf32>
    %mul3A_118 = vector.broadcast %slice3A_104 : vector<1000x1xf32> to vector<1000x128xf32>
    %mul3A_119 = arith.mulf %mul3A_118, %add3A_117 : vector<1000x128xf32>
    %add3A_120 = arith.addf %get3A_113, %mul3A_119 : vector<1000x128xf32>
    %get3A_121 = arith.constant 0 : index
    %get3A_122 = arith.constant 0 : index
    %get3A_123 = vector.load %arg23[%get3A_121, %get3A_122] : memref<128x64xf32, #tpu.memory_space<vmem>>, vector<128x64xf32>
    %get3A_124 = arith.constant 0 : index
    %get3A_125 = arith.constant 0 : index
    %get3A_126 = vector.load %arg24[%get3A_124, %get3A_125] : memref<64x64xf32, #tpu.memory_space<vmem>>, vector<64x64xf32>
    %get3A_127 = arith.constant 0 : index
    %get3A_128 = arith.constant 0 : index
    %get3A_129 = vector.load %arg25[%get3A_127, %get3A_128] : memref<1x64xf32, #tpu.memory_space<vmem>>, vector<1x64xf32>
    %get3A_130 = arith.constant 0 : index
    %get3A_131 = arith.constant 0 : index
    %get3A_132 = vector.load %arg26[%get3A_130, %get3A_131] : memref<1x64xf32, #tpu.memory_space<vmem>>, vector<1x64xf32>
    %get3A_133 = arith.constant 0 : index
    %get3A_134 = arith.constant 0 : index
    %get3A_135 = vector.load %arg27[%get3A_133, %get3A_134] : memref<128x64xf32, #tpu.memory_space<vmem>>, vector<128x64xf32>
    %get3A_136 = arith.constant 0 : index
    %get3A_137 = arith.constant 0 : index
    %get3A_138 = vector.load %arg28[%get3A_136, %get3A_137] : memref<64x64xf32, #tpu.memory_space<vmem>>, vector<64x64xf32>
    %get3A_139 = arith.constant 0 : index
    %get3A_140 = arith.constant 0 : index
    %get3A_141 = vector.load %arg29[%get3A_139, %get3A_140] : memref<1x64xf32, #tpu.memory_space<vmem>>, vector<1x64xf32>
    %get3A_142 = arith.constant 0 : index
    %get3A_143 = arith.constant 0 : index
    %get3A_144 = vector.load %arg30[%get3A_142, %get3A_143] : memref<1x64xf32, #tpu.memory_space<vmem>>, vector<1x64xf32>
    %get3A_145 = arith.constant 0 : index
    %get3A_146 = arith.constant 0 : index
    %get3A_147 = vector.load %arg31[%get3A_145, %get3A_146] : memref<128x64xf32, #tpu.memory_space<vmem>>, vector<128x64xf32>
    %get3A_148 = arith.constant 0 : index
    %get3A_149 = arith.constant 0 : index
    %get3A_150 = vector.load %arg32[%get3A_148, %get3A_149] : memref<64x64xf32, #tpu.memory_space<vmem>>, vector<64x64xf32>
    %get3A_151 = arith.constant 0 : index
    %get3A_152 = arith.constant 0 : index
    %get3A_153 = vector.load %arg33[%get3A_151, %get3A_152] : memref<1x64xf32, #tpu.memory_space<vmem>>, vector<1x64xf32>
    %get3A_154 = arith.constant 0 : index
    %get3A_155 = arith.constant 0 : index
    %get3A_156 = vector.load %arg34[%get3A_154, %get3A_155] : memref<1x64xf32, #tpu.memory_space<vmem>>, vector<1x64xf32>
    %dot_general3A_157 = arith.constant dense<0.000000e+00> : vector<1000x64xf32>
    %dot_general3A_158 = tpu.matmul %add3A_120, %get3A_123, %dot_general3A_157 {dimension_numbers = #tpu.dot_dimension_numbers<[1], [0], [0], [1], [0, 0, 1, 1], [], []>, transpose_lhs_hint = false} : vector<1000x128xf32>, vector<128x64xf32>, vector<1000x64xf32> -> vector<1000x64xf32>
    %add3A_159 = vector.broadcast %get3A_129 : vector<1x64xf32> to vector<1000x64xf32>
    %add3A_160 = arith.addf %dot_general3A_158, %add3A_159 : vector<1000x64xf32>
    %dot_general3A_161 = arith.constant dense<0.000000e+00> : vector<1000x64xf32>
    %dot_general3A_162 = tpu.matmul %get3A_100, %get3A_126, %dot_general3A_161 {dimension_numbers = #tpu.dot_dimension_numbers<[1], [0], [0], [1], [0, 0, 1, 1], [], []>, transpose_lhs_hint = false} : vector<1000x64xf32>, vector<64x64xf32>, vector<1000x64xf32> -> vector<1000x64xf32>
    %add3A_163 = arith.addf %add3A_160, %dot_general3A_162 : vector<1000x64xf32>
    %add3A_164 = vector.broadcast %get3A_132 : vector<1x64xf32> to vector<1000x64xf32>
    %add3A_165 = arith.addf %add3A_163, %add3A_164 : vector<1000x64xf32>
    %logistic3A_166 = arith.negf %add3A_165 : vector<1000x64xf32>
    %logistic3A_167 = math.exp %logistic3A_166 : vector<1000x64xf32>
    %logistic3A_168 = arith.constant 1.000000e+00 : f32
    %logistic3A_169 = vector.broadcast %logistic3A_168 : f32 to vector<1000x64xf32>
    %logistic3A_170 = arith.addf %logistic3A_169, %logistic3A_167 : vector<1000x64xf32>
    %logistic3A_171 = arith.divf %logistic3A_169, %logistic3A_170 : vector<1000x64xf32>
    %dot_general3A_172 = arith.constant dense<0.000000e+00> : vector<1000x64xf32>
    %dot_general3A_173 = tpu.matmul %add3A_120, %get3A_135, %dot_general3A_172 {dimension_numbers = #tpu.dot_dimension_numbers<[1], [0], [0], [1], [0, 0, 1, 1], [], []>, transpose_lhs_hint = false} : vector<1000x128xf32>, vector<128x64xf32>, vector<1000x64xf32> -> vector<1000x64xf32>
    %add3A_174 = vector.broadcast %get3A_141 : vector<1x64xf32> to vector<1000x64xf32>
    %add3A_175 = arith.addf %dot_general3A_173, %add3A_174 : vector<1000x64xf32>
    %dot_general3A_176 = arith.constant dense<0.000000e+00> : vector<1000x64xf32>
    %dot_general3A_177 = tpu.matmul %get3A_100, %get3A_138, %dot_general3A_176 {dimension_numbers = #tpu.dot_dimension_numbers<[1], [0], [0], [1], [0, 0, 1, 1], [], []>, transpose_lhs_hint = false} : vector<1000x64xf32>, vector<64x64xf32>, vector<1000x64xf32> -> vector<1000x64xf32>
    %add3A_178 = arith.addf %add3A_175, %dot_general3A_177 : vector<1000x64xf32>
    %add3A_179 = vector.broadcast %get3A_144 : vector<1x64xf32> to vector<1000x64xf32>
    %add3A_180 = arith.addf %add3A_178, %add3A_179 : vector<1000x64xf32>
    %logistic3A_181 = arith.negf %add3A_180 : vector<1000x64xf32>
    %logistic3A_182 = math.exp %logistic3A_181 : vector<1000x64xf32>
    %logistic3A_183 = arith.constant 1.000000e+00 : f32
    %logistic3A_184 = vector.broadcast %logistic3A_183 : f32 to vector<1000x64xf32>
    %logistic3A_185 = arith.addf %logistic3A_184, %logistic3A_182 : vector<1000x64xf32>
    %logistic3A_186 = arith.divf %logistic3A_184, %logistic3A_185 : vector<1000x64xf32>
    %dot_general3A_187 = arith.constant dense<0.000000e+00> : vector<1000x64xf32>
    %dot_general3A_188 = tpu.matmul %add3A_120, %get3A_147, %dot_general3A_187 {dimension_numbers = #tpu.dot_dimension_numbers<[1], [0], [0], [1], [0, 0, 1, 1], [], []>, transpose_lhs_hint = false} : vector<1000x128xf32>, vector<128x64xf32>, vector<1000x64xf32> -> vector<1000x64xf32>
    %add3A_189 = vector.broadcast %get3A_153 : vector<1x64xf32> to vector<1000x64xf32>
    %add3A_190 = arith.addf %dot_general3A_188, %add3A_189 : vector<1000x64xf32>
    %dot_general3A_191 = arith.constant dense<0.000000e+00> : vector<1000x64xf32>
    %dot_general3A_192 = tpu.matmul %get3A_100, %get3A_150, %dot_general3A_191 {dimension_numbers = #tpu.dot_dimension_numbers<[1], [0], [0], [1], [0, 0, 1, 1], [], []>, transpose_lhs_hint = false} : vector<1000x64xf32>, vector<64x64xf32>, vector<1000x64xf32> -> vector<1000x64xf32>
    %add3A_193 = vector.broadcast %get3A_156 : vector<1x64xf32> to vector<1000x64xf32>
    %add3A_194 = arith.addf %dot_general3A_192, %add3A_193 : vector<1000x64xf32>
    %mul3A_195 = arith.mulf %logistic3A_171, %add3A_194 : vector<1000x64xf32>
    %add3A_196 = arith.addf %add3A_190, %mul3A_195 : vector<1000x64xf32>
    %tanh3A_197 = math.tanh %add3A_196 : vector<1000x64xf32>
    %sub3A_198 = arith.constant 1.000000e+00 : f32
    %sub3A_199 = vector.broadcast %sub3A_198 : f32 to vector<1000x64xf32>
    %sub3A_200 = arith.subf %sub3A_199, %logistic3A_186 : vector<1000x64xf32>
    %mul3A_201 = arith.mulf %sub3A_200, %tanh3A_197 : vector<1000x64xf32>
    %mul3A_202 = arith.mulf %logistic3A_186, %get3A_100 : vector<1000x64xf32>
    %add3A_203 = arith.addf %mul3A_201, %mul3A_202 : vector<1000x64xf32>
    %concatenate3A = tpu.concatenate %add3A_97, %add3A_203 in 1 : vector<1000x64xf32>, vector<1000x64xf32> -> vector<1000x128xf32>
    %swap3A = arith.constant 0 : index
    %swap3A_204 = arith.constant 0 : index
    %swap3A_205 = vector.load %arg44[%swap3A, %swap3A_204] : memref<1000x128xf32, #tpu.memory_space<vmem>>, vector<1000x128xf32>
    tpu.vector_store %arg44[%swap3A, %swap3A_204], %concatenate3A {strides = array<i32>} : memref<1000x128xf32, #tpu.memory_space<vmem>>, vector<1000x128xf32>,
    %get3A_206 = arith.constant 0 : index
    %get3A_207 = arith.constant 0 : index
    %get3A_208 = vector.load %arg35[%get3A_206, %get3A_207] : memref<128x128xf32, #tpu.memory_space<vmem>>, vector<128x128xf32>
    %dot_general3A_209 = arith.constant dense<0.000000e+00> : vector<1000x128xf32>
    %dot_general3A_210 = tpu.matmul %concatenate3A, %get3A_208, %dot_general3A_209 {dimension_numbers = #tpu.dot_dimension_numbers<[1], [0], [0], [1], [0, 0, 1, 1], [], []>, transpose_lhs_hint = false} : vector<1000x128xf32>, vector<128x128xf32>, vector<1000x128xf32> -> vector<1000x128xf32>
    %get3A_211 = arith.constant 0 : index
    %get3A_212 = arith.constant 0 : index
    %get3A_213 = vector.load %arg36[%get3A_211, %get3A_212] : memref<1x128xf32, #tpu.memory_space<vmem>>, vector<1x128xf32>
    %add3A_214 = vector.broadcast %get3A_213 : vector<1x128xf32> to vector<1000x128xf32>
    %add3A_215 = arith.addf %dot_general3A_210, %add3A_214 : vector<1000x128xf32>
    %get3A_216 = arith.constant 0 : index
    %get3A_217 = arith.constant 0 : index
    %get3A_218 = vector.load %arg37[%get3A_216, %get3A_217] : memref<128x1xf32, #tpu.memory_space<vmem>>, vector<128x1xf32>
    %dot_general3A_219 = arith.constant dense<0.000000e+00> : vector<1000x1xf32>
    %dot_general3A_220 = tpu.matmul %concatenate3A, %get3A_218, %dot_general3A_219 {dimension_numbers = #tpu.dot_dimension_numbers<[1], [0], [0], [1], [0, 0, 1, 1], [], []>, transpose_lhs_hint = false} : vector<1000x128xf32>, vector<128x1xf32>, vector<1000x1xf32> -> vector<1000x1xf32>
    %get3A_221 = arith.constant 0 : index
    %get3A_222 = arith.constant 0 : index
    %get3A_223 = vector.load %arg38[%get3A_221, %get3A_222] : memref<1x1xf32, #tpu.memory_space<vmem>>, vector<1x1xf32>
    %add3A_224 = vector.broadcast %get3A_223 : vector<1x1xf32> to vector<1000x1xf32>
    %add3A_225 = arith.addf %dot_general3A_220, %add3A_224 : vector<1000x1xf32>
    %logistic3A_226 = arith.negf %add3A_225 : vector<1000x1xf32>
    %logistic3A_227 = math.exp %logistic3A_226 : vector<1000x1xf32>
    %logistic3A_228 = arith.constant 1.000000e+00 : f32
    %logistic3A_229 = vector.broadcast %logistic3A_228 : f32 to vector<1000x1xf32>
    %logistic3A_230 = arith.addf %logistic3A_229, %logistic3A_227 : vector<1000x1xf32>
    %logistic3A_231 = arith.divf %logistic3A_229, %logistic3A_230 : vector<1000x1xf32>
    %mul3A_232 = vector.broadcast %logistic3A_231 : vector<1000x1xf32> to vector<1000x128xf32>
    %mul3A_233 = arith.mulf %add3A_215, %mul3A_232 : vector<1000x128xf32>
    %swap3A_234 = arith.constant 0 : index
    %swap3A_235 = arith.constant 0 : index
    %swap3A_236 = vector.load %arg45[%swap3A_234, %swap3A_235] : memref<1000x128xf32, #tpu.memory_space<vmem>>, vector<1000x128xf32>
    tpu.vector_store %arg45[%swap3A_234, %swap3A_235], %mul3A_233 {strides = array<i32>} : memref<1000x128xf32, #tpu.memory_space<vmem>>, vector<1000x128xf32>,
    %get3A_237 = arith.constant 0 : index
    %get3A_238 = arith.constant 0 : index
    %get3A_239 = vector.load %arg39[%get3A_237, %get3A_238] : memref<128x128xf32, #tpu.memory_space<vmem>>, vector<128x128xf32>
    %dot_general3A_240 = arith.constant dense<0.000000e+00> : vector<1000x128xf32>
    %dot_general3A_241 = tpu.matmul %concatenate3A, %get3A_239, %dot_general3A_240 {dimension_numbers = #tpu.dot_dimension_numbers<[1], [0], [0], [1], [0, 0, 1, 1], [], []>, transpose_lhs_hint = false} : vector<1000x128xf32>, vector<128x128xf32>, vector<1000x128xf32> -> vector<1000x128xf32>
    %get3A_242 = arith.constant 0 : index
    %get3A_243 = arith.constant 0 : index
    %get3A_244 = vector.load %arg40[%get3A_242, %get3A_243] : memref<1x128xf32, #tpu.memory_space<vmem>>, vector<1x128xf32>
    %add3A_245 = vector.broadcast %get3A_244 : vector<1x128xf32> to vector<1000x128xf32>
    %add3A_246 = arith.addf %dot_general3A_241, %add3A_245 : vector<1000x128xf32>
    %get3A_247 = arith.constant 0 : index
    %get3A_248 = arith.constant 0 : index
    %get3A_249 = vector.load %arg41[%get3A_247, %get3A_248] : memref<128x1xf32, #tpu.memory_space<vmem>>, vector<128x1xf32>
    %dot_general3A_250 = arith.constant dense<0.000000e+00> : vector<1000x1xf32>
    %dot_general3A_251 = tpu.matmul %concatenate3A, %get3A_249, %dot_general3A_250 {dimension_numbers = #tpu.dot_dimension_numbers<[1], [0], [0], [1], [0, 0, 1, 1], [], []>, transpose_lhs_hint = false} : vector<1000x128xf32>, vector<128x1xf32>, vector<1000x1xf32> -> vector<1000x1xf32>
    %get3A_252 = arith.constant 0 : index
    %get3A_253 = arith.constant 0 : index
    %get3A_254 = vector.load %arg42[%get3A_252, %get3A_253] : memref<1x1xf32, #tpu.memory_space<vmem>>, vector<1x1xf32>
    %add3A_255 = vector.broadcast %get3A_254 : vector<1x1xf32> to vector<1000x1xf32>
    %add3A_256 = arith.addf %dot_general3A_251, %add3A_255 : vector<1000x1xf32>
    %logistic3A_257 = arith.negf %add3A_256 : vector<1000x1xf32>
    %logistic3A_258 = math.exp %logistic3A_257 : vector<1000x1xf32>
    %logistic3A_259 = arith.constant 1.000000e+00 : f32
    %logistic3A_260 = vector.broadcast %logistic3A_259 : f32 to vector<1000x1xf32>
    %logistic3A_261 = arith.addf %logistic3A_260, %logistic3A_258 : vector<1000x1xf32>
    %logistic3A_262 = arith.divf %logistic3A_260, %logistic3A_261 : vector<1000x1xf32>
    %mul3A_263 = vector.broadcast %logistic3A_262 : vector<1000x1xf32> to vector<1000x128xf32>
    %mul3A_264 = arith.mulf %add3A_246, %mul3A_263 : vector<1000x128xf32>
    %swap3A_265 = arith.constant 0 : index
    %swap3A_266 = arith.constant 0 : index
    %swap3A_267 = vector.load %arg46[%swap3A_265, %swap3A_266] : memref<1000x128xf32, #tpu.memory_space<vmem>>, vector<1000x128xf32>
    tpu.vector_store %arg46[%swap3A_265, %swap3A_266], %mul3A_264 {strides = array<i32>} : memref<1000x128xf32, #tpu.memory_space<vmem>>, vector<1000x128xf32>,
    %get3A_268 = arith.constant 0 : index
    %get3A_269 = arith.constant 0 : index
    %get3A_270 = vector.load %arg43[%get3A_268, %get3A_269] : memref<128x256xf32, #tpu.memory_space<vmem>>, vector<128x256xf32>
    %dot_general3A_271 = arith.constant dense<0.000000e+00> : vector<1000x256xf32>
    %dot_general3A_272 = tpu.matmul %concatenate3A, %get3A_270, %dot_general3A_271 {dimension_numbers = #tpu.dot_dimension_numbers<[1], [0], [0], [1], [0, 0, 1, 1], [], []>, transpose_lhs_hint = false} : vector<1000x128xf32>, vector<128x256xf32>, vector<1000x256xf32> -> vector<1000x256xf32>
    %swap3A_273 = arith.constant 0 : index
    %swap3A_274 = arith.constant 0 : index
    %swap3A_275 = vector.load %arg47[%swap3A_273, %swap3A_274] : memref<1000x256xf32, #tpu.memory_space<vmem>>, vector<1000x256xf32>
    tpu.vector_store %arg47[%swap3A_273, %swap3A_274], %dot_general3A_272 {strides = array<i32>} : memref<1000x256xf32, #tpu.memory_space<vmem>>, vector<1000x256xf32>,
    return
  }
  func.func @transform_0(%arg0: i32) -> (i32, i32) {
    %c0_i32 = arith.constant 0 : i32
    %c0_i32_0 = arith.constant 0 : i32
    return %arg0, %c0_i32 : i32, i32
  }
  func.func @transform_1(%arg0: i32) -> (i32, i32) {
    %c0_i32 = arith.constant 0 : i32
    %c0_i32_0 = arith.constant 0 : i32
    return %arg0, %c0_i32 : i32, i32
  }
  func.func @transform_2(%arg0: i32) -> (i32, i32) {
    %c0_i32 = arith.constant 0 : i32
    %c0_i32_0 = arith.constant 0 : i32
    return %arg0, %c0_i32 : i32, i32
  }
  func.func @transform_3(%arg0: i32) -> (i32, i32) {
    %c0_i32 = arith.constant 0 : i32
    %c0_i32_0 = arith.constant 0 : i32
    return %arg0, %c0_i32 : i32, i32
  }
  func.func @transform_4(%arg0: i32) -> (i32, i32) {
    %c0_i32 = arith.constant 0 : i32
    %c0_i32_0 = arith.constant 0 : i32
    return %arg0, %c0_i32 : i32, i32
  }
  func.func @transform_5(%arg0: i32) -> (i32, i32) {
    %c0_i32 = arith.constant 0 : i32
    %c0_i32_0 = arith.constant 0 : i32
    return %arg0, %c0_i32 : i32, i32
  }
  func.func @transform_6(%arg0: i32) -> (i32, i32) {
    %c0_i32 = arith.constant 0 : i32
    %c0_i32_0 = arith.constant 0 : i32
    %c0_i32_1 = arith.constant 0 : i32
    return %c0_i32, %c0_i32_0 : i32, i32
  }
  func.func @transform_7(%arg0: i32) -> (i32, i32) {
    %c0_i32 = arith.constant 0 : i32
    %c0_i32_0 = arith.constant 0 : i32
    %c0_i32_1 = arith.constant 0 : i32
    return %c0_i32, %c0_i32_0 : i32, i32
  }
  func.func @transform_8(%arg0: i32) -> (i32, i32) {
    %c0_i32 = arith.constant 0 : i32
    %c0_i32_0 = arith.constant 0 : i32
    %c0_i32_1 = arith.constant 0 : i32
    return %c0_i32, %c0_i32_0 : i32, i32
  }
  func.func @transform_9(%arg0: i32) -> (i32, i32) {
    %c0_i32 = arith.constant 0 : i32
    %c0_i32_0 = arith.constant 0 : i32
    %c0_i32_1 = arith.constant 0 : i32
    return %c0_i32, %c0_i32_0 : i32, i32
  }
  func.func @transform_10(%arg0: i32) -> (i32, i32) {
    %c0_i32 = arith.constant 0 : i32
    %c0_i32_0 = arith.constant 0 : i32
    %c0_i32_1 = arith.constant 0 : i32
    return %c0_i32, %c0_i32_0 : i32, i32
  }
  func.func @transform_11(%arg0: i32) -> (i32, i32) {
    %c0_i32 = arith.constant 0 : i32
    %c0_i32_0 = arith.constant 0 : i32
    %c0_i32_1 = arith.constant 0 : i32
    return %c0_i32, %c0_i32_0 : i32, i32
  }
  func.func @transform_12(%arg0: i32) -> (i32, i32) {
    %c0_i32 = arith.constant 0 : i32
    %c0_i32_0 = arith.constant 0 : i32
    %c0_i32_1 = arith.constant 0 : i32
    return %c0_i32, %c0_i32_0 : i32, i32
  }
  func.func @transform_13(%arg0: i32) -> (i32, i32) {
    %c0_i32 = arith.constant 0 : i32
    %c0_i32_0 = arith.constant 0 : i32
    %c0_i32_1 = arith.constant 0 : i32
    return %c0_i32, %c0_i32_0 : i32, i32
  }
  func.func @transform_14(%arg0: i32) -> (i32, i32) {
    %c0_i32 = arith.constant 0 : i32
    %c0_i32_0 = arith.constant 0 : i32
    %c0_i32_1 = arith.constant 0 : i32
    return %c0_i32, %c0_i32_0 : i32, i32
  }
  func.func @transform_15(%arg0: i32) -> (i32, i32) {
    %c0_i32 = arith.constant 0 : i32
    %c0_i32_0 = arith.constant 0 : i32
    %c0_i32_1 = arith.constant 0 : i32
    return %c0_i32, %c0_i32_0 : i32, i32
  }
  func.func @transform_16(%arg0: i32) -> (i32, i32) {
    %c0_i32 = arith.constant 0 : i32
    %c0_i32_0 = arith.constant 0 : i32
    %c0_i32_1 = arith.constant 0 : i32
    return %c0_i32, %c0_i32_0 : i32, i32
  }
  func.func @transform_17(%arg0: i32) -> (i32, i32) {
    %c0_i32 = arith.constant 0 : i32
    %c0_i32_0 = arith.constant 0 : i32
    %c0_i32_1 = arith.constant 0 : i32
    return %c0_i32, %c0_i32_0 : i32, i32
  }
  func.func @transform_18(%arg0: i32) -> (i32, i32) {
    %c0_i32 = arith.constant 0 : i32
    %c0_i32_0 = arith.constant 0 : i32
    %c0_i32_1 = arith.constant 0 : i32
    return %c0_i32, %c0_i32_0 : i32, i32
  }
  func.func @transform_19(%arg0: i32) -> (i32, i32) {
    %c0_i32 = arith.constant 0 : i32
    %c0_i32_0 = arith.constant 0 : i32
    %c0_i32_1 = arith.constant 0 : i32
    return %c0_i32, %c0_i32_0 : i32, i32
  }
  func.func @transform_20(%arg0: i32) -> (i32, i32) {
    %c0_i32 = arith.constant 0 : i32
    %c0_i32_0 = arith.constant 0 : i32
    %c0_i32_1 = arith.constant 0 : i32
    return %c0_i32, %c0_i32_0 : i32, i32
  }
  func.func @transform_21(%arg0: i32) -> (i32, i32) {
    %c0_i32 = arith.constant 0 : i32
    %c0_i32_0 = arith.constant 0 : i32
    %c0_i32_1 = arith.constant 0 : i32
    return %c0_i32, %c0_i32_0 : i32, i32
  }
  func.func @transform_22(%arg0: i32) -> (i32, i32) {
    %c0_i32 = arith.constant 0 : i32
    %c0_i32_0 = arith.constant 0 : i32
    %c0_i32_1 = arith.constant 0 : i32
    return %c0_i32, %c0_i32_0 : i32, i32
  }
  func.func @transform_23(%arg0: i32) -> (i32, i32) {
    %c0_i32 = arith.constant 0 : i32
    %c0_i32_0 = arith.constant 0 : i32
    %c0_i32_1 = arith.constant 0 : i32
    return %c0_i32, %c0_i32_0 : i32, i32
  }
  func.func @transform_24(%arg0: i32) -> (i32, i32) {
    %c0_i32 = arith.constant 0 : i32
    %c0_i32_0 = arith.constant 0 : i32
    %c0_i32_1 = arith.constant 0 : i32
    return %c0_i32, %c0_i32_0 : i32, i32
  }
  func.func @transform_25(%arg0: i32) -> (i32, i32) {
    %c0_i32 = arith.constant 0 : i32
    %c0_i32_0 = arith.constant 0 : i32
    %c0_i32_1 = arith.constant 0 : i32
    return %c0_i32, %c0_i32_0 : i32, i32
  }
  func.func @transform_26(%arg0: i32) -> (i32, i32) {
    %c0_i32 = arith.constant 0 : i32
    %c0_i32_0 = arith.constant 0 : i32
    %c0_i32_1 = arith.constant 0 : i32
    return %c0_i32, %c0_i32_0 : i32, i32
  }
  func.func @transform_27(%arg0: i32) -> (i32, i32) {
    %c0_i32 = arith.constant 0 : i32
    %c0_i32_0 = arith.constant 0 : i32
    %c0_i32_1 = arith.constant 0 : i32
    return %c0_i32, %c0_i32_0 : i32, i32
  }
  func.func @transform_28(%arg0: i32) -> (i32, i32) {
    %c0_i32 = arith.constant 0 : i32
    %c0_i32_0 = arith.constant 0 : i32
    %c0_i32_1 = arith.constant 0 : i32
    return %c0_i32, %c0_i32_0 : i32, i32
  }
  func.func @transform_29(%arg0: i32) -> (i32, i32) {
    %c0_i32 = arith.constant 0 : i32
    %c0_i32_0 = arith.constant 0 : i32
    %c0_i32_1 = arith.constant 0 : i32
    return %c0_i32, %c0_i32_0 : i32, i32
  }
  func.func @transform_30(%arg0: i32) -> (i32, i32) {
    %c0_i32 = arith.constant 0 : i32
    %c0_i32_0 = arith.constant 0 : i32
    %c0_i32_1 = arith.constant 0 : i32
    return %c0_i32, %c0_i32_0 : i32, i32
  }
  func.func @transform_31(%arg0: i32) -> (i32, i32) {
    %c0_i32 = arith.constant 0 : i32
    %c0_i32_0 = arith.constant 0 : i32
    %c0_i32_1 = arith.constant 0 : i32
    return %c0_i32, %c0_i32_0 : i32, i32
  }
  func.func @transform_32(%arg0: i32) -> (i32, i32) {
    %c0_i32 = arith.constant 0 : i32
    %c0_i32_0 = arith.constant 0 : i32
    %c0_i32_1 = arith.constant 0 : i32
    return %c0_i32, %c0_i32_0 : i32, i32
  }
  func.func @transform_33(%arg0: i32) -> (i32, i32) {
    %c0_i32 = arith.constant 0 : i32
    %c0_i32_0 = arith.constant 0 : i32
    %c0_i32_1 = arith.constant 0 : i32
    return %c0_i32, %c0_i32_0 : i32, i32
  }
  func.func @transform_34(%arg0: i32) -> (i32, i32) {
    %c0_i32 = arith.constant 0 : i32
    %c0_i32_0 = arith.constant 0 : i32
    %c0_i32_1 = arith.constant 0 : i32
    return %c0_i32, %c0_i32_0 : i32, i32
  }
  func.func @transform_35(%arg0: i32) -> (i32, i32) {
    %c0_i32 = arith.constant 0 : i32
    %c0_i32_0 = arith.constant 0 : i32
    %c0_i32_1 = arith.constant 0 : i32
    return %c0_i32, %c0_i32_0 : i32, i32
  }
  func.func @transform_36(%arg0: i32) -> (i32, i32) {
    %c0_i32 = arith.constant 0 : i32
    %c0_i32_0 = arith.constant 0 : i32
    %c0_i32_1 = arith.constant 0 : i32
    return %c0_i32, %c0_i32_0 : i32, i32
  }
  func.func @transform_37(%arg0: i32) -> (i32, i32) {
    %c0_i32 = arith.constant 0 : i32
    %c0_i32_0 = arith.constant 0 : i32
    %c0_i32_1 = arith.constant 0 : i32
    return %c0_i32, %c0_i32_0 : i32, i32
  }
  func.func @transform_38(%arg0: i32) -> (i32, i32) {
    %c0_i32 = arith.constant 0 : i32
    %c0_i32_0 = arith.constant 0 : i32
    %c0_i32_1 = arith.constant 0 : i32
    return %c0_i32, %c0_i32_0 : i32, i32
  }
  func.func @transform_39(%arg0: i32) -> (i32, i32) {
    %c0_i32 = arith.constant 0 : i32
    %c0_i32_0 = arith.constant 0 : i32
    %c0_i32_1 = arith.constant 0 : i32
    return %c0_i32, %c0_i32_0 : i32, i32
  }
  func.func @transform_40(%arg0: i32) -> (i32, i32) {
    %c0_i32 = arith.constant 0 : i32
    %c0_i32_0 = arith.constant 0 : i32
    %c0_i32_1 = arith.constant 0 : i32
    return %c0_i32, %c0_i32_0 : i32, i32
  }
  func.func @transform_41(%arg0: i32) -> (i32, i32) {
    %c0_i32 = arith.constant 0 : i32
    %c0_i32_0 = arith.constant 0 : i32
    %c0_i32_1 = arith.constant 0 : i32
    return %c0_i32, %c0_i32_0 : i32, i32
  }
  func.func @transform_42(%arg0: i32) -> (i32, i32) {
    %c0_i32 = arith.constant 0 : i32
    %c0_i32_0 = arith.constant 0 : i32
    %c0_i32_1 = arith.constant 0 : i32
    return %c0_i32, %c0_i32_0 : i32, i32
  }
  func.func @transform_43(%arg0: i32) -> (i32, i32) {
    %c0_i32 = arith.constant 0 : i32
    %c0_i32_0 = arith.constant 0 : i32
    return %arg0, %c0_i32 : i32, i32
  }
  func.func @transform_44(%arg0: i32) -> (i32, i32) {
    %c0_i32 = arith.constant 0 : i32
    %c0_i32_0 = arith.constant 0 : i32
    return %arg0, %c0_i32 : i32, i32
  }
  func.func @transform_45(%arg0: i32) -> (i32, i32) {
    %c0_i32 = arith.constant 0 : i32
    %c0_i32_0 = arith.constant 0 : i32
    return %arg0, %c0_i32 : i32, i32
  }
  func.func @transform_46(%arg0: i32) -> (i32, i32) {
    %c0_i32 = arith.constant 0 : i32
    %c0_i32_0 = arith.constant 0 : i32
    return %arg0, %c0_i32 : i32, i32
  }
}

module attributes {stable_mosaic.version = 14 : i64} {
  func.func @_tail_body(%arg0: memref<10000x128xf32, #tpu.memory_space<vmem>>, %arg1: memref<10000x128xf32, #tpu.memory_space<vmem>>, %arg2: memref<10000x256xf32, #tpu.memory_space<vmem>>, %arg3: memref<100x10000xf32, #tpu.memory_space<vmem>>, %arg4: memref<10000x100xf32, #tpu.memory_space<vmem>>, %arg5: memref<10000x100xf32, #tpu.memory_space<vmem>>, %arg6: memref<100x128xf32, #tpu.memory_space<vmem>>, %arg7: memref<100x8xf32, #tpu.memory_space<vmem>>, %arg8: memref<10000x1xf32, #tpu.memory_space<vmem>>, %arg9: memref<128x128xf32, #tpu.memory_space<vmem>>, %arg10: memref<128x128xf32, #tpu.memory_space<vmem>>, %arg11: memref<1x128xf32, #tpu.memory_space<vmem>>, %arg12: memref<128x8xf32, #tpu.memory_space<vmem>>, %arg13: memref<1x8xf32, #tpu.memory_space<vmem>>, %arg14: memref<8x128xf32, #tpu.memory_space<vmem>>, %arg15: memref<128x256xf32, #tpu.memory_space<vmem>>, %arg16: memref<128x256xf32, #tpu.memory_space<vmem>>, %arg17: memref<128x256xf32, #tpu.memory_space<vmem>>, %arg18: memref<1x256xf32, #tpu.memory_space<vmem>>, %arg19: memref<256x128xf32, #tpu.memory_space<vmem>>, %arg20: memref<1x128xf32, #tpu.memory_space<vmem>>, %arg21: memref<128x256xf32, #tpu.memory_space<vmem>>, %arg22: memref<128x256xf32, #tpu.memory_space<vmem>>, %arg23: memref<128x256xf32, #tpu.memory_space<vmem>>, %arg24: memref<1x256xf32, #tpu.memory_space<vmem>>, %arg25: memref<256x1xf32, #tpu.memory_space<vmem>>, %arg26: memref<1x1xf32, #tpu.memory_space<vmem>>, %arg27: memref<100x1xf32, #tpu.memory_space<vmem>>, %arg28: memref<100x128xf32, #tpu.memory_space<vmem>>) attributes {dimension_semantics = [], scalar_prefetch = 0 : i64, scratch_operands = 0 : i64, tpu.core_type = #tpu.core_type<tc>} {
    %get3A = arith.constant 0 : index
    %get3A_0 = arith.constant 0 : index
    %get3A_1 = vector.load %arg3[%get3A, %get3A_0] : memref<100x10000xf32, #tpu.memory_space<vmem>>, vector<100x10000xf32>
    %get3A_2 = arith.constant 0 : index
    %get3A_3 = arith.constant 0 : index
    %get3A_4 = vector.load %arg0[%get3A_2, %get3A_3] : memref<10000x128xf32, #tpu.memory_space<vmem>>, vector<10000x128xf32>
    %dot_general3A = arith.constant dense<0.000000e+00> : vector<100x128xf32>
    %dot_general3A_5 = tpu.matmul %get3A_1, %get3A_4, %dot_general3A {dimension_numbers = #tpu.dot_dimension_numbers<[1], [0], [0], [1], [0, 0, 1, 1], [], []>, transpose_lhs_hint = false} : vector<100x10000xf32>, vector<10000x128xf32>, vector<100x128xf32> -> vector<100x128xf32>
    %get3A_6 = arith.constant 0 : index
    %get3A_7 = arith.constant 0 : index
    %get3A_8 = vector.load %arg1[%get3A_6, %get3A_7] : memref<10000x128xf32, #tpu.memory_space<vmem>>, vector<10000x128xf32>
    %dot_general3A_9 = arith.constant dense<0.000000e+00> : vector<100x128xf32>
    %dot_general3A_10 = tpu.matmul %get3A_1, %get3A_8, %dot_general3A_9 {dimension_numbers = #tpu.dot_dimension_numbers<[1], [0], [0], [1], [0, 0, 1, 1], [], []>, transpose_lhs_hint = false} : vector<100x10000xf32>, vector<10000x128xf32>, vector<100x128xf32> -> vector<100x128xf32>
    %get3A_11 = arith.constant 0 : index
    %get3A_12 = arith.constant 0 : index
    %get3A_13 = vector.load %arg6[%get3A_11, %get3A_12] : memref<100x128xf32, #tpu.memory_space<vmem>>, vector<100x128xf32>
    %get3A_14 = arith.constant 0 : index
    %get3A_15 = arith.constant 0 : index
    %get3A_16 = vector.load %arg9[%get3A_14, %get3A_15] : memref<128x128xf32, #tpu.memory_space<vmem>>, vector<128x128xf32>
    %dot_general3A_17 = arith.constant dense<0.000000e+00> : vector<100x128xf32>
    %dot_general3A_18 = tpu.matmul %dot_general3A_5, %get3A_16, %dot_general3A_17 {dimension_numbers = #tpu.dot_dimension_numbers<[1], [0], [0], [1], [0, 0, 1, 1], [], []>, transpose_lhs_hint = false} : vector<100x128xf32>, vector<128x128xf32>, vector<100x128xf32> -> vector<100x128xf32>
    %get3A_19 = arith.constant 0 : index
    %get3A_20 = arith.constant 0 : index
    %get3A_21 = vector.load %arg10[%get3A_19, %get3A_20] : memref<128x128xf32, #tpu.memory_space<vmem>>, vector<128x128xf32>
    %dot_general3A_22 = arith.constant dense<0.000000e+00> : vector<100x128xf32>
    %dot_general3A_23 = tpu.matmul %get3A_13, %get3A_21, %dot_general3A_22 {dimension_numbers = #tpu.dot_dimension_numbers<[1], [0], [0], [1], [0, 0, 1, 1], [], []>, transpose_lhs_hint = false} : vector<100x128xf32>, vector<128x128xf32>, vector<100x128xf32> -> vector<100x128xf32>
    %add3A = arith.addf %dot_general3A_18, %dot_general3A_23 : vector<100x128xf32>
    %get3A_24 = arith.constant 0 : index
    %get3A_25 = arith.constant 0 : index
    %get3A_26 = vector.load %arg11[%get3A_24, %get3A_25] : memref<1x128xf32, #tpu.memory_space<vmem>>, vector<1x128xf32>
    %add3A_27 = vector.broadcast %get3A_26 : vector<1x128xf32> to vector<100x128xf32>
    %add3A_28 = arith.addf %add3A, %add3A_27 : vector<100x128xf32>
    %max3A = arith.constant 0.000000e+00 : f32
    %max3A_29 = vector.broadcast %max3A : f32 to vector<100x128xf32>
    %max3A_30 = arith.maximumf %add3A_28, %max3A_29 : vector<100x128xf32>
    %get3A_31 = arith.constant 0 : index
    %get3A_32 = arith.constant 0 : index
    %get3A_33 = vector.load %arg12[%get3A_31, %get3A_32] : memref<128x8xf32, #tpu.memory_space<vmem>>, vector<128x8xf32>
    %dot_general3A_34 = arith.constant dense<0.000000e+00> : vector<100x8xf32>
    %dot_general3A_35 = tpu.matmul %max3A_30, %get3A_33, %dot_general3A_34 {dimension_numbers = #tpu.dot_dimension_numbers<[1], [0], [0], [1], [0, 0, 1, 1], [], []>, transpose_lhs_hint = false} : vector<100x128xf32>, vector<128x8xf32>, vector<100x8xf32> -> vector<100x8xf32>
    %get3A_36 = arith.constant 0 : index
    %get3A_37 = arith.constant 0 : index
    %get3A_38 = vector.load %arg13[%get3A_36, %get3A_37] : memref<1x8xf32, #tpu.memory_space<vmem>>, vector<1x8xf32>
    %add3A_39 = vector.broadcast %get3A_38 : vector<1x8xf32> to vector<100x8xf32>
    %add3A_40 = arith.addf %dot_general3A_35, %add3A_39 : vector<100x8xf32>
    %reduce_max3A = arith.constant dense<0xFF800000> : vector<100xf32>
    %reduce_max3A_41 = vector.multi_reduction <maximumf>, %add3A_40, %reduce_max3A [1] : vector<100x8xf32> to vector<100xf32>
    %broadcast_in_dim3A = vector.shape_cast %reduce_max3A_41 : vector<100xf32> to vector<100x1xf32>
    %sub3A = vector.broadcast %broadcast_in_dim3A : vector<100x1xf32> to vector<100x8xf32>
    %sub3A_42 = arith.subf %add3A_40, %sub3A : vector<100x8xf32>
    %sub3A_43 = vector.broadcast %broadcast_in_dim3A : vector<100x1xf32> to vector<100x8xf32>
    %sub3A_44 = arith.subf %add3A_40, %sub3A_43 : vector<100x8xf32>
    %exp3A = math.exp %sub3A_44 : vector<100x8xf32>
    %reduce_sum3A = arith.constant dense<0.000000e+00> : vector<100xf32>
    %reduce_sum3A_45 = vector.multi_reduction <add>, %exp3A, %reduce_sum3A [1] : vector<100x8xf32> to vector<100xf32>
    %broadcast_in_dim3A_46 = vector.shape_cast %reduce_sum3A_45 : vector<100xf32> to vector<100x1xf32>
    %log3A = math.log %broadcast_in_dim3A_46 : vector<100x1xf32>
    %sub3A_47 = vector.broadcast %log3A : vector<100x1xf32> to vector<100x8xf32>
    %sub3A_48 = arith.subf %sub3A_42, %sub3A_47 : vector<100x8xf32>
    %get3A_49 = arith.constant 0 : index
    %get3A_50 = arith.constant 0 : index
    %get3A_51 = vector.load %arg7[%get3A_49, %get3A_50] : memref<100x8xf32, #tpu.memory_space<vmem>>, vector<100x8xf32>
    %mul3A = arith.mulf %sub3A_48, %get3A_51 : vector<100x8xf32>
    %reduce_sum3A_52 = arith.constant dense<0.000000e+00> : vector<100xf32>
    %reduce_sum3A_53 = vector.multi_reduction <add>, %mul3A, %reduce_sum3A_52 [1] : vector<100x8xf32> to vector<100xf32>
    %broadcast_in_dim3A_54 = vector.shape_cast %reduce_sum3A_53 : vector<100xf32> to vector<100x1xf32>
    %neg3A = arith.constant 0.000000e+00 : f32
    %neg3A_55 = vector.broadcast %neg3A : f32 to vector<100x1xf32>
    %neg3A_56 = arith.subf %neg3A_55, %broadcast_in_dim3A_54 : vector<100x1xf32>
    %get3A_57 = arith.constant 0 : index
    %get3A_58 = arith.constant 0 : index
    %get3A_59 = vector.load %arg14[%get3A_57, %get3A_58] : memref<8x128xf32, #tpu.memory_space<vmem>>, vector<8x128xf32>
    %dot_general3A_60 = arith.constant dense<0.000000e+00> : vector<100x128xf32>
    %dot_general3A_61 = tpu.matmul %get3A_51, %get3A_59, %dot_general3A_60 {dimension_numbers = #tpu.dot_dimension_numbers<[1], [0], [0], [1], [0, 0, 1, 1], [], []>, transpose_lhs_hint = false} : vector<100x8xf32>, vector<8x128xf32>, vector<100x128xf32> -> vector<100x128xf32>
    %get3A_62 = arith.constant 0 : index
    %get3A_63 = arith.constant 0 : index
    %get3A_64 = vector.load %arg15[%get3A_62, %get3A_63] : memref<128x256xf32, #tpu.memory_space<vmem>>, vector<128x256xf32>
    %dot_general3A_65 = arith.constant dense<0.000000e+00> : vector<100x256xf32>
    %dot_general3A_66 = tpu.matmul %dot_general3A_61, %get3A_64, %dot_general3A_65 {dimension_numbers = #tpu.dot_dimension_numbers<[1], [0], [0], [1], [0, 0, 1, 1], [], []>, transpose_lhs_hint = false} : vector<100x128xf32>, vector<128x256xf32>, vector<100x256xf32> -> vector<100x256xf32>
    %get3A_67 = arith.constant 0 : index
    %get3A_68 = arith.constant 0 : index
    %get3A_69 = vector.load %arg16[%get3A_67, %get3A_68] : memref<128x256xf32, #tpu.memory_space<vmem>>, vector<128x256xf32>
    %dot_general3A_70 = arith.constant dense<0.000000e+00> : vector<100x256xf32>
    %dot_general3A_71 = tpu.matmul %dot_general3A_10, %get3A_69, %dot_general3A_70 {dimension_numbers = #tpu.dot_dimension_numbers<[1], [0], [0], [1], [0, 0, 1, 1], [], []>, transpose_lhs_hint = false} : vector<100x128xf32>, vector<128x256xf32>, vector<100x256xf32> -> vector<100x256xf32>
    %add3A_72 = arith.addf %dot_general3A_66, %dot_general3A_71 : vector<100x256xf32>
    %get3A_73 = arith.constant 0 : index
    %get3A_74 = arith.constant 0 : index
    %get3A_75 = vector.load %arg17[%get3A_73, %get3A_74] : memref<128x256xf32, #tpu.memory_space<vmem>>, vector<128x256xf32>
    %dot_general3A_76 = arith.constant dense<0.000000e+00> : vector<100x256xf32>
    %dot_general3A_77 = tpu.matmul %get3A_13, %get3A_75, %dot_general3A_76 {dimension_numbers = #tpu.dot_dimension_numbers<[1], [0], [0], [1], [0, 0, 1, 1], [], []>, transpose_lhs_hint = false} : vector<100x128xf32>, vector<128x256xf32>, vector<100x256xf32> -> vector<100x256xf32>
    %add3A_78 = arith.addf %add3A_72, %dot_general3A_77 : vector<100x256xf32>
    %get3A_79 = arith.constant 0 : index
    %get3A_80 = arith.constant 0 : index
    %get3A_81 = vector.load %arg18[%get3A_79, %get3A_80] : memref<1x256xf32, #tpu.memory_space<vmem>>, vector<1x256xf32>
    %add3A_82 = vector.broadcast %get3A_81 : vector<1x256xf32> to vector<100x256xf32>
    %add3A_83 = arith.addf %add3A_78, %add3A_82 : vector<100x256xf32>
    %max3A_84 = arith.constant 0.000000e+00 : f32
    %max3A_85 = vector.broadcast %max3A_84 : f32 to vector<100x256xf32>
    %max3A_86 = arith.maximumf %add3A_83, %max3A_85 : vector<100x256xf32>
    %get3A_87 = arith.constant 0 : index
    %get3A_88 = arith.constant 0 : index
    %get3A_89 = vector.load %arg19[%get3A_87, %get3A_88] : memref<256x128xf32, #tpu.memory_space<vmem>>, vector<256x128xf32>
    %dot_general3A_90 = arith.constant dense<0.000000e+00> : vector<100x128xf32>
    %dot_general3A_91 = tpu.matmul %max3A_86, %get3A_89, %dot_general3A_90 {dimension_numbers = #tpu.dot_dimension_numbers<[1], [0], [0], [1], [0, 0, 1, 1], [], []>, transpose_lhs_hint = false} : vector<100x256xf32>, vector<256x128xf32>, vector<100x128xf32> -> vector<100x128xf32>
    %get3A_92 = arith.constant 0 : index
    %get3A_93 = arith.constant 0 : index
    %get3A_94 = vector.load %arg20[%get3A_92, %get3A_93] : memref<1x128xf32, #tpu.memory_space<vmem>>, vector<1x128xf32>
    %add3A_95 = vector.broadcast %get3A_94 : vector<1x128xf32> to vector<100x128xf32>
    %add3A_96 = arith.addf %dot_general3A_91, %add3A_95 : vector<100x128xf32>
    %swap3A = arith.constant 0 : index
    %swap3A_97 = arith.constant 0 : index
    %swap3A_98 = vector.load %arg28[%swap3A, %swap3A_97] : memref<100x128xf32, #tpu.memory_space<vmem>>, vector<100x128xf32>
    tpu.vector_store %arg28[%swap3A, %swap3A_97], %add3A_96 {strides = array<i32>} : memref<100x128xf32, #tpu.memory_space<vmem>>, vector<100x128xf32>,
    %get3A_99 = arith.constant 0 : index
    %get3A_100 = arith.constant 0 : index
    %get3A_101 = vector.load %arg22[%get3A_99, %get3A_100] : memref<128x256xf32, #tpu.memory_space<vmem>>, vector<128x256xf32>
    %dot_general3A_102 = arith.constant dense<0.000000e+00> : vector<100x256xf32>
    %dot_general3A_103 = tpu.matmul %dot_general3A_5, %get3A_101, %dot_general3A_102 {dimension_numbers = #tpu.dot_dimension_numbers<[1], [0], [0], [1], [0, 0, 1, 1], [], []>, transpose_lhs_hint = false} : vector<100x128xf32>, vector<128x256xf32>, vector<100x256xf32> -> vector<100x256xf32>
    %get3A_104 = arith.constant 0 : index
    %get3A_105 = arith.constant 0 : index
    %get3A_106 = vector.load %arg23[%get3A_104, %get3A_105] : memref<128x256xf32, #tpu.memory_space<vmem>>, vector<128x256xf32>
    %dot_general3A_107 = arith.constant dense<0.000000e+00> : vector<100x256xf32>
    %dot_general3A_108 = tpu.matmul %get3A_13, %get3A_106, %dot_general3A_107 {dimension_numbers = #tpu.dot_dimension_numbers<[1], [0], [0], [1], [0, 0, 1, 1], [], []>, transpose_lhs_hint = false} : vector<100x128xf32>, vector<128x256xf32>, vector<100x256xf32> -> vector<100x256xf32>
    %add3A_109 = arith.addf %dot_general3A_103, %dot_general3A_108 : vector<100x256xf32>
    %get3A_110 = arith.constant 0 : index
    %get3A_111 = arith.constant 0 : index
    %get3A_112 = vector.load %arg24[%get3A_110, %get3A_111] : memref<1x256xf32, #tpu.memory_space<vmem>>, vector<1x256xf32>
    %add3A_113 = vector.broadcast %get3A_112 : vector<1x256xf32> to vector<100x256xf32>
    %add3A_114 = arith.addf %add3A_109, %add3A_113 : vector<100x256xf32>
    %get3A_115 = arith.constant 0 : index
    %get3A_116 = arith.constant 0 : index
    %get3A_117 = vector.load %arg21[%get3A_115, %get3A_116] : memref<128x256xf32, #tpu.memory_space<vmem>>, vector<128x256xf32>
    %dot_general3A_118 = arith.constant dense<0.000000e+00> : vector<100x256xf32>
    %dot_general3A_119 = tpu.matmul %add3A_96, %get3A_117, %dot_general3A_118 {dimension_numbers = #tpu.dot_dimension_numbers<[1], [0], [0], [1], [0, 0, 1, 1], [], []>, transpose_lhs_hint = false} : vector<100x128xf32>, vector<128x256xf32>, vector<100x256xf32> -> vector<100x256xf32>
    %get3A_120 = arith.constant 0 : index
    %get3A_121 = arith.constant 0 : index
    %get3A_122 = vector.load %arg2[%get3A_120, %get3A_121] : memref<10000x256xf32, #tpu.memory_space<vmem>>, vector<10000x256xf32>
    %get3A_123 = arith.constant 0 : index
    %get3A_124 = arith.constant 0 : index
    %get3A_125 = vector.load %arg4[%get3A_123, %get3A_124] : memref<10000x100xf32, #tpu.memory_space<vmem>>, vector<10000x100xf32>
    %dot_general3A_126 = arith.constant dense<0.000000e+00> : vector<10000x256xf32>
    %dot_general3A_127 = tpu.matmul %get3A_125, %add3A_114, %dot_general3A_126 {dimension_numbers = #tpu.dot_dimension_numbers<[1], [0], [0], [1], [0, 0, 1, 1], [], []>, transpose_lhs_hint = false} : vector<10000x100xf32>, vector<100x256xf32>, vector<10000x256xf32> -> vector<10000x256xf32>
    %add3A_128 = arith.addf %get3A_122, %dot_general3A_127 : vector<10000x256xf32>
    %get3A_129 = arith.constant 0 : index
    %get3A_130 = arith.constant 0 : index
    %get3A_131 = vector.load %arg5[%get3A_129, %get3A_130] : memref<10000x100xf32, #tpu.memory_space<vmem>>, vector<10000x100xf32>
    %dot_general3A_132 = arith.constant dense<0.000000e+00> : vector<10000x256xf32>
    %dot_general3A_133 = tpu.matmul %get3A_131, %dot_general3A_119, %dot_general3A_132 {dimension_numbers = #tpu.dot_dimension_numbers<[1], [0], [0], [1], [0, 0, 1, 1], [], []>, transpose_lhs_hint = false} : vector<10000x100xf32>, vector<100x256xf32>, vector<10000x256xf32> -> vector<10000x256xf32>
    %add3A_134 = arith.addf %add3A_128, %dot_general3A_133 : vector<10000x256xf32>
    %max3A_135 = arith.constant 0.000000e+00 : f32
    %max3A_136 = vector.broadcast %max3A_135 : f32 to vector<10000x256xf32>
    %max3A_137 = arith.maximumf %add3A_134, %max3A_136 : vector<10000x256xf32>
    %get3A_138 = arith.constant 0 : index
    %get3A_139 = arith.constant 0 : index
    %get3A_140 = vector.load %arg25[%get3A_138, %get3A_139] : memref<256x1xf32, #tpu.memory_space<vmem>>, vector<256x1xf32>
    %dot_general3A_141 = arith.constant dense<0.000000e+00> : vector<10000x1xf32>
    %dot_general3A_142 = tpu.matmul %max3A_137, %get3A_140, %dot_general3A_141 {dimension_numbers = #tpu.dot_dimension_numbers<[1], [0], [0], [1], [0, 0, 1, 1], [], []>, transpose_lhs_hint = false} : vector<10000x256xf32>, vector<256x1xf32>, vector<10000x1xf32> -> vector<10000x1xf32>
    %get3A_143 = arith.constant 0 : index
    %get3A_144 = arith.constant 0 : index
    %get3A_145 = vector.load %arg26[%get3A_143, %get3A_144] : memref<1x1xf32, #tpu.memory_space<vmem>>, vector<1x1xf32>
    %add3A_146 = vector.broadcast %get3A_145 : vector<1x1xf32> to vector<10000x1xf32>
    %add3A_147 = arith.addf %dot_general3A_142, %add3A_146 : vector<10000x1xf32>
    %get3A_148 = arith.constant 0 : index
    %get3A_149 = arith.constant 0 : index
    %get3A_150 = vector.load %arg8[%get3A_148, %get3A_149] : memref<10000x1xf32, #tpu.memory_space<vmem>>, vector<10000x1xf32>
    %max3A_151 = arith.constant 0.000000e+00 : f32
    %max3A_152 = vector.broadcast %max3A_151 : f32 to vector<10000x1xf32>
    %max3A_153 = arith.maximumf %add3A_147, %max3A_152 : vector<10000x1xf32>
    %mul3A_154 = arith.mulf %add3A_147, %get3A_150 : vector<10000x1xf32>
    %sub3A_155 = arith.subf %max3A_153, %mul3A_154 : vector<10000x1xf32>
    %abs3A = math.absf %add3A_147 : vector<10000x1xf32>
    %neg3A_156 = arith.constant 0.000000e+00 : f32
    %neg3A_157 = vector.broadcast %neg3A_156 : f32 to vector<10000x1xf32>
    %neg3A_158 = arith.subf %neg3A_157, %abs3A : vector<10000x1xf32>
    %exp3A_159 = math.exp %neg3A_158 : vector<10000x1xf32>
    %add3A_160 = arith.constant 1.000000e+00 : f32
    %add3A_161 = vector.broadcast %add3A_160 : f32 to vector<10000x1xf32>
    %add3A_162 = arith.addf %add3A_161, %exp3A_159 : vector<10000x1xf32>
    %log3A_163 = math.log %add3A_162 : vector<10000x1xf32>
    %add3A_164 = arith.addf %sub3A_155, %log3A_163 : vector<10000x1xf32>
    %dot_general3A_165 = arith.constant dense<0.000000e+00> : vector<100x1xf32>
    %dot_general3A_166 = tpu.matmul %get3A_1, %add3A_164, %dot_general3A_165 {dimension_numbers = #tpu.dot_dimension_numbers<[1], [0], [0], [1], [0, 0, 1, 1], [], []>, transpose_lhs_hint = false} : vector<100x10000xf32>, vector<10000x1xf32>, vector<100x1xf32> -> vector<100x1xf32>
    %mul3A_167 = arith.constant 0.00999999977 : f32
    %mul3A_168 = vector.broadcast %mul3A_167 : f32 to vector<100x1xf32>
    %mul3A_169 = arith.mulf %dot_general3A_166, %mul3A_168 : vector<100x1xf32>
    %mul3A_170 = arith.constant 5.000000e-01 : f32
    %mul3A_171 = vector.broadcast %mul3A_170 : f32 to vector<100x1xf32>
    %mul3A_172 = arith.mulf %mul3A_171, %neg3A_56 : vector<100x1xf32>
    %mul3A_173 = arith.constant 5.000000e-01 : f32
    %mul3A_174 = vector.broadcast %mul3A_173 : f32 to vector<100x1xf32>
    %mul3A_175 = arith.mulf %mul3A_174, %mul3A_169 : vector<100x1xf32>
    %add3A_176 = arith.addf %mul3A_172, %mul3A_175 : vector<100x1xf32>
    %mul3A_177 = arith.constant 2.000000e+00 : f32
    %mul3A_178 = vector.broadcast %mul3A_177 : f32 to vector<100x1xf32>
    %mul3A_179 = arith.mulf %mul3A_178, %add3A_176 : vector<100x1xf32>
    %swap3A_180 = arith.constant 0 : index
    %swap3A_181 = arith.constant 0 : index
    %swap3A_182 = vector.load %arg27[%swap3A_180, %swap3A_181] : memref<100x1xf32, #tpu.memory_space<vmem>>, vector<100x1xf32>
    tpu.vector_store %arg27[%swap3A_180, %swap3A_181], %mul3A_179 {strides = array<i32>} : memref<100x1xf32, #tpu.memory_space<vmem>>, vector<100x1xf32>,
    return
  }
}

</mosaic_0001>

<sc_bundles>
// kernel: kernel.11.cloned.1.call-start
scs
__scs_entry_jumppad:
0x0: {  	(pc) =	sbr.rel $0x88, $3  }
0x1: {  	(tag) =	ssettag $0x0;
	lr =	simm.s32 $0x1  }
0x2: {  	[smem:$0x3F6F] =	sst lr;
	_ =	strace $0xD0000000  }
0x3: {  	_ = 	snop  }
0x4: {  	_ = 	snop  }
0x5: {  	_ = 	snop  }
0x6: {  	_ = 	snop  }
0x7: {  	_ = 	snop  }
__scs_overlays_trampoline_lowered:
0x8: {  	[smem:$0x3F7E] =	sst s0  }
0x9: {  	[smem:$0x3F7F] =	sst s1  }
0xa: {  	[smem:$0x3F80] =	sst s2  }
0xb: {  	[smem:$0x3F81] =	sst s3  }
0xc: {  	[smem:$0x3F82] =	sst s4  }
0xd: {  	[smem:$0x3F83] =	sst s5  }
0xe: {  	[smem:$0x3F84] =	sst s6  }
0xf: {  	[smem:$0x3F85] =	sst s7  }
0x10: {  	[smem:$0x3F86] =	sst s8  }
0x11: {  	[smem:$0x3F87] =	sst s9;
	s0 =	simm.s32 @!p0 $0x0  }
0x12: {  	s1 =	sld [smem:$0x3F6D];
	s0 =	simm.s32 @p0 $0x1  }
0x13: {  	[smem:$0x3F88] =	sst s0;
	s0 =	simm.s32 @!p1 $0x0  }
0x14: {  	s2 =	sld [smem:$0x3F6C];
	s0 =	simm.s32 @p1 $0x1  }
0x15: {  	[smem:$0x3F89] =	sst s0;
	s0 =	simm.s32 @!p2 $0x0  }
0x16: {  	s3 =	sld [smem:$0x3FDB];
	s0 =	simm.s32 @p2 $0x1  }
0x17: {  	s4 =	simm.s32 $0x1BF5;
	[smem:$0x3F8B] =	sst s0  }
0x18: {  	s0 =	sld [smem:$0x3F6E];
	_ =	swait.ge [sflag:s4], $0x0  }
0x19: {  	s7 =	sld [smem:$0x3F6F]  }
0x1a: {  	s8 =	sadd.s32 $0xFFFFE003, lr  }
0x1b: {  	s9 =	sadd.s32 $0xFFFFFEF7, lr;
	s5 =	simm.s32 $0xFFFFFFFF;
	p2 =	slt.u32 s8, $0xFFFFF086  }
0x1c: {  	p1 =	slt.u32 s9, $0xF7A;
	s5 =	simm.s32 @!p2 $0x0  }
0x1d: {  	s5 =	simm.s32 @p1 $0x1;
	p0 =	seq.s32 s7, s2  }
0x1e: {  	s7 =	smul.u32 @!p0 $0xF7A, s2;
	p2 =	seq.s32 @!p0 s5, $0x0  }
0x1f: {  	s9 =	smul.u32 $0xF7A, s1;
	s8 =	simm.s32 @!p0 $0x1BF5;
	p2 =	por !p2, p0  }
0x20: {  	[sflag:s8] =	ssyncset.s32 @!p0 $0xFFFFF086;
	s6 =	sadd.s32 @!p0 s3, s7;
	s7 =	simm.s32 @!p0 $0x108  }
0x21: {  	s3 =	sadd.s32 s3, s9;
	s6 =	sadd.s32 @!p0 $0x88, s6;
	s7 =	simm.s32 @p2 $0x1082  }
0x22: {  	[simem:s7], [sflag:s8] =	dma.local @!p0 [hbm:s6], $0xF7A  }
0x23: {  	s9 =	sor.u32 $0xD0000000, s2;
	s6 =	simm.s32 $0x108;
	_ =	swait.ge @!p0 [sflag:s8], $0x0  }
0x24: {  	s3 =	sadd.s32 $0x88, s3;
	s6 =	simm.s32 @!p1 $0x1082;
	[sflag:s4] =	ssyncset.s32 $0xFFFFF086  }
0x25: {  	[simem:s6], [sflag:s4] =	dma.local [hbm:s3], $0xF7A  }
0x26: {  	[smem:$0x3F6F] =	sst s1;
	(tag) =	ssettag s2;
	_ =	strace s9  }
0x27: {  	s1 =	sld [smem:$0x3F7F]  }
0x28: {  	s2 =	sld [smem:$0x3F80]  }
0x29: {  	s4 =	sld [smem:$0x3F82]  }
0x2a: {  	p0 =	seq.s32 s5, $0x0;
	s5 =	sld [smem:$0x3F83]  }
0x2b: {  	s6 =	sld [smem:$0x3F84]  }
0x2c: {  	s7 =	sld [smem:$0x3F85]  }
0x2d: {  	s3 =	simm.s32 $0x108;
	s8 =	sld [smem:$0x3F86]  }
0x2e: {  	s3 =	simm.s32 @!p0 $0x1082;
	s9 =	sld [smem:$0x3F87]  }
0x2f: {  	lr =	sadd.s32 s0, s3;
	s0 =	sld [smem:$0x3F7E]  }
0x30: {  	s3 =	sld [smem:$0x3F81]  }
0x31: {  	[smem:$0x3F8A] =	sst s10  }
0x32: {  	s10 =	sld [smem:$0x3F88];
	_ =	sdelay $0x3  }
0x33: {  	p0 =	seq.s32 s10, $0x1;
	s10 =	sld [smem:$0x3F8A];
	_ =	sdelay $0x3  }
0x34: {  	[smem:$0x3F8A] =	sst s10  }
0x35: {  	s10 =	sld [smem:$0x3F89];
	_ =	sdelay $0x3  }
0x36: {  	p1 =	seq.s32 s10, $0x1;
	s10 =	sld [smem:$0x3F8A];
	_ =	sdelay $0x3  }
0x37: {  	[smem:$0x3F8A] =	sst s10  }
0x38: {  	s10 =	sld [smem:$0x3F8B]  }
0x39: {  	_ = 	snop;
	(pc) =	sbr.ind lr, $3  }
0x3a: {  	_ = 	snop  }
0x3b: {  	_ = 	snop  }
0x3c: {  	p2 =	seq.s32 s10, $0x1;
	s10 =	sld [smem:$0x3F8A]  }
0x3d: {  	_ =	shalt  }
0x3e: {  	_ =	shalt  }
0x3f: {  	_ =	shalt  }
0x40: {  	_ =	shalt  }
0x41: {  	_ =	shalt  }
0x42: {  	_ =	shalt  }
0x43: {  	_ =	shalt  }
0x44: {  	_ =	shalt  }
0x45: {  	_ =	shalt  }
0x46: {  	_ =	shalt  }
0x47: {  	_ =	shalt  }
0x48: {  	_ =	shalt  }
0x49: {  	_ =	shalt  }
0x4a: {  	_ =	shalt  }
0x4b: {  	_ =	shalt  }
0x4c: {  	_ =	shalt  }
0x4d: {  	_ =	shalt  }
0x4e: {  	_ =	shalt  }
0x4f: {  	_ =	shalt  }
0x50: {  	_ =	shalt  }
0x51: {  	_ =	shalt  }
0x52: {  	_ =	shalt  }
0x53: {  	_ =	shalt  }
0x54: {  	_ =	shalt  }
0x55: {  	_ =	shalt  }
0x56: {  	_ =	shalt  }
0x57: {  	_ =	shalt  }
0x58: {  	_ =	shalt  }
0x59: {  	_ =	shalt  }
0x5a: {  	_ =	shalt  }
0x5b: {  	_ =	shalt  }
0x5c: {  	_ =	shalt  }
0x5d: {  	_ =	shalt  }
0x5e: {  	_ =	shalt  }
0x5f: {  	_ =	shalt  }
0x60: {  	_ =	shalt  }
0x61: {  	_ =	shalt  }
0x62: {  	_ =	shalt  }
0x63: {  	_ =	shalt  }
0x64: {  	_ =	shalt  }
0x65: {  	_ =	shalt  }
0x66: {  	_ =	shalt  }
0x67: {  	_ =	shalt  }
0x68: {  	_ =	shalt  }
0x69: {  	_ =	shalt  }
0x6a: {  	_ =	shalt  }
0x6b: {  	_ =	shalt  }
0x6c: {  	_ =	shalt  }
0x6d: {  	_ =	shalt  }
0x6e: {  	_ =	shalt  }
0x6f: {  	_ =	shalt  }
0x70: {  	_ =	shalt  }
0x71: {  	_ =	shalt  }
0x72: {  	_ =	shalt  }
0x73: {  	_ =	shalt  }
0x74: {  	_ =	shalt  }
0x75: {  	_ =	shalt  }
0x76: {  	_ =	shalt  }
0x77: {  	_ =	shalt  }
0x78: {  	_ =	shalt  }
0x79: {  	_ =	shalt  }
0x7a: {  	_ =	shalt  }
0x7b: {  	_ =	shalt  }
0x7c: {  	_ =	shalt  }
0x7d: {  	_ =	shalt  }
0x7e: {  	_ =	shalt  }
0x7f: {  	_ =	shalt  }
0x80: {  	_ =	shalt  }
0x81: {  	_ =	shalt  }
0x82: {  	_ =	shalt  }
0x83: {  	_ =	shalt  }
0x84: {  	_ =	shalt  }
0x85: {  	_ =	shalt  }
0x86: {  	_ =	shalt  }
0x87: {  	_ =	shalt  }
.Lfunc_end0:
.L_simem_size_0:
called_computation.1_lowered:
.L_overlay_start_0:
0x88: {  	s2 =	sld [smem:$0x3FD9]  }
0x89: {  	s3 =	sld [smem:$0x3FFE];
	_ =	sdelay $0x1  }
0x8a: {  	s1 =	srdreg.scid  }
0x8b: {  	s0 =	sand.u32 $0x1, s1  }
0x8c: {  	s14 =	sshll.u32 s0, $0xA;
	s2 =	sadd.s32 s3, s2  }
0x8d: {  	s2 =	sadd.s32 s2, s14  }
0x8e: {  	[smem:$0x3F96] =	sst s2  }
0x8f: {  	_ = 	snop  }
0x90: {  	s2 =	sld [smem:$0x3FD0];
	_ =	sdelay $0x2  }
0x91: {  	s15 =	simm.s32 $0xA;
	s4 =	simm.s32 $0x10  }
0x92: {  	[smem:s4], [sflag:s15] =	dma.local [hbm:s2], $0x1  }
0x93: {  	_ =	swait.eq [sflag:s15], $0x1  }
0x94: {  	[sflag:s15] =	ssyncset.done $0x0  }
0x95: {  	[sflag:s15] =	ssyncadd.s32 $0xFFFFFFFF  }
0x96: {  	s16 =	sld [smem:$0x10];
	(tm) =	ssettm $0x1  }
0x97: {  	s17 =	sld [smem:$0x3FFB];
	_ =	sdelay $0x3  }
0x98: {  	_ =	strace s17  }
0x99: {  	s3 =	sld [smem:$0x3FFC];
	_ =	sdelay $0x3  }
0x9a: {  	_ =	strace s3  }
0x9b: {  	s3 =	sld [smem:$0x3FFD];
	_ =	sdelay $0x3  }
0x9c: {  	_ =	strace s3  }
0x9d: {  	_ =	strace $0x8FFFFFFF  }
0x9e: {  	s18 =	sld [smem:$0x3FDB];
	_ =	sdelay $0x1  }
0x9f: {  	s19 =	simm.s32 $_scs_section_size  }
0xa0: {  	s5 =	simm.s32 $_size__tile_overlayer_lowered;
	s6 =	simm.s32 $_tile_overlayer_lowered  }
0xa1: {  	s22 =	simm.s32 $0x1BFF;
	s21 =	sshll.u32 s6, $0x1;
	s3 =	sadd.s32 s19, s18  }
0xa2: {  	s7 =	simm.s32 $0x0;
	s20 =	sshll.u32 s5, $0x1;
	s5 =	sadd.s32 s21, s3  }
0xa3: {  	[timem:s7], [sflag:s22] =	dma.local [hbm:s5], s20  }
0xa4: {  	_ =	swait.ge [sflag:s22], s20  }
0xa5: {  	s4 =	ssub.s32 $0x0, s20;
	[sflag:s22] =	ssyncset.done $0x0  }
0xa6: {  	[sflag:s22] =	ssyncadd.s32 s4;
	_ =	sdelay $0x1  }
0xa7: {  	s23 =	simm.s32 $0x1B8B  }
0xa8: {  	_ =	swait.ge [sflag:s23], $0x1  }
0xa9: {  	[sflag:s23] =	ssyncset.done $0x0  }
0xaa: {  	s25 =	simm.s32 $0x1B8E;
	s24 =	sld [smem:$0x3FFE];
	[sflag:s23] =	ssyncadd.s32 $0xFFFFFFFF  }
0xab: {  	s26 =	simm.s32 $execute0_lowered;
	[smem:$0x3FD2] =	sst s25  }
0xac: {  	s5 =	sshll.u32 s26, $0x1;
	_ =	strace $0x80000049;
	[dreg:$0x1] =	wrdreg $0xFFFFFFFF  }
0xad: {  	s28 =	simm.s32 $_size_execute0_lowered;
	s3 =	sadd.s32 s3, s5;
	[dreg:$0x0] =	wrdreg $0x0  }
0xae: {  	s5 =	sshll.u32 s28, $0x1;
	[dreg:$0x2] =	wrdreg s3  }
0xaf: {  	[dreg:$0x3] =	wrdreg s5  }
0xb0: {  	[dreg:$0x4] =	wrdreg $0xC0  }
0xb1: {  	_ =	task [dreg:s7], $0x5FFFF  }
0xb2: {  	[dreg:$0x1] =	wrdreg $0xFFFFFFFF  }
0xb3: {  	[dreg:$0x0] =	wrdreg $0x60  }
0xb4: {  	[dreg:$0x2] =	wrdreg s24  }
0xb5: {  	[dreg:$0x3] =	wrdreg s16  }
0xb6: {  	[dreg:$0x4] =	wrdreg $0xC3000  }
0xb7: {  	[dreg:$0x5] =	wrdreg $0x9  }
0xb8: {  	_ =	task.clear_ibuf [dreg:s7], $0x6FFFF;
	_ =	strace $0x90000049  }
0xb9: {  	s29 =	simm.s32 $0x9;
	_ =	strace $0x8000004B  }
0xba: {  	_ =	swait.ge [sflag:s29], $0x1  }
0xbb: {  	[sflag:s29] =	ssyncadd.s32 $0xFFFFFFFF  }
0xbc: {  	_ =	strace $0x9000004B  }
0xbd: {  	_ =	sfence  }
0xbe: {  	s30 =	sld [smem:$0x0];
	_ =	sdelay $0x2  }
0xbf: {  	s31 =	sshll.u32 s1, $0xD;
	s1 =	sshrl.u32 s1, $0x2  }
0xc0: {  	s3 =	sand.u32 $0x4000, s31;
	s1 =	sadd.s32 s1, s30  }
0xc1: {  	s0 =	sor.u32 s3, s0;
	s1 =	sshll.u32 s1, $0x11  }
0xc2: {  	s0 =	sor.u32 s1, s0  }
0xc3: {  	s0 =	sadd.s32 $0x8F2B, s0  }
0xc4: {  	[sflag:s0] =	ssyncadd.remote.s32 $0x1  }
0xc5: {  	_ =	sfence.sel $0xFFFF  }
0xc6: {  	[dreg:$0x0] =	wrdreg $0xFFFFFFFF;
	(pc) =	sbr.abs _section_cstart, $3  }
0xc7: {  	[dreg:$0x1] =	wrdreg $0xFFFFFFFF  }
0xc8: {  	_ =	task.clear_ibuf [dreg:s7], $0x2FFFF;
	_ =	strace $0x9FFFFFFF  }
0xc9: {  	(tm) =	ssettm $0x7FFFFFFF  }
tec
execute0_lowered:
.L_overlay_start_1:
0x0: {  	(tag) =	ssettag $0x1  }
0x1: {  	s6 =	rddreg [dreg:$0x0]  }
0x2: {  	s9 =	rddreg [dreg:$0x1];
	s1 =	srdreg.scid  }
0x3: {  	s0 =	stileid.u32;
	s2 =	rddreg [dreg:$0x2];
	s3 =	simm.s32 $0x0  }
0x4: {  	s15 =	simm.s32 $0x100;
	s16 =	simm.s32 $0x4300;
	s17 =	simm.s32 $0x200  }
0x5: {  	s18 =	simm.s32 $0x8300;
	s19 =	simm.s32 $0x1;
	s5 =	smul.u32 $0x2780, s0  }
0x6: {  	s20 =	simm.s32 $0x180;
	s21 =	simm.s32 $0x280;
	s11 =	smul.u32 $0x9F, s0  }
0x7: {  	s22 =	simm.s32 $0x2;
	s23 =	simm.s32 $0x0;
	s13 =	smul.u32 $0x4F000, s0  }
0x8: {  	s7 =	sand.u32 $0x1, s1;
	s1 =	rddreg [dreg:$0x3];
	s14 =	smul.u32 $0x13E0, s0  }
0x9: {  	[smem:$0x7FF] =	sst s3;
	s4 =	sadd.s32 $0x59C00, s6;
	s8 =	smul.u32 $0x27800, s7  }
0xa: {  	s29 =	sshll.u32 s0, $0x6;
	s10 =	smul.u32 $0x9F0, s7;
	s12 =	ssub.s32 $0x2, s7  }
0xb: {  	_ =	strace $0x8000004A;
	s30 =	smul.u32 $0x13E00, s7;
	s25 =	sshrl.u32 s12, $0x1  }
0xc: {  	s26 =	sshrl.u32 s13, $0x2;
	s13 =	simm.s32 $0x80;
	s8 =	sadd.s32 s5, s8  }
0xd: {  	s5 =	sadd.s32 $0x57400, s6;
	s12 =	ssub.s32 s12, s25;
	s10 =	sadd.s32 s11, s10  }
0xe: {  	s28 =	sadd.s32 s26, s2;
	s31 =	sadd.s32 s30, s9;
	s8 =	sadd.s32 s8, s6  }
0xf: {  	s6 =	sor.u32 $0x1C03, s29;
	s10 =	sshll.u32 s10, $0x5;
	s11 =	sshrl.u32 s28, $0x3  }
0x10: {  	s7 =	sadd.s32 $0xA7E00, s8;
	s8 =	smax.u32 s12, $0x1;
	s9 =	sadd.s32 s9, s10  }
0x11: {  	s10 =	sadd.s32 s14, s31;
	s12 =	simm.s32 $0x3;
	s14 =	simm.s32 $0x300  }
.LBB2_1:
0x12: {  	[spmem:s11], [sflag:s6] =	dma.local [hbm:s5], $0x2780  }
0x13: {  	_ =	swait.ge [sflag:s12], $0x2780  }
0x14: {  	[sflag:s12] =	ssyncset.done $0x0  }
0x15: {  	[sflag:s12] =	ssyncadd.s32 $0xFFFFD880  }
0x16: {  	[bflag:$0x0] =	sbarrier.arrive $0xFFFF  }
0x17: {  	[tilespmem:s3], [sflag:$0x3] =	stream.linear.gather [hbm4b:s9+s3], $0x300, $0x38;
	[tilespmem:$0x1FF00] =	vst v63  }
0x18: {  	_ =	swait.ge [sflag:s12], $0x300  }
0x19: {  	[sflag:s12] =	ssyncset.done $0x0  }
0x1a: {  	[sflag:s12] =	ssyncadd.s32 $0xFFFFFD00  }
0x1b: {  	[tilespmem:s14], [sflag:$0x1] =	stream.indirect.gather [hbm4b:s4+s13], $0x80, s3, s13, $0xb8;
	[tilespmem:$0x1FF00] =	vst v63  }
0x1c: {  	_ = 	snop  }
0x1d: {  	[tilespmem:s16], [sflag:$0x1] =	stream.indirect.gather [hbm4b:s4+s13], $0x80, s15, s13, $0xb8;
	[tilespmem:$0x1FF00] =	vst v63  }
0x1e: {  	_ = 	snop  }
0x1f: {  	[tilespmem:s18], [sflag:$0x1] =	stream.indirect.gather [hbm4b:s4+s13], $0x80, s17, s13, $0xb8;
	[tilespmem:$0x1FF00] =	vst v63  }
0x20: {  	_ =	swait.ge [sflag:s19], $0x4000  }
0x21: {  	[sflag:s19] =	ssyncset.done $0x0  }
0x22: {  	[sflag:s19] =	ssyncadd.s32 $0xFFFFC000  }
0x23: {  	_ =	swait.ge [sflag:s19], $0x4000  }
0x24: {  	[sflag:s19] =	ssyncset.done $0x0  }
0x25: {  	[sflag:s19] =	ssyncadd.s32 $0xFFFFC000  }
0x26: {  	_ =	swait.ge [sflag:s19], $0x4000  }
0x27: {  	[sflag:s19] =	ssyncset.done $0x0  }
0x28: {  	[sflag:s19] =	ssyncadd.s32 $0xFFFFC000  }
0x29: {  	[spmem:s2] =	stream.indirect.scatter.add.f32 [tilespmem:s14], [sflag:$0x2], $0x80, s13, s13, $0xb8;
	[tilespmem:$0x1FF00] =	vst v63  }
0x2a: {  	_ = 	snop  }
0x2b: {  	[spmem:s2] =	stream.indirect.scatter.add.f32 [tilespmem:s16], [sflag:$0x2], $0x80, s20, s13, $0xb8;
	[tilespmem:$0x1FF00] =	vst v63  }
0x2c: {  	_ = 	snop  }
0x2d: {  	[spmem:s2] =	stream.indirect.scatter.add.f32 [tilespmem:s18], [sflag:$0x2], $0x80, s21, s13, $0xb8;
	[tilespmem:$0x1FF00] =	vst v63  }
0x2e: {  	_ =	swait.ge [sflag:s22], $0x4000  }
0x2f: {  	[sflag:s22] =	ssyncset.done $0x0  }
0x30: {  	[sflag:s22] =	ssyncadd.s32 $0xFFFFC000  }
0x31: {  	_ =	swait.ge [sflag:s22], $0x4000  }
0x32: {  	[sflag:s22] =	ssyncset.done $0x0  }
0x33: {  	[sflag:s22] =	ssyncadd.s32 $0xFFFFC000  }
0x34: {  	_ =	swait.ge [sflag:s22], $0x4000  }
0x35: {  	[sflag:s22] =	ssyncset.done $0x0  }
0x36: {  	s24 =	sadd.s32 $0x60, s10;
	[sflag:s22] =	ssyncadd.s32 $0xFFFFC000  }
0x37: {  	[tilespmem:s3], [sflag:$0x3] =	stream.linear.gather [hbm4b:s24+s3], $0x300, $0x38;
	[tilespmem:$0x1FF00] =	vst v63  }
0x38: {  	_ =	swait.ge [sflag:s12], $0x300  }
0x39: {  	[sflag:s12] =	ssyncset.done $0x0  }
0x3a: {  	[sflag:s12] =	ssyncadd.s32 $0xFFFFFD00  }
0x3b: {  	[tilespmem:s14], [sflag:$0x1] =	stream.indirect.gather [hbm4b:s4+s13], $0x80, s3, s13, $0xb8;
	[tilespmem:$0x1FF00] =	vst v63  }
0x3c: {  	_ = 	snop  }
0x3d: {  	[tilespmem:s16], [sflag:$0x1] =	stream.indirect.gather [hbm4b:s4+s13], $0x80, s15, s13, $0xb8;
	[tilespmem:$0x1FF00] =	vst v63  }
0x3e: {  	_ = 	snop  }
0x3f: {  	[tilespmem:s18], [sflag:$0x1] =	stream.indirect.gather [hbm4b:s4+s13], $0x80, s17, s13, $0xb8;
	[tilespmem:$0x1FF00] =	vst v63  }
0x40: {  	_ =	swait.ge [sflag:s19], $0x4000  }
0x41: {  	[sflag:s19] =	ssyncset.done $0x0  }
0x42: {  	[sflag:s19] =	ssyncadd.s32 $0xFFFFC000  }
0x43: {  	_ =	swait.ge [sflag:s19], $0x4000  }
0x44: {  	[sflag:s19] =	ssyncset.done $0x0  }
0x45: {  	[sflag:s19] =	ssyncadd.s32 $0xFFFFC000  }
0x46: {  	_ =	swait.ge [sflag:s19], $0x4000  }
0x47: {  	[sflag:s19] =	ssyncset.done $0x0  }
0x48: {  	[sflag:s19] =	ssyncadd.s32 $0xFFFFC000  }
0x49: {  	[spmem:s2] =	stream.indirect.scatter.add.f32 [tilespmem:s14], [sflag:$0x2], $0x80, s13, s13, $0xb8;
	[tilespmem:$0x1FF00] =	vst v63  }
0x4a: {  	s24 =	simm.s32 $0xC0  }
0x4b: {  	[spmem:s2] =	stream.indirect.scatter.add.f32 [tilespmem:s16], [sflag:$0x2], $0x80, s20, s13, $0xb8;
	[tilespmem:$0x1FF00] =	vst v63  }
.LBB2_2:
0x4c: {  	[spmem:s2] =	stream.indirect.scatter.add.f32 [tilespmem:s18], [sflag:$0x2], $0x80, s21, s13, $0xb8;
	[tilespmem:$0x1FF00] =	vst v63  }
0x4d: {  	s25 =	smov.u32 s24  }
0x4e: {  	p0 =	sne.s32 s24, $0x1380;
	s24 =	sadd.s32 $0x60, s24;
	_ =	swait.ge [sflag:s22], $0x4000  }
0x4f: {  	[sflag:s22] =	ssyncset.done $0x0  }
0x50: {  	[sflag:s22] =	ssyncadd.s32 $0xFFFFC000  }
0x51: {  	_ =	swait.ge [sflag:s22], $0x4000  }
0x52: {  	[sflag:s22] =	ssyncset.done $0x0  }
0x53: {  	[sflag:s22] =	ssyncadd.s32 $0xFFFFC000  }
0x54: {  	_ =	swait.ge [sflag:s22], $0x4000  }
0x55: {  	[sflag:s22] =	ssyncset.done $0x0  }
0x56: {  	s25 =	sadd.s32 s25, s10;
	[sflag:s22] =	ssyncadd.s32 $0xFFFFC000  }
0x57: {  	[tilespmem:s3], [sflag:$0x3] =	stream.linear.gather [hbm4b:s25+s3], $0x300, $0x38;
	[tilespmem:$0x1FF00] =	vst v63  }
0x58: {  	_ =	swait.ge [sflag:s12], $0x300  }
0x59: {  	[sflag:s12] =	ssyncset.done $0x0  }
0x5a: {  	[sflag:s12] =	ssyncadd.s32 $0xFFFFFD00  }
0x5b: {  	[tilespmem:s14], [sflag:$0x1] =	stream.indirect.gather [hbm4b:s4+s13], $0x80, s3, s13, $0xb8;
	[tilespmem:$0x1FF00] =	vst v63  }
0x5c: {  	_ = 	snop  }
0x5d: {  	[tilespmem:s16], [sflag:$0x1] =	stream.indirect.gather [hbm4b:s4+s13], $0x80, s15, s13, $0xb8;
	[tilespmem:$0x1FF00] =	vst v63  }
0x5e: {  	_ = 	snop  }
0x5f: {  	[tilespmem:s18], [sflag:$0x1] =	stream.indirect.gather [hbm4b:s4+s13], $0x80, s17, s13, $0xb8;
	[tilespmem:$0x1FF00] =	vst v63  }
0x60: {  	_ =	swait.ge [sflag:s19], $0x4000  }
0x61: {  	[sflag:s19] =	ssyncset.done $0x0  }
0x62: {  	[sflag:s19] =	ssyncadd.s32 $0xFFFFC000  }
0x63: {  	_ =	swait.ge [sflag:s19], $0x4000  }
0x64: {  	[sflag:s19] =	ssyncset.done $0x0  }
0x65: {  	[sflag:s19] =	ssyncadd.s32 $0xFFFFC000  }
0x66: {  	_ =	swait.ge [sflag:s19], $0x4000  }
.Ltmp0:
0x67: {  	[sflag:s19] =	ssyncset.done $0x0;
	(pc) =	sbr.rel @p0 .LBB2_2-.Ltmp0, $4  }
0x68: {  	[sflag:s19] =	ssyncadd.s32 $0xFFFFC000  }
0x69: {  	[spmem:s2] =	stream.indirect.scatter.add.f32 [tilespmem:s14], [sflag:$0x2], $0x80, s13, s13, $0xb8;
	[tilespmem:$0x1FF00] =	vst v63  }
0x6a: {  	_ = 	snop  }
0x6b: {  	[spmem:s2] =	stream.indirect.scatter.add.f32 [tilespmem:s16], [sflag:$0x2], $0x80, s20, s13, $0xb8;
	[tilespmem:$0x1FF00] =	vst v63  }
0x6c: {  	[spmem:s2] =	stream.indirect.scatter.add.f32 [tilespmem:s18], [sflag:$0x2], $0x80, s21, s13, $0xb8;
	[tilespmem:$0x1FF00] =	vst v63  }
0x6d: {  	_ =	swait.ge [sflag:s22], $0x4000  }
0x6e: {  	[sflag:s22] =	ssyncset.done $0x0  }
0x6f: {  	[sflag:s22] =	ssyncadd.s32 $0xFFFFC000  }
0x70: {  	_ =	swait.ge [sflag:s22], $0x4000  }
0x71: {  	[sflag:s22] =	ssyncset.done $0x0  }
0x72: {  	[sflag:s22] =	ssyncadd.s32 $0xFFFFC000  }
0x73: {  	_ =	swait.ge [sflag:s22], $0x4000  }
0x74: {  	s23 =	sadd.s32 $0x1, s23;
	[sflag:s22] =	ssyncset.done $0x0  }
0x75: {  	p0 =	sne.s32 s23, s8;
	[sflag:s22] =	ssyncadd.s32 $0xFFFFC000  }
.Ltmp1:
0x76: {  	[bflag:$0x0] =	sbarrier.arrive $0xFFFF;
	(pc) =	sbr.rel @p0 .LBB2_1-.Ltmp1, $4  }
0x77: {  	[hbm:s7], [sflag:s6] =	dma.local [spmem:s11], $0x2780  }
0x78: {  	_ =	swait.ge [sflag:s12], $0x2780  }
0x79: {  	[sflag:s12] =	ssyncset.done $0x0  }
0x7a: {  	[sflag:s12] =	ssyncadd.s32 $0xFFFFD880  }
0x7b: {  	_ =	sfence.sel $0x180000  }
0x7c: {  	[bflag:$0x0] =	sbarrier.arrive $0xFFFF  }
0x7d: {  	p0 =	sne.s32 s0, $0x0;
	_ =	strace $0x9000004A  }
0x7e: {  	s0 =	sadd.s32 @!p0 $0x100000, s1;
	[bflag:$0x2] =	sbarrier.arrive $0xFFFF  }
0x7f: {  	[sflag:s0] =	ssyncadd.tile.s32 @!p0 $0x1;
	_ =	shalt  }
.Lfunc_end2:
_tile_overlayer_lowered:
.L_overlay_start_2:
0x80: {  	(tag) =	ssettag $0x2  }
0x81: {  	s0 =	rddreg [dreg:$0x0];
	s2 =	stileid.u32  }
0x82: {  	s1 =	rddreg [dreg:$0x1];
	p0 =	sne.s32 s2, $0x0  }
0x83: {  	s3 =	rddreg [dreg:$0x2];
	[bflag:$0x3] =	sbarrier.arrive $0xFFFF;
	s2 =	simm.s32 @!p0 $0x1C03  }
0x84: {  	[timem:s3], [sflag:s2] =	dma.local @!p0 [hbm:s0], s1  }
0x85: {  	s0 =	simm.s32 @!p0 $0x3  }
0x86: {  	_ =	swait.ge @!p0 [sflag:s0], s1  }
0x87: {  	s1 =	ssub.s32 @!p0 $0x0, s1;
	[sflag:s0] =	ssyncset.done @!p0 $0x0  }
0x88: {  	[sflag:s0] =	ssyncadd.s32 @!p0 s1  }
0x89: {  	[bflag:$0x3] =	sbarrier.arrive $0xFFFF  }
0x8a: {  	_ =	shalt  }

// kernel: kernel.8.cloned.1.call-start
scs
__scs_entry_jumppad:
0x0: {  	(pc) =	sbr.rel $0x88, $3  }
0x1: {  	(tag) =	ssettag $0x0;
	lr =	simm.s32 $0x1  }
0x2: {  	[smem:$0x3F6F] =	sst lr;
	_ =	strace $0xD0000000  }
0x3: {  	_ = 	snop  }
0x4: {  	_ = 	snop  }
0x5: {  	_ = 	snop  }
0x6: {  	_ = 	snop  }
0x7: {  	_ = 	snop  }
__scs_overlays_trampoline_lowered:
0x8: {  	[smem:$0x3F7E] =	sst s0  }
0x9: {  	[smem:$0x3F7F] =	sst s1  }
0xa: {  	[smem:$0x3F80] =	sst s2  }
0xb: {  	[smem:$0x3F81] =	sst s3  }
0xc: {  	[smem:$0x3F82] =	sst s4  }
0xd: {  	[smem:$0x3F83] =	sst s5  }
0xe: {  	[smem:$0x3F84] =	sst s6  }
0xf: {  	[smem:$0x3F85] =	sst s7  }
0x10: {  	[smem:$0x3F86] =	sst s8  }
0x11: {  	[smem:$0x3F87] =	sst s9;
	s0 =	simm.s32 @!p0 $0x0  }
0x12: {  	s1 =	sld [smem:$0x3F6D];
	s0 =	simm.s32 @p0 $0x1  }
0x13: {  	[smem:$0x3F88] =	sst s0;
	s0 =	simm.s32 @!p1 $0x0  }
0x14: {  	s2 =	sld [smem:$0x3F6C];
	s0 =	simm.s32 @p1 $0x1  }
0x15: {  	[smem:$0x3F89] =	sst s0;
	s0 =	simm.s32 @!p2 $0x0  }
0x16: {  	s3 =	sld [smem:$0x3FDB];
	s0 =	simm.s32 @p2 $0x1  }
0x17: {  	s4 =	simm.s32 $0x1BF5;
	[smem:$0x3F8B] =	sst s0  }
0x18: {  	s0 =	sld [smem:$0x3F6E];
	_ =	swait.ge [sflag:s4], $0x0  }
0x19: {  	s7 =	sld [smem:$0x3F6F]  }
0x1a: {  	s8 =	sadd.s32 $0xFFFFE003, lr  }
0x1b: {  	s9 =	sadd.s32 $0xFFFFFEF7, lr;
	s5 =	simm.s32 $0xFFFFFFFF;
	p2 =	slt.u32 s8, $0xFFFFF086  }
0x1c: {  	p1 =	slt.u32 s9, $0xF7A;
	s5 =	simm.s32 @!p2 $0x0  }
0x1d: {  	s5 =	simm.s32 @p1 $0x1;
	p0 =	seq.s32 s7, s2  }
0x1e: {  	s7 =	smul.u32 @!p0 $0xF7A, s2;
	p2 =	seq.s32 @!p0 s5, $0x0  }
0x1f: {  	s9 =	smul.u32 $0xF7A, s1;
	s8 =	simm.s32 @!p0 $0x1BF5;
	p2 =	por !p2, p0  }
0x20: {  	[sflag:s8] =	ssyncset.s32 @!p0 $0xFFFFF086;
	s6 =	sadd.s32 @!p0 s3, s7;
	s7 =	simm.s32 @!p0 $0x108  }
0x21: {  	s3 =	sadd.s32 s3, s9;
	s6 =	sadd.s32 @!p0 $0x88, s6;
	s7 =	simm.s32 @p2 $0x1082  }
0x22: {  	[simem:s7], [sflag:s8] =	dma.local @!p0 [hbm:s6], $0xF7A  }
0x23: {  	s9 =	sor.u32 $0xD0000000, s2;
	s6 =	simm.s32 $0x108;
	_ =	swait.ge @!p0 [sflag:s8], $0x0  }
0x24: {  	s3 =	sadd.s32 $0x88, s3;
	s6 =	simm.s32 @!p1 $0x1082;
	[sflag:s4] =	ssyncset.s32 $0xFFFFF086  }
0x25: {  	[simem:s6], [sflag:s4] =	dma.local [hbm:s3], $0xF7A  }
0x26: {  	[smem:$0x3F6F] =	sst s1;
	(tag) =	ssettag s2;
	_ =	strace s9  }
0x27: {  	s1 =	sld [smem:$0x3F7F]  }
0x28: {  	s2 =	sld [smem:$0x3F80]  }
0x29: {  	s4 =	sld [smem:$0x3F82]  }
0x2a: {  	p0 =	seq.s32 s5, $0x0;
	s5 =	sld [smem:$0x3F83]  }
0x2b: {  	s6 =	sld [smem:$0x3F84]  }
0x2c: {  	s7 =	sld [smem:$0x3F85]  }
0x2d: {  	s3 =	simm.s32 $0x108;
	s8 =	sld [smem:$0x3F86]  }
0x2e: {  	s3 =	simm.s32 @!p0 $0x1082;
	s9 =	sld [smem:$0x3F87]  }
0x2f: {  	lr =	sadd.s32 s0, s3;
	s0 =	sld [smem:$0x3F7E]  }
0x30: {  	s3 =	sld [smem:$0x3F81]  }
0x31: {  	[smem:$0x3F8A] =	sst s10  }
0x32: {  	s10 =	sld [smem:$0x3F88];
	_ =	sdelay $0x3  }
0x33: {  	p0 =	seq.s32 s10, $0x1;
	s10 =	sld [smem:$0x3F8A];
	_ =	sdelay $0x3  }
0x34: {  	[smem:$0x3F8A] =	sst s10  }
0x35: {  	s10 =	sld [smem:$0x3F89];
	_ =	sdelay $0x3  }
0x36: {  	p1 =	seq.s32 s10, $0x1;
	s10 =	sld [smem:$0x3F8A];
	_ =	sdelay $0x3  }
0x37: {  	[smem:$0x3F8A] =	sst s10  }
0x38: {  	s10 =	sld [smem:$0x3F8B]  }
0x39: {  	_ = 	snop;
	(pc) =	sbr.ind lr, $3  }
0x3a: {  	_ = 	snop  }
0x3b: {  	_ = 	snop  }
0x3c: {  	p2 =	seq.s32 s10, $0x1;
	s10 =	sld [smem:$0x3F8A]  }
0x3d: {  	_ =	shalt  }
0x3e: {  	_ =	shalt  }
0x3f: {  	_ =	shalt  }
0x40: {  	_ =	shalt  }
0x41: {  	_ =	shalt  }
0x42: {  	_ =	shalt  }
0x43: {  	_ =	shalt  }
0x44: {  	_ =	shalt  }
0x45: {  	_ =	shalt  }
0x46: {  	_ =	shalt  }
0x47: {  	_ =	shalt  }
0x48: {  	_ =	shalt  }
0x49: {  	_ =	shalt  }
0x4a: {  	_ =	shalt  }
0x4b: {  	_ =	shalt  }
0x4c: {  	_ =	shalt  }
0x4d: {  	_ =	shalt  }
0x4e: {  	_ =	shalt  }
0x4f: {  	_ =	shalt  }
0x50: {  	_ =	shalt  }
0x51: {  	_ =	shalt  }
0x52: {  	_ =	shalt  }
0x53: {  	_ =	shalt  }
0x54: {  	_ =	shalt  }
0x55: {  	_ =	shalt  }
0x56: {  	_ =	shalt  }
0x57: {  	_ =	shalt  }
0x58: {  	_ =	shalt  }
0x59: {  	_ =	shalt  }
0x5a: {  	_ =	shalt  }
0x5b: {  	_ =	shalt  }
0x5c: {  	_ =	shalt  }
0x5d: {  	_ =	shalt  }
0x5e: {  	_ =	shalt  }
0x5f: {  	_ =	shalt  }
0x60: {  	_ =	shalt  }
0x61: {  	_ =	shalt  }
0x62: {  	_ =	shalt  }
0x63: {  	_ =	shalt  }
0x64: {  	_ =	shalt  }
0x65: {  	_ =	shalt  }
0x66: {  	_ =	shalt  }
0x67: {  	_ =	shalt  }
0x68: {  	_ =	shalt  }
0x69: {  	_ =	shalt  }
0x6a: {  	_ =	shalt  }
0x6b: {  	_ =	shalt  }
0x6c: {  	_ =	shalt  }
0x6d: {  	_ =	shalt  }
0x6e: {  	_ =	shalt  }
0x6f: {  	_ =	shalt  }
0x70: {  	_ =	shalt  }
0x71: {  	_ =	shalt  }
0x72: {  	_ =	shalt  }
0x73: {  	_ =	shalt  }
0x74: {  	_ =	shalt  }
0x75: {  	_ =	shalt  }
0x76: {  	_ =	shalt  }
0x77: {  	_ =	shalt  }
0x78: {  	_ =	shalt  }
0x79: {  	_ =	shalt  }
0x7a: {  	_ =	shalt  }
0x7b: {  	_ =	shalt  }
0x7c: {  	_ =	shalt  }
0x7d: {  	_ =	shalt  }
0x7e: {  	_ =	shalt  }
0x7f: {  	_ =	shalt  }
0x80: {  	_ =	shalt  }
0x81: {  	_ =	shalt  }
0x82: {  	_ =	shalt  }
0x83: {  	_ =	shalt  }
0x84: {  	_ =	shalt  }
0x85: {  	_ =	shalt  }
0x86: {  	_ =	shalt  }
0x87: {  	_ =	shalt  }
.Lfunc_end0:
.L_simem_size_0:
called_computation_lowered:
.L_overlay_start_0:
0x88: {  	s2 =	sld [smem:$0x3FD9]  }
0x89: {  	s3 =	sld [smem:$0x3FFE];
	_ =	sdelay $0x1  }
0x8a: {  	s1 =	srdreg.scid  }
0x8b: {  	s0 =	sand.u32 $0x1, s1  }
0x8c: {  	s14 =	sshll.u32 s0, $0xA;
	s2 =	sadd.s32 s3, s2  }
0x8d: {  	s2 =	sadd.s32 s2, s14  }
0x8e: {  	[smem:$0x3F96] =	sst s2  }
0x8f: {  	_ = 	snop  }
0x90: {  	s2 =	sld [smem:$0x3FD0];
	_ =	sdelay $0x2  }
0x91: {  	s15 =	simm.s32 $0xA;
	s4 =	simm.s32 $0x10  }
0x92: {  	[smem:s4], [sflag:s15] =	dma.local [hbm:s2], $0x1  }
0x93: {  	_ =	swait.eq [sflag:s15], $0x1  }
0x94: {  	[sflag:s15] =	ssyncset.done $0x0  }
0x95: {  	[sflag:s15] =	ssyncadd.s32 $0xFFFFFFFF  }
0x96: {  	s16 =	sld [smem:$0x10];
	(tm) =	ssettm $0x1  }
0x97: {  	s17 =	sld [smem:$0x3FFB];
	_ =	sdelay $0x3  }
0x98: {  	_ =	strace s17  }
0x99: {  	s3 =	sld [smem:$0x3FFC];
	_ =	sdelay $0x3  }
0x9a: {  	_ =	strace s3  }
0x9b: {  	s3 =	sld [smem:$0x3FFD];
	_ =	sdelay $0x3  }
0x9c: {  	_ =	strace s3  }
0x9d: {  	_ =	strace $0x8FFFFFFF  }
0x9e: {  	s18 =	sld [smem:$0x3FDB];
	_ =	sdelay $0x1  }
0x9f: {  	s19 =	simm.s32 $_scs_section_size  }
0xa0: {  	s5 =	simm.s32 $_size__tile_overlayer_lowered;
	s6 =	simm.s32 $_tile_overlayer_lowered  }
0xa1: {  	s22 =	simm.s32 $0x1BFF;
	s21 =	sshll.u32 s6, $0x1;
	s3 =	sadd.s32 s19, s18  }
0xa2: {  	s7 =	simm.s32 $0x0;
	s20 =	sshll.u32 s5, $0x1;
	s5 =	sadd.s32 s21, s3  }
0xa3: {  	[timem:s7], [sflag:s22] =	dma.local [hbm:s5], s20  }
0xa4: {  	_ =	swait.ge [sflag:s22], s20  }
0xa5: {  	s4 =	ssub.s32 $0x0, s20;
	[sflag:s22] =	ssyncset.done $0x0  }
0xa6: {  	[sflag:s22] =	ssyncadd.s32 s4;
	_ =	sdelay $0x1  }
0xa7: {  	s23 =	simm.s32 $0x1B8B  }
0xa8: {  	_ =	swait.ge [sflag:s23], $0x1  }
0xa9: {  	[sflag:s23] =	ssyncset.done $0x0  }
0xaa: {  	s25 =	simm.s32 $0x1B8E;
	s24 =	sld [smem:$0x3FFE];
	[sflag:s23] =	ssyncadd.s32 $0xFFFFFFFF  }
0xab: {  	s26 =	simm.s32 $execute0_lowered;
	[smem:$0x3FD2] =	sst s25  }
0xac: {  	s5 =	sshll.u32 s26, $0x1;
	_ =	strace $0x80000046;
	[dreg:$0x1] =	wrdreg $0xFFFFFFFF  }
0xad: {  	s28 =	simm.s32 $_size_execute0_lowered;
	s3 =	sadd.s32 s3, s5;
	[dreg:$0x0] =	wrdreg $0x0  }
0xae: {  	s5 =	sshll.u32 s28, $0x1;
	[dreg:$0x2] =	wrdreg s3  }
0xaf: {  	[dreg:$0x3] =	wrdreg s5  }
0xb0: {  	[dreg:$0x4] =	wrdreg $0xC0  }
0xb1: {  	_ =	task [dreg:s7], $0x5FFFF  }
0xb2: {  	[dreg:$0x1] =	wrdreg $0xFFFFFFFF  }
0xb3: {  	[dreg:$0x0] =	wrdreg $0x60  }
0xb4: {  	[dreg:$0x2] =	wrdreg s24  }
0xb5: {  	[dreg:$0x3] =	wrdreg s16  }
0xb6: {  	[dreg:$0x4] =	wrdreg $0xC3000  }
0xb7: {  	[dreg:$0x5] =	wrdreg $0x9  }
0xb8: {  	_ =	task.clear_ibuf [dreg:s7], $0x6FFFF;
	_ =	strace $0x90000046  }
0xb9: {  	s29 =	simm.s32 $0x9;
	_ =	strace $0x80000048  }
0xba: {  	_ =	swait.ge [sflag:s29], $0x1  }
0xbb: {  	[sflag:s29] =	ssyncadd.s32 $0xFFFFFFFF  }
0xbc: {  	_ =	strace $0x90000048  }
0xbd: {  	_ =	sfence  }
0xbe: {  	s30 =	sld [smem:$0x0];
	_ =	sdelay $0x2  }
0xbf: {  	s31 =	sshll.u32 s1, $0xD;
	s1 =	sshrl.u32 s1, $0x2  }
0xc0: {  	s3 =	sand.u32 $0x4000, s31;
	s1 =	sadd.s32 s1, s30  }
0xc1: {  	s0 =	sor.u32 s3, s0;
	s1 =	sshll.u32 s1, $0x11  }
0xc2: {  	s0 =	sor.u32 s1, s0  }
0xc3: {  	s0 =	sadd.s32 $0x8F2B, s0  }
0xc4: {  	[sflag:s0] =	ssyncadd.remote.s32 $0x1  }
0xc5: {  	_ =	sfence.sel $0xFFFF  }
0xc6: {  	[dreg:$0x0] =	wrdreg $0xFFFFFFFF;
	(pc) =	sbr.abs _section_cstart, $3  }
0xc7: {  	[dreg:$0x1] =	wrdreg $0xFFFFFFFF  }
0xc8: {  	_ =	task.clear_ibuf [dreg:s7], $0x2FFFF;
	_ =	strace $0x9FFFFFFF  }
0xc9: {  	(tm) =	ssettm $0x7FFFFFFF  }
tec
execute0_lowered:
.L_overlay_start_1:
0x0: {  	(tag) =	ssettag $0x1  }
0x1: {  	s7 =	rddreg [dreg:$0x0]  }
0x2: {  	s11 =	rddreg [dreg:$0x1]  }
0x3: {  	s2 =	rddreg [dreg:$0x2]  }
0x4: {  	s0 =	rddreg [dreg:$0x3];
	s3 =	simm.s32 $0x0;
	s4 =	srdreg.scid  }
0x5: {  	s1 =	stileid.u32;
	s17 =	simm.s32 $0x180;
	s18 =	simm.s32 $0x280  }
0x6: {  	s19 =	simm.s32 $0x2;
	s20 =	simm.s32 $0x100;
	s6 =	smul.u32 $0x278, s1  }
0x7: {  	s21 =	simm.s32 $0x4300;
	s22 =	simm.s32 $0x200;
	s12 =	smul.u32 $0x9F, s1  }
0x8: {  	s23 =	simm.s32 $0x8300;
	s24 =	simm.s32 $0x1;
	s15 =	smul.u32 $0x4F000, s1  }
0x9: {  	s25 =	simm.s32 $0x0;
	s8 =	sand.u32 $0x1, s4;
	s30 =	smul.u32 $0x13E0, s1  }
0xa: {  	[smem:$0x7FF] =	sst s3;
	s4 =	sadd.s32 $0x9200, s7;
	s9 =	smul.u32 $0x2780, s8  }
0xb: {  	s5 =	sadd.s32 $0x57400, s7;
	s29 =	sshll.u32 s1, $0x6;
	s10 =	smul.u32 $0x9F0, s8  }
0xc: {  	_ =	strace $0x80000047;
	s26 =	ssub.s32 $0x2, s8;
	s16 =	smul.u32 $0x13E00, s8  }
0xd: {  	s14 =	sshrl.u32 s26, $0x1;
	s28 =	sshrl.u32 s15, $0x2;
	s6 =	sadd.s32 s6, s9  }
0xe: {  	s14 =	ssub.s32 s26, s14;
	s12 =	sadd.s32 s12, s10;
	s15 =	sadd.s32 s28, s2  }
0xf: {  	s31 =	sadd.s32 s16, s11;
	s16 =	simm.s32 $0x80;
	s13 =	sshll.u32 s6, $0x4  }
0x10: {  	s6 =	sadd.s32 $0x59C00, s7;
	s10 =	smax.u32 s14, $0x1;
	s12 =	sshll.u32 s12, $0x5  }
0x11: {  	s14 =	simm.s32 $0x3;
	s13 =	sadd.s32 s13, s7;
	s7 =	sor.u32 $0x1C03, s29  }
0x12: {  	s11 =	sadd.s32 s11, s12;
	s12 =	sadd.s32 s30, s31;
	s8 =	sadd.s32 $0xA9400, s13  }
0x13: {  	s9 =	sadd.s32 $0x5A400, s13;
	s13 =	sshrl.u32 s15, $0x3;
	s15 =	simm.s32 $0x300  }
.LBB2_1:
0x14: {  	[spmem:s13], [sflag:s7] =	dma.local [hbm:s5], $0x2780  }
0x15: {  	_ =	swait.ge [sflag:s14], $0x2780  }
0x16: {  	[sflag:s14] =	ssyncset.done $0x0  }
0x17: {  	[sflag:s14] =	ssyncadd.s32 $0xFFFFD880  }
0x18: {  	[tilespmem:s15], [sflag:$0x3] =	stream.linear.gather [hbm4b:s6+s3], $0x4000, $0x38;
	[tilespmem:$0x1FF00] =	vst v63  }
0x19: {  	_ =	swait.ge [sflag:s14], $0x4000  }
0x1a: {  	[sflag:s14] =	ssyncset.done $0x0  }
0x1b: {  	[sflag:s14] =	ssyncadd.s32 $0xFFFFC000  }
0x1c: {  	[bflag:$0x0] =	sbarrier.arrive $0xFFFF  }
0x1d: {  	[tilespmem:s3], [sflag:$0x3] =	stream.linear.gather [hbm4b:s11+s3], $0x300, $0x38;
	[tilespmem:$0x1FF00] =	vst v63  }
0x1e: {  	_ =	swait.ge [sflag:s14], $0x300  }
0x1f: {  	[sflag:s14] =	ssyncset.done $0x0  }
0x20: {  	[sflag:s14] =	ssyncadd.s32 $0xFFFFFD00  }
0x21: {  	[spmem:s2] =	stream.indirect.scatter.add.f32 [tilespmem:s15], [sflag:$0x2], $0x80, s16, s16, $0xb8;
	[tilespmem:$0x1FF00] =	vst v63  }
0x22: {  	_ = 	snop  }
0x23: {  	[spmem:s2] =	stream.indirect.scatter.add.f32 [tilespmem:s15], [sflag:$0x2], $0x80, s17, s16, $0xb8;
	[tilespmem:$0x1FF00] =	vst v63  }
0x24: {  	_ = 	snop  }
0x25: {  	[spmem:s2] =	stream.indirect.scatter.add.f32 [tilespmem:s15], [sflag:$0x2], $0x80, s18, s16, $0xb8;
	[tilespmem:$0x1FF00] =	vst v63  }
0x26: {  	_ =	swait.ge [sflag:s19], $0x4000  }
0x27: {  	[sflag:s19] =	ssyncset.done $0x0  }
0x28: {  	[sflag:s19] =	ssyncadd.s32 $0xFFFFC000  }
0x29: {  	_ =	swait.ge [sflag:s19], $0x4000  }
0x2a: {  	[sflag:s19] =	ssyncset.done $0x0  }
0x2b: {  	[sflag:s19] =	ssyncadd.s32 $0xFFFFC000  }
0x2c: {  	_ =	swait.ge [sflag:s19], $0x4000  }
0x2d: {  	[sflag:s19] =	ssyncset.done $0x0  }
0x2e: {  	s26 =	sadd.s32 $0x60, s12;
	[sflag:s19] =	ssyncadd.s32 $0xFFFFC000  }
0x2f: {  	[tilespmem:s3], [sflag:$0x3] =	stream.linear.gather [hbm4b:s26+s3], $0x300, $0x38;
	[tilespmem:$0x1FF00] =	vst v63  }
0x30: {  	_ =	swait.ge [sflag:s14], $0x300  }
0x31: {  	[sflag:s14] =	ssyncset.done $0x0  }
0x32: {  	[sflag:s14] =	ssyncadd.s32 $0xFFFFFD00  }
0x33: {  	[spmem:s2] =	stream.indirect.scatter.add.f32 [tilespmem:s15], [sflag:$0x2], $0x80, s16, s16, $0xb8;
	[tilespmem:$0x1FF00] =	vst v63  }
0x34: {  	s26 =	simm.s32 $0xC0  }
0x35: {  	[spmem:s2] =	stream.indirect.scatter.add.f32 [tilespmem:s15], [sflag:$0x2], $0x80, s17, s16, $0xb8;
	[tilespmem:$0x1FF00] =	vst v63  }
.LBB2_2:
0x36: {  	[spmem:s2] =	stream.indirect.scatter.add.f32 [tilespmem:s15], [sflag:$0x2], $0x80, s18, s16, $0xb8;
	[tilespmem:$0x1FF00] =	vst v63  }
0x37: {  	s28 =	smov.u32 s26  }
0x38: {  	p0 =	sne.s32 s26, $0x1380;
	s26 =	sadd.s32 $0x60, s26;
	_ =	swait.ge [sflag:s19], $0x4000  }
0x39: {  	[sflag:s19] =	ssyncset.done $0x0  }
0x3a: {  	[sflag:s19] =	ssyncadd.s32 $0xFFFFC000  }
0x3b: {  	_ =	swait.ge [sflag:s19], $0x4000  }
0x3c: {  	[sflag:s19] =	ssyncset.done $0x0  }
0x3d: {  	[sflag:s19] =	ssyncadd.s32 $0xFFFFC000  }
0x3e: {  	_ =	swait.ge [sflag:s19], $0x4000  }
0x3f: {  	[sflag:s19] =	ssyncset.done $0x0  }
0x40: {  	s28 =	sadd.s32 s28, s12;
	[sflag:s19] =	ssyncadd.s32 $0xFFFFC000  }
0x41: {  	[tilespmem:s3], [sflag:$0x3] =	stream.linear.gather [hbm4b:s28+s3], $0x300, $0x38;
	[tilespmem:$0x1FF00] =	vst v63  }
0x42: {  	_ =	swait.ge [sflag:s14], $0x300  }
.Ltmp0:
0x43: {  	[sflag:s14] =	ssyncset.done $0x0;
	(pc) =	sbr.rel @p0 .LBB2_2-.Ltmp0, $4  }
0x44: {  	[sflag:s14] =	ssyncadd.s32 $0xFFFFFD00  }
0x45: {  	[spmem:s2] =	stream.indirect.scatter.add.f32 [tilespmem:s15], [sflag:$0x2], $0x80, s16, s16, $0xb8;
	[tilespmem:$0x1FF00] =	vst v63  }
0x46: {  	_ = 	snop  }
0x47: {  	[spmem:s2] =	stream.indirect.scatter.add.f32 [tilespmem:s15], [sflag:$0x2], $0x80, s17, s16, $0xb8;
	[tilespmem:$0x1FF00] =	vst v63  }
0x48: {  	[spmem:s2] =	stream.indirect.scatter.add.f32 [tilespmem:s15], [sflag:$0x2], $0x80, s18, s16, $0xb8;
	[tilespmem:$0x1FF00] =	vst v63  }
0x49: {  	_ =	swait.ge [sflag:s19], $0x4000  }
0x4a: {  	[sflag:s19] =	ssyncset.done $0x0  }
0x4b: {  	[sflag:s19] =	ssyncadd.s32 $0xFFFFC000  }
0x4c: {  	_ =	swait.ge [sflag:s19], $0x4000  }
0x4d: {  	[sflag:s19] =	ssyncset.done $0x0  }
0x4e: {  	[sflag:s19] =	ssyncadd.s32 $0xFFFFC000  }
0x4f: {  	_ =	swait.ge [sflag:s19], $0x4000  }
0x50: {  	[sflag:s19] =	ssyncset.done $0x0  }
0x51: {  	[sflag:s19] =	ssyncadd.s32 $0xFFFFC000  }
0x52: {  	[bflag:$0x0] =	sbarrier.arrive $0xFFFF  }
0x53: {  	[hbm:s8], [sflag:s7] =	dma.local [spmem:s13], $0x2780  }
0x54: {  	_ =	swait.ge [sflag:s14], $0x2780  }
0x55: {  	[sflag:s14] =	ssyncset.done $0x0  }
0x56: {  	[sflag:s14] =	ssyncadd.s32 $0xFFFFD880  }
0x57: {  	[spmem:s13], [sflag:s7] =	dma.local [hbm:s5], $0x2780  }
0x58: {  	_ =	swait.ge [sflag:s14], $0x2780  }
0x59: {  	[sflag:s14] =	ssyncset.done $0x0  }
0x5a: {  	[sflag:s14] =	ssyncadd.s32 $0xFFFFD880  }
0x5b: {  	[bflag:$0x0] =	sbarrier.arrive $0xFFFF  }
0x5c: {  	[tilespmem:s3], [sflag:$0x3] =	stream.linear.gather [hbm4b:s11+s3], $0x300, $0x38;
	[tilespmem:$0x1FF00] =	vst v63  }
0x5d: {  	_ =	swait.ge [sflag:s14], $0x300  }
0x5e: {  	[sflag:s14] =	ssyncset.done $0x0  }
0x5f: {  	[sflag:s14] =	ssyncadd.s32 $0xFFFFFD00  }
0x60: {  	[tilespmem:s15], [sflag:$0x1] =	stream.indirect.gather [hbm4b:s4+s16], $0x80, s3, s16, $0xb8;
	[tilespmem:$0x1FF00] =	vst v63  }
0x61: {  	_ = 	snop  }
0x62: {  	[tilespmem:s21], [sflag:$0x1] =	stream.indirect.gather [hbm4b:s4+s16], $0x80, s20, s16, $0xb8;
	[tilespmem:$0x1FF00] =	vst v63  }
0x63: {  	_ = 	snop  }
0x64: {  	[tilespmem:s23], [sflag:$0x1] =	stream.indirect.gather [hbm4b:s4+s16], $0x80, s22, s16, $0xb8;
	[tilespmem:$0x1FF00] =	vst v63  }
0x65: {  	_ =	swait.ge [sflag:s24], $0x4000  }
0x66: {  	[sflag:s24] =	ssyncset.done $0x0  }
0x67: {  	[sflag:s24] =	ssyncadd.s32 $0xFFFFC000  }
0x68: {  	_ =	swait.ge [sflag:s24], $0x4000  }
0x69: {  	[sflag:s24] =	ssyncset.done $0x0  }
0x6a: {  	[sflag:s24] =	ssyncadd.s32 $0xFFFFC000  }
0x6b: {  	_ =	swait.ge [sflag:s24], $0x4000  }
0x6c: {  	[sflag:s24] =	ssyncset.done $0x0  }
0x6d: {  	[sflag:s24] =	ssyncadd.s32 $0xFFFFC000  }
0x6e: {  	[spmem:s2] =	stream.indirect.scatter.add.f32 [tilespmem:s15], [sflag:$0x2], $0x80, s16, s16, $0xb8;
	[tilespmem:$0x1FF00] =	vst v63  }
0x6f: {  	_ = 	snop  }
0x70: {  	[spmem:s2] =	stream.indirect.scatter.add.f32 [tilespmem:s21], [sflag:$0x2], $0x80, s17, s16, $0xb8;
	[tilespmem:$0x1FF00] =	vst v63  }
0x71: {  	_ = 	snop  }
0x72: {  	[spmem:s2] =	stream.indirect.scatter.add.f32 [tilespmem:s23], [sflag:$0x2], $0x80, s18, s16, $0xb8;
	[tilespmem:$0x1FF00] =	vst v63  }
0x73: {  	_ =	swait.ge [sflag:s19], $0x4000  }
0x74: {  	[sflag:s19] =	ssyncset.done $0x0  }
0x75: {  	[sflag:s19] =	ssyncadd.s32 $0xFFFFC000  }
0x76: {  	_ =	swait.ge [sflag:s19], $0x4000  }
0x77: {  	[sflag:s19] =	ssyncset.done $0x0  }
0x78: {  	[sflag:s19] =	ssyncadd.s32 $0xFFFFC000  }
0x79: {  	_ =	swait.ge [sflag:s19], $0x4000  }
0x7a: {  	[sflag:s19] =	ssyncset.done $0x0  }
0x7b: {  	s26 =	sadd.s32 $0x60, s12;
	[sflag:s19] =	ssyncadd.s32 $0xFFFFC000  }
0x7c: {  	[tilespmem:s3], [sflag:$0x3] =	stream.linear.gather [hbm4b:s26+s3], $0x300, $0x38;
	[tilespmem:$0x1FF00] =	vst v63  }
0x7d: {  	_ =	swait.ge [sflag:s14], $0x300  }
0x7e: {  	[sflag:s14] =	ssyncset.done $0x0  }
0x7f: {  	[sflag:s14] =	ssyncadd.s32 $0xFFFFFD00  }
0x80: {  	[tilespmem:s15], [sflag:$0x1] =	stream.indirect.gather [hbm4b:s4+s16], $0x80, s3, s16, $0xb8;
	[tilespmem:$0x1FF00] =	vst v63  }
0x81: {  	_ = 	snop  }
0x82: {  	[tilespmem:s21], [sflag:$0x1] =	stream.indirect.gather [hbm4b:s4+s16], $0x80, s20, s16, $0xb8;
	[tilespmem:$0x1FF00] =	vst v63  }
0x83: {  	_ = 	snop  }
0x84: {  	[tilespmem:s23], [sflag:$0x1] =	stream.indirect.gather [hbm4b:s4+s16], $0x80, s22, s16, $0xb8;
	[tilespmem:$0x1FF00] =	vst v63  }
0x85: {  	_ =	swait.ge [sflag:s24], $0x4000  }
0x86: {  	[sflag:s24] =	ssyncset.done $0x0  }
0x87: {  	[sflag:s24] =	ssyncadd.s32 $0xFFFFC000  }
0x88: {  	_ =	swait.ge [sflag:s24], $0x4000  }
0x89: {  	[sflag:s24] =	ssyncset.done $0x0  }
0x8a: {  	[sflag:s24] =	ssyncadd.s32 $0xFFFFC000  }
0x8b: {  	_ =	swait.ge [sflag:s24], $0x4000  }
0x8c: {  	[sflag:s24] =	ssyncset.done $0x0  }
0x8d: {  	[sflag:s24] =	ssyncadd.s32 $0xFFFFC000  }
0x8e: {  	[spmem:s2] =	stream.indirect.scatter.add.f32 [tilespmem:s15], [sflag:$0x2], $0x80, s16, s16, $0xb8;
	[tilespmem:$0x1FF00] =	vst v63  }
0x8f: {  	s26 =	simm.s32 $0xC0  }
0x90: {  	[spmem:s2] =	stream.indirect.scatter.add.f32 [tilespmem:s21], [sflag:$0x2], $0x80, s17, s16, $0xb8;
	[tilespmem:$0x1FF00] =	vst v63  }
.LBB2_4:
0x91: {  	[spmem:s2] =	stream.indirect.scatter.add.f32 [tilespmem:s23], [sflag:$0x2], $0x80, s18, s16, $0xb8;
	[tilespmem:$0x1FF00] =	vst v63  }
0x92: {  	s28 =	smov.u32 s26  }
0x93: {  	p0 =	sne.s32 s26, $0x1380;
	s26 =	sadd.s32 $0x60, s26;
	_ =	swait.ge [sflag:s19], $0x4000  }
0x94: {  	[sflag:s19] =	ssyncset.done $0x0  }
0x95: {  	[sflag:s19] =	ssyncadd.s32 $0xFFFFC000  }
0x96: {  	_ =	swait.ge [sflag:s19], $0x4000  }
0x97: {  	[sflag:s19] =	ssyncset.done $0x0  }
0x98: {  	[sflag:s19] =	ssyncadd.s32 $0xFFFFC000  }
0x99: {  	_ =	swait.ge [sflag:s19], $0x4000  }
0x9a: {  	[sflag:s19] =	ssyncset.done $0x0  }
0x9b: {  	s28 =	sadd.s32 s28, s12;
	[sflag:s19] =	ssyncadd.s32 $0xFFFFC000  }
0x9c: {  	[tilespmem:s3], [sflag:$0x3] =	stream.linear.gather [hbm4b:s28+s3], $0x300, $0x38;
	[tilespmem:$0x1FF00] =	vst v63  }
0x9d: {  	_ =	swait.ge [sflag:s14], $0x300  }
0x9e: {  	[sflag:s14] =	ssyncset.done $0x0  }
0x9f: {  	[sflag:s14] =	ssyncadd.s32 $0xFFFFFD00  }
0xa0: {  	[tilespmem:s15], [sflag:$0x1] =	stream.indirect.gather [hbm4b:s4+s16], $0x80, s3, s16, $0xb8;
	[tilespmem:$0x1FF00] =	vst v63  }
0xa1: {  	_ = 	snop  }
0xa2: {  	[tilespmem:s21], [sflag:$0x1] =	stream.indirect.gather [hbm4b:s4+s16], $0x80, s20, s16, $0xb8;
	[tilespmem:$0x1FF00] =	vst v63  }
0xa3: {  	_ = 	snop  }
0xa4: {  	[tilespmem:s23], [sflag:$0x1] =	stream.indirect.gather [hbm4b:s4+s16], $0x80, s22, s16, $0xb8;
	[tilespmem:$0x1FF00] =	vst v63  }
0xa5: {  	_ =	swait.ge [sflag:s24], $0x4000  }
0xa6: {  	[sflag:s24] =	ssyncset.done $0x0  }
0xa7: {  	[sflag:s24] =	ssyncadd.s32 $0xFFFFC000  }
0xa8: {  	_ =	swait.ge [sflag:s24], $0x4000  }
0xa9: {  	[sflag:s24] =	ssyncset.done $0x0  }
0xaa: {  	[sflag:s24] =	ssyncadd.s32 $0xFFFFC000  }
0xab: {  	_ =	swait.ge [sflag:s24], $0x4000  }
.Ltmp1:
0xac: {  	[sflag:s24] =	ssyncset.done $0x0;
	(pc) =	sbr.rel @p0 .LBB2_4-.Ltmp1, $4  }
0xad: {  	[sflag:s24] =	ssyncadd.s32 $0xFFFFC000  }
0xae: {  	[spmem:s2] =	stream.indirect.scatter.add.f32 [tilespmem:s15], [sflag:$0x2], $0x80, s16, s16, $0xb8;
	[tilespmem:$0x1FF00] =	vst v63  }
0xaf: {  	_ = 	snop  }
0xb0: {  	[spmem:s2] =	stream.indirect.scatter.add.f32 [tilespmem:s21], [sflag:$0x2], $0x80, s17, s16, $0xb8;
	[tilespmem:$0x1FF00] =	vst v63  }
0xb1: {  	[spmem:s2] =	stream.indirect.scatter.add.f32 [tilespmem:s23], [sflag:$0x2], $0x80, s18, s16, $0xb8;
	[tilespmem:$0x1FF00] =	vst v63  }
0xb2: {  	_ =	swait.ge [sflag:s19], $0x4000  }
0xb3: {  	[sflag:s19] =	ssyncset.done $0x0  }
0xb4: {  	[sflag:s19] =	ssyncadd.s32 $0xFFFFC000  }
0xb5: {  	_ =	swait.ge [sflag:s19], $0x4000  }
0xb6: {  	[sflag:s19] =	ssyncset.done $0x0  }
0xb7: {  	[sflag:s19] =	ssyncadd.s32 $0xFFFFC000  }
0xb8: {  	_ =	swait.ge [sflag:s19], $0x4000  }
0xb9: {  	s25 =	sadd.s32 $0x1, s25;
	[sflag:s19] =	ssyncset.done $0x0  }
0xba: {  	p0 =	sne.s32 s25, s10;
	[sflag:s19] =	ssyncadd.s32 $0xFFFFC000  }
.Ltmp2:
0xbb: {  	[bflag:$0x0] =	sbarrier.arrive $0xFFFF;
	(pc) =	sbr.rel @p0 .LBB2_1-.Ltmp2, $4  }
0xbc: {  	[hbm:s9], [sflag:s7] =	dma.local [spmem:s13], $0x2780  }
0xbd: {  	_ =	swait.ge [sflag:s14], $0x2780  }
0xbe: {  	[sflag:s14] =	ssyncset.done $0x0  }
0xbf: {  	[sflag:s14] =	ssyncadd.s32 $0xFFFFD880  }
0xc0: {  	_ =	sfence.sel $0x180000  }
0xc1: {  	[bflag:$0x0] =	sbarrier.arrive $0xFFFF  }
0xc2: {  	p0 =	sne.s32 s1, $0x0;
	_ =	strace $0x90000047  }
0xc3: {  	s0 =	sadd.s32 @!p0 $0x100000, s0;
	[bflag:$0x2] =	sbarrier.arrive $0xFFFF  }
0xc4: {  	[sflag:s0] =	ssyncadd.tile.s32 @!p0 $0x1;
	_ =	shalt  }
.Lfunc_end2:
_tile_overlayer_lowered:
.L_overlay_start_2:
0xc5: {  	(tag) =	ssettag $0x2  }
0xc6: {  	s0 =	rddreg [dreg:$0x0];
	s2 =	stileid.u32  }
0xc7: {  	s1 =	rddreg [dreg:$0x1];
	p0 =	sne.s32 s2, $0x0  }
0xc8: {  	s3 =	rddreg [dreg:$0x2];
	[bflag:$0x3] =	sbarrier.arrive $0xFFFF;
	s2 =	simm.s32 @!p0 $0x1C03  }
0xc9: {  	[timem:s3], [sflag:s2] =	dma.local @!p0 [hbm:s0], s1  }
0xca: {  	s0 =	simm.s32 @!p0 $0x3  }
0xcb: {  	_ =	swait.ge @!p0 [sflag:s0], s1  }
0xcc: {  	s1 =	ssub.s32 @!p0 $0x0, s1;
	[sflag:s0] =	ssyncset.done @!p0 $0x0  }
0xcd: {  	[sflag:s0] =	ssyncadd.s32 @!p0 s1  }
0xce: {  	[bflag:$0x3] =	sbarrier.arrive $0xFFFF  }
0xcf: {  	_ =	shalt  }

</sc_bundles>
